<compile_context>
chip_gen: v7x
topology: tpu7x:2x2x1
jax: 0.10.2.dev20260603
libtpu: 0.0.44.dev20260713+nightly
codegen_flags: <defaults>
</compile_context>

<pallas_src>
import functools

import jax
import jax.numpy as jnp
from jax import lax
from jax.experimental import pallas as pl
from jax.experimental.pallas import tpu as pltpu
from jax.experimental.pallas import tpu_sc as plsc

N_NODES_C = 10000
N_PAD = 10240
N_EDGES_C = 320000
D1 = 128
DH = 64
W1TAB = 80

NC = 2
NS = 16
NW = NC * NS
EDGES_PER_TILE = N_EDGES_C // NW
CHUNK = 125
N_CHUNKS = EDGES_PER_TILE // CHUNK
ROWS_PER_TILE = N_PAD // NS



def _tc1_body(x_ref, w1_ref, out_ref):
    mm = jnp.dot(x_ref[...], w1_ref[...], preferred_element_type=jnp.float32)
    n = mm.shape[0]
    col = lax.broadcasted_iota(jnp.int32, (n, W1TAB - DH), 1)
    extra = jnp.where(col == 0, 1.0, 0.0).astype(jnp.float32)
    out_ref[...] = jnp.concatenate([mm, extra], axis=1)


def _tc2_body(agg_ref, w2_ref, b1_ref, t2_ref):
    agg = (agg_ref[0] + agg_ref[1])[:N_NODES_C]
    deg = jnp.maximum(agg[:, DH:DH + 1], 1.0)
    h1 = jax.nn.relu(agg[:, :DH] / deg + b1_ref[...])
    t2_ref[...] = jnp.dot(h1, w2_ref[...], preferred_element_type=jnp.float32)


def _tc3_body(agg2_ref, agg1_ref, b2_ref, wc_ref, bc_ref, out_ref):
    agg = (agg2_ref[0] + agg2_ref[1])[:N_NODES_C]
    dcol = (agg1_ref[0] + agg1_ref[1])[:N_NODES_C]
    deg = jnp.maximum(dcol[:, DH:DH + 1], 1.0)
    h2 = jax.nn.relu(agg / deg + b2_ref[...])
    hg = jnp.sum(h2, axis=0, keepdims=True) / N_NODES_C
    out_ref[...] = jnp.sum(hg * wc_ref[...], axis=1, keepdims=True) + bc_ref[...]



def _nbuf(width):
    return 8 if width <= 64 else 5


def _sc_agg_body(width, table, edges, out, acc, ibig, zbuf, rbufs, gsems, ssems):
    NBUF = _nbuf(width)
    c = lax.axis_index("c")
    s = lax.axis_index("s")
    wid = c * NS + s
    rbase = s * ROWS_PER_TILE

    def start_gather(g, b):
        pltpu.async_copy(table.at[ibig.at[0, g]], rbufs[b], gsems[b])

    def start_scatter(g, b):
        pltpu.make_async_copy(table.at[ibig.at[0, g]], rbufs[b], gsems[b]).wait()
        pltpu.async_copy(rbufs[b], acc.at[ibig.at[1, g]], ssems[b], add=True)

    def wait_scatter(g, b):
        pltpu.make_async_copy(rbufs[b], acc.at[ibig.at[1, g]], ssems[b]).wait()

    ia = pltpu.async_copy(edges.at[0, wid], ibig.at[0], gsems[0])
    ib = pltpu.async_copy(edges.at[1, wid], ibig.at[1], gsems[1])

    @pl.loop(0, 64)
    def _z(i):
        for j in range(width // 16):
            zbuf[i, pl.ds(j * 16, 16)] = jnp.zeros((16,), jnp.float32)

    ia.wait()
    ib.wait()
    for b in range(NBUF):
        start_gather(b, b)
    for k in range(ROWS_PER_TILE // 64):
        pltpu.sync_copy(zbuf, acc.at[pl.ds(rbase + k * 64, 64)])
    plsc.subcore_barrier()

    @pl.loop(0, N_CHUNKS - NBUF, step=NBUF)
    def _chunks(i):
        for b in range(NBUF):
            start_scatter(i + b, b)
        for b in range(NBUF):
            wait_scatter(i + b, b)
            start_gather(i + b + NBUF, b)

    tail = N_CHUNKS - NBUF
    for b in range(NBUF):
        start_scatter(tail + b, b)
    for b in range(NBUF):
        wait_scatter(tail + b, b)

    plsc.subcore_barrier()
    pltpu.sync_copy(acc.at[pl.ds(rbase, ROWS_PER_TILE)],
                    out.at[c, pl.ds(rbase, ROWS_PER_TILE)])


def _make_sc_agg(width):
    mesh = plsc.VectorSubcoreMesh(core_axis_name="c", subcore_axis_name="s")
    nbuf = _nbuf(width)
    return pl.kernel(
        functools.partial(_sc_agg_body, width),
        out_type=jax.ShapeDtypeStruct((NC, N_PAD, width), jnp.float32),
        mesh=mesh,
        scratch_types=[
            pltpu.VMEM_SHARED((N_PAD, width), jnp.float32),
            pltpu.VMEM((2, N_CHUNKS, CHUNK), jnp.int32),
            pltpu.VMEM((64, width), jnp.float32),
            [pltpu.VMEM((CHUNK, width), jnp.float32) for _ in range(nbuf)],
            [pltpu.SemaphoreType.DMA for _ in range(nbuf)],
            [pltpu.SemaphoreType.DMA for _ in range(nbuf)],
        ],
        compiler_params=pltpu.CompilerParams(use_tc_tiling_on_sc=False),
    )


_sc_agg_80 = _make_sc_agg(W1TAB)
_sc_agg_64 = _make_sc_agg(DH)



def kernel(x, edge_index, W1, b1, W2, b2, Wc, bc):
    edges = edge_index.astype(jnp.int32).reshape(2, NW, N_CHUNKS, CHUNK)

    t1 = pl.pallas_call(
        _tc1_body,
        out_shape=jax.ShapeDtypeStruct((N_NODES_C, W1TAB), jnp.float32),
    )(x, W1)

    agg1 = _sc_agg_80(t1, edges)

    t2 = pl.pallas_call(
        _tc2_body,
        out_shape=jax.ShapeDtypeStruct((N_NODES_C, DH), jnp.float32),
    )(agg1, W2, b1.reshape(1, DH))

    agg2 = _sc_agg_64(t2, edges)

    out = pl.pallas_call(
        _tc3_body,
        out_shape=jax.ShapeDtypeStruct((1, 1), jnp.float32),
    )(agg2, agg1, b2.reshape(1, DH), Wc.reshape(1, DH), bc.reshape(1, 1))
    return out

# --- scband reference (transcript-rebuilt; emitter-appended) ---
"""Pipeline reference for scband-simple-gcnclassifier-35107062678357 (READ-ONLY COPY).

The authoritative reference and input builder live on the scoring server;
editing this copy changes nothing except your own understanding.
"""

import jax, jax.numpy as jnp
import numpy as np

N_NODES = 10000
N_EDGES = 320000
D_FEAT = 128
N_HIDDEN = 64
N_OUT = 1


def setup_inputs(seed: int = 0) -> dict:
    key = jax.random.key(seed)
    ks = jax.random.split(key, 8)
    x = jax.random.normal(ks[0], (N_NODES, D_FEAT), dtype=jnp.float32)
    edge_index = jax.random.randint(ks[1], (2, N_EDGES), 0, N_NODES, dtype=jnp.int64)
    # parameters (torch nn.Linear style: y = x @ W.T + b; here we store W already transposed)
    W1 = jax.random.normal(ks[2], (D_FEAT, N_HIDDEN), dtype=jnp.float32) / np.sqrt(D_FEAT)
    b1 = jnp.zeros((N_HIDDEN,), dtype=jnp.float32)
    W2 = jax.random.normal(ks[3], (N_HIDDEN, N_HIDDEN), dtype=jnp.float32) / np.sqrt(N_HIDDEN)
    b2 = jnp.zeros((N_HIDDEN,), dtype=jnp.float32)
    Wc = jax.random.normal(ks[4], (N_HIDDEN, N_OUT), dtype=jnp.float32) / np.sqrt(N_HIDDEN)
    bc = jnp.zeros((N_OUT,), dtype=jnp.float32)
    return {"x": x, "edge_index": edge_index, "W1": W1, "b1": b1, "W2": W2, "b2": b2, "Wc": Wc, "bc": bc}


def reference(x, edge_index, W1, b1, W2, b2, Wc, bc):
    src = edge_index[0]
    dst = edge_index[1]
    n = x.shape[0]

    def conv(h, W, b):
        # message: m = h[src]; reduce: mean over mailbox at dst
        msg = jnp.take(h, src, axis=0)
        agg = jax.ops.segment_sum(msg, dst, num_segments=n)
        deg = jax.ops.segment_sum(jnp.ones((src.shape[0],), dtype=h.dtype), dst, num_segments=n)
        agg = agg / jnp.maximum(deg, 1.0)[:, None]
        # node_update: linear + relu
        return jax.nn.relu(agg @ W + b)

    h = conv(x, W1, b1)
    h = conv(h, W2, b2)
    # dgl.mean_nodes over single graph -> [1, n_hidden]
    hg = jnp.mean(h, axis=0, keepdims=True)
    return hg @ Wc + bc

if __name__ == "__main__":
    import jax
    _d = setup_inputs()
    print(jax.jit(kernel)(*tuple(_d.values())))

</pallas_src>

<mosaic_0001>
#map = affine_map<(d0, d1) -> (0, 0)>
#map1 = affine_map<(d0, d1) -> (0, 0, 0, 0)>
#map2 = affine_map<(d0, d1) -> (0, 0, 0)>
module attributes {stable_mosaic.version = 14 : i64} {
  func.func @_sc_agg_body(%arg0: i32, %arg1: i32, %arg2: memref<10000x64xf32, #tpu.memory_space<hbm>>, %arg3: memref<2x32x80x125xi32, #tpu.memory_space<hbm>>, %arg4: memref<2x10240x64xf32, #tpu.memory_space<hbm>>, %arg5: memref<10240x64xf32, #tpu.memory_space<vmem_shared>>, %arg6: memref<2x80x125xi32, #tpu.memory_space<vmem>>, %arg7: memref<64x64xf32, #tpu.memory_space<vmem>>, %arg8: memref<125x64xf32, #tpu.memory_space<vmem>>, %arg9: memref<125x64xf32, #tpu.memory_space<vmem>>, %arg10: memref<125x64xf32, #tpu.memory_space<vmem>>, %arg11: memref<125x64xf32, #tpu.memory_space<vmem>>, %arg12: memref<125x64xf32, #tpu.memory_space<vmem>>, %arg13: memref<125x64xf32, #tpu.memory_space<vmem>>, %arg14: memref<125x64xf32, #tpu.memory_space<vmem>>, %arg15: memref<125x64xf32, #tpu.memory_space<vmem>>, %arg16: memref<!tpu.dma_semaphore, #tpu.memory_space<semaphore_mem>>, %arg17: memref<!tpu.dma_semaphore, #tpu.memory_space<semaphore_mem>>, %arg18: memref<!tpu.dma_semaphore, #tpu.memory_space<semaphore_mem>>, %arg19: memref<!tpu.dma_semaphore, #tpu.memory_space<semaphore_mem>>, %arg20: memref<!tpu.dma_semaphore, #tpu.memory_space<semaphore_mem>>, %arg21: memref<!tpu.dma_semaphore, #tpu.memory_space<semaphore_mem>>, %arg22: memref<!tpu.dma_semaphore, #tpu.memory_space<semaphore_mem>>, %arg23: memref<!tpu.dma_semaphore, #tpu.memory_space<semaphore_mem>>, %arg24: memref<!tpu.dma_semaphore, #tpu.memory_space<semaphore_mem>>, %arg25: memref<!tpu.dma_semaphore, #tpu.memory_space<semaphore_mem>>, %arg26: memref<!tpu.dma_semaphore, #tpu.memory_space<semaphore_mem>>, %arg27: memref<!tpu.dma_semaphore, #tpu.memory_space<semaphore_mem>>, %arg28: memref<!tpu.dma_semaphore, #tpu.memory_space<semaphore_mem>>, %arg29: memref<!tpu.dma_semaphore, #tpu.memory_space<semaphore_mem>>, %arg30: memref<!tpu.dma_semaphore, #tpu.memory_space<semaphore_mem>>, %arg31: memref<!tpu.dma_semaphore, #tpu.memory_space<semaphore_mem>>) attributes {dimension_semantics = [#tpu.dimension_semantics<core_parallel>, #tpu.dimension_semantics<subcore_parallel>], iteration_bounds = array<i64: 2, 16>, scalar_prefetch = 0 : i64, scratch_operands = 27 : i64, tpu.core_type = #tpu.core_type<sc_vector_subcore>, window_params = [{transform_indices = #map}, {transform_indices = #map1}, {transform_indices = #map2}]} {
    %mul3A = arith.constant 16 : i32
    %mul3A_0 = arith.muli %arg0, %mul3A : i32
    %add3A = arith.addi %mul3A_0, %arg1 : i32
    %mul3A_1 = arith.constant 640 : i32
    %mul3A_2 = arith.muli %arg1, %mul3A_1 : i32
    %dma_start3A = arith.constant 0 : i32
    %dma_start3A_3 = arith.constant 0 : i32
    %dma_start3A_4 = arith.constant 0 : i32
    %dma_start3A_5 = arith.constant 0 : i32
    %dma_start3A_6 = tpu.memref_slice %arg6[%dma_start3A_3, %dma_start3A_4, %dma_start3A_5] : memref<2x80x125xi32, #tpu.memory_space<vmem>> -> memref<1x80x125xi32, #tpu.memory_space<vmem>>
    %dma_start3A_7 = tpu.memref_squeeze %dma_start3A_6 : memref<1x80x125xi32, #tpu.memory_space<vmem>> -> memref<80x125xi32, #tpu.memory_space<vmem>>
    %dma_start3A_8 = arith.constant 0 : i32
    %dma_start3A_9 = arith.constant 0 : i32
    %dma_start3A_10 = tpu.memref_slice %arg3[%dma_start3A, %add3A, %dma_start3A_8, %dma_start3A_9] : memref<2x32x80x125xi32, #tpu.memory_space<hbm>> -> memref<1x1x80x125xi32, #tpu.memory_space<hbm>>
    %dma_start3A_11 = tpu.memref_squeeze %dma_start3A_10 : memref<1x1x80x125xi32, #tpu.memory_space<hbm>> -> memref<80x125xi32, #tpu.memory_space<hbm>>
    %dma_start3A_12 = arith.constant 0 : i32
    %dma_start3A_13 = arith.constant 0 : i32
    %dma_start3A_14 = tpu.memref_slice %arg6[%dma_start3A_3, %dma_start3A_12, %dma_start3A_13] : memref<2x80x125xi32, #tpu.memory_space<vmem>> -> memref<1x80x125xi32, #tpu.memory_space<vmem>>
    %dma_start3A_15 = tpu.memref_squeeze %dma_start3A_14 : memref<1x80x125xi32, #tpu.memory_space<vmem>> -> memref<80x125xi32, #tpu.memory_space<vmem>>
    %dma_start3A_16 = arith.constant 0 : i32
    %dma_start3A_17 = arith.constant 0 : i32
    %dma_start3A_18 = tpu.memref_slice %arg3[%dma_start3A, %add3A, %dma_start3A_16, %dma_start3A_17] : memref<2x32x80x125xi32, #tpu.memory_space<hbm>> -> memref<1x1x80x125xi32, #tpu.memory_space<hbm>>
    %dma_start3A_19 = tpu.memref_squeeze %dma_start3A_18 : memref<1x1x80x125xi32, #tpu.memory_space<hbm>> -> memref<80x125xi32, #tpu.memory_space<hbm>>
    tpu.enqueue_dma source(%dma_start3A_19 : memref<80x125xi32, #tpu.memory_space<hbm>>) target(%dma_start3A_15 : memref<80x125xi32, #tpu.memory_space<vmem>>) target_semaphore(%arg16 : memref<!tpu.dma_semaphore, #tpu.memory_space<semaphore_mem>>)
    %dma_start3A_20 = arith.constant 1 : i32
    %dma_start3A_21 = arith.constant 1 : i32
    %dma_start3A_22 = arith.constant 0 : i32
    %dma_start3A_23 = arith.constant 0 : i32
    %dma_start3A_24 = tpu.memref_slice %arg6[%dma_start3A_21, %dma_start3A_22, %dma_start3A_23] : memref<2x80x125xi32, #tpu.memory_space<vmem>> -> memref<1x80x125xi32, #tpu.memory_space<vmem>>
    %dma_start3A_25 = tpu.memref_squeeze %dma_start3A_24 : memref<1x80x125xi32, #tpu.memory_space<vmem>> -> memref<80x125xi32, #tpu.memory_space<vmem>>
    %dma_start3A_26 = arith.constant 0 : i32
    %dma_start3A_27 = arith.constant 0 : i32
    %dma_start3A_28 = tpu.memref_slice %arg3[%dma_start3A_20, %add3A, %dma_start3A_26, %dma_start3A_27] : memref<2x32x80x125xi32, #tpu.memory_space<hbm>> -> memref<1x1x80x125xi32, #tpu.memory_space<hbm>>
    %dma_start3A_29 = tpu.memref_squeeze %dma_start3A_28 : memref<1x1x80x125xi32, #tpu.memory_space<hbm>> -> memref<80x125xi32, #tpu.memory_space<hbm>>
    %dma_start3A_30 = arith.constant 0 : i32
    %dma_start3A_31 = arith.constant 0 : i32
    %dma_start3A_32 = tpu.memref_slice %arg6[%dma_start3A_21, %dma_start3A_30, %dma_start3A_31] : memref<2x80x125xi32, #tpu.memory_space<vmem>> -> memref<1x80x125xi32, #tpu.memory_space<vmem>>
    %dma_start3A_33 = tpu.memref_squeeze %dma_start3A_32 : memref<1x80x125xi32, #tpu.memory_space<vmem>> -> memref<80x125xi32, #tpu.memory_space<vmem>>
    %dma_start3A_34 = arith.constant 0 : i32
    %dma_start3A_35 = arith.constant 0 : i32
    %dma_start3A_36 = tpu.memref_slice %arg3[%dma_start3A_20, %add3A, %dma_start3A_34, %dma_start3A_35] : memref<2x32x80x125xi32, #tpu.memory_space<hbm>> -> memref<1x1x80x125xi32, #tpu.memory_space<hbm>>
    %dma_start3A_37 = tpu.memref_squeeze %dma_start3A_36 : memref<1x1x80x125xi32, #tpu.memory_space<hbm>> -> memref<80x125xi32, #tpu.memory_space<hbm>>
    tpu.enqueue_dma source(%dma_start3A_37 : memref<80x125xi32, #tpu.memory_space<hbm>>) target(%dma_start3A_33 : memref<80x125xi32, #tpu.memory_space<vmem>>) target_semaphore(%arg17 : memref<!tpu.dma_semaphore, #tpu.memory_space<semaphore_mem>>)
    %scan3A = arith.constant 0 : i32
    %scan3A_38 = arith.constant 64 : i32
    %scan3A_39 = arith.addi %scan3A, %scan3A_38 : i32
    %scan3A_40 = arith.constant 1 : i32
    scf.for %scan3A_359 = %scan3A to %scan3A_39 step %scan3A_40  : i32 {
      %mul3A_360 = arith.constant 1 : i32
      %mul3A_361 = arith.muli %scan3A_359, %mul3A_360 : i32
      %add3A_362 = arith.constant 0 : i32
      %add3A_363 = arith.addi %add3A_362, %mul3A_361 : i32
      %broadcast_in_dim3A = arith.constant 0.000000e+00 : f32
      %broadcast_in_dim3A_364 = vector.broadcast %broadcast_in_dim3A : f32 to vector<16xf32>
      %swap3A = arith.index_cast %add3A_363 : i32 to index
      %swap3A_365 = arith.constant 0 : index
      %swap3A_366 = tpu.vector_load %arg7[%swap3A, %swap3A_365] {strides = array<i32>} : memref<64x64xf32, #tpu.memory_space<vmem>>, vector<1x16xf32>,
      %swap3A_367 = vector.shape_cast %swap3A_366 : vector<1x16xf32> to vector<16xf32>
      %swap3A_368 = vector.shape_cast %broadcast_in_dim3A_364 : vector<16xf32> to vector<1x16xf32>
      tpu.vector_store %arg7[%swap3A, %swap3A_365], %swap3A_368 {strides = array<i32>} : memref<64x64xf32, #tpu.memory_space<vmem>>, vector<1x16xf32>,
      %broadcast_in_dim3A_369 = arith.constant 0.000000e+00 : f32
      %broadcast_in_dim3A_370 = vector.broadcast %broadcast_in_dim3A_369 : f32 to vector<16xf32>
      %swap3A_371 = arith.index_cast %add3A_363 : i32 to index
      %swap3A_372 = arith.constant 16 : index
      %swap3A_373 = tpu.vector_load %arg7[%swap3A_371, %swap3A_372] {strides = array<i32>} : memref<64x64xf32, #tpu.memory_space<vmem>>, vector<1x16xf32>,
      %swap3A_374 = vector.shape_cast %swap3A_373 : vector<1x16xf32> to vector<16xf32>
      %swap3A_375 = vector.shape_cast %broadcast_in_dim3A_370 : vector<16xf32> to vector<1x16xf32>
      tpu.vector_store %arg7[%swap3A_371, %swap3A_372], %swap3A_375 {strides = array<i32>} : memref<64x64xf32, #tpu.memory_space<vmem>>, vector<1x16xf32>,
      %broadcast_in_dim3A_376 = arith.constant 0.000000e+00 : f32
      %broadcast_in_dim3A_377 = vector.broadcast %broadcast_in_dim3A_376 : f32 to vector<16xf32>
      %swap3A_378 = arith.index_cast %add3A_363 : i32 to index
      %swap3A_379 = arith.constant 32 : index
      %swap3A_380 = tpu.vector_load %arg7[%swap3A_378, %swap3A_379] {strides = array<i32>} : memref<64x64xf32, #tpu.memory_space<vmem>>, vector<1x16xf32>,
      %swap3A_381 = vector.shape_cast %swap3A_380 : vector<1x16xf32> to vector<16xf32>
      %swap3A_382 = vector.shape_cast %broadcast_in_dim3A_377 : vector<16xf32> to vector<1x16xf32>
      tpu.vector_store %arg7[%swap3A_378, %swap3A_379], %swap3A_382 {strides = array<i32>} : memref<64x64xf32, #tpu.memory_space<vmem>>, vector<1x16xf32>,
      %broadcast_in_dim3A_383 = arith.constant 0.000000e+00 : f32
      %broadcast_in_dim3A_384 = vector.broadcast %broadcast_in_dim3A_383 : f32 to vector<16xf32>
      %swap3A_385 = arith.index_cast %add3A_363 : i32 to index
      %swap3A_386 = arith.constant 48 : index
      %swap3A_387 = tpu.vector_load %arg7[%swap3A_385, %swap3A_386] {strides = array<i32>} : memref<64x64xf32, #tpu.memory_space<vmem>>, vector<1x16xf32>,
      %swap3A_388 = vector.shape_cast %swap3A_387 : vector<1x16xf32> to vector<16xf32>
      %swap3A_389 = vector.shape_cast %broadcast_in_dim3A_384 : vector<16xf32> to vector<1x16xf32>
      tpu.vector_store %arg7[%swap3A_385, %swap3A_386], %swap3A_389 {strides = array<i32>} : memref<64x64xf32, #tpu.memory_space<vmem>>, vector<1x16xf32>,
    }
    %scan3A_41 = arith.constant 64 : i32
    %dma_wait3A = arith.constant 0 : i32
    %dma_wait3A_42 = arith.constant 0 : i32
    %dma_wait3A_43 = arith.constant 0 : i32
    %dma_wait3A_44 = arith.constant 0 : i32
    %dma_wait3A_45 = tpu.memref_slice %arg6[%dma_wait3A_42, %dma_wait3A_43, %dma_wait3A_44] : memref<2x80x125xi32, #tpu.memory_space<vmem>> -> memref<1x80x125xi32, #tpu.memory_space<vmem>>
    %dma_wait3A_46 = tpu.memref_squeeze %dma_wait3A_45 : memref<1x80x125xi32, #tpu.memory_space<vmem>> -> memref<80x125xi32, #tpu.memory_space<vmem>>
    %dma_wait3A_47 = arith.constant 0 : i32
    %dma_wait3A_48 = arith.constant 0 : i32
    %dma_wait3A_49 = tpu.memref_slice %arg3[%dma_wait3A, %add3A, %dma_wait3A_47, %dma_wait3A_48] : memref<2x32x80x125xi32, #tpu.memory_space<hbm>> -> memref<1x1x80x125xi32, #tpu.memory_space<hbm>>
    %dma_wait3A_50 = tpu.memref_squeeze %dma_wait3A_49 : memref<1x1x80x125xi32, #tpu.memory_space<hbm>> -> memref<80x125xi32, #tpu.memory_space<hbm>>
    %dma_wait3A_51 = arith.constant 0 : i32
    %dma_wait3A_52 = arith.constant 0 : i32
    %dma_wait3A_53 = tpu.memref_slice %arg6[%dma_wait3A_42, %dma_wait3A_51, %dma_wait3A_52] : memref<2x80x125xi32, #tpu.memory_space<vmem>> -> memref<1x80x125xi32, #tpu.memory_space<vmem>>
    %dma_wait3A_54 = tpu.memref_squeeze %dma_wait3A_53 : memref<1x80x125xi32, #tpu.memory_space<vmem>> -> memref<80x125xi32, #tpu.memory_space<vmem>>
    %dma_wait3A_55 = arith.constant 0 : i32
    %dma_wait3A_56 = arith.constant 0 : i32
    %dma_wait3A_57 = tpu.memref_slice %arg3[%dma_wait3A, %add3A, %dma_wait3A_55, %dma_wait3A_56] : memref<2x32x80x125xi32, #tpu.memory_space<hbm>> -> memref<1x1x80x125xi32, #tpu.memory_space<hbm>>
    %dma_wait3A_58 = tpu.memref_squeeze %dma_wait3A_57 : memref<1x1x80x125xi32, #tpu.memory_space<hbm>> -> memref<80x125xi32, #tpu.memory_space<hbm>>
    tpu.wait_dma2 semaphore(%arg16 : memref<!tpu.dma_semaphore, #tpu.memory_space<semaphore_mem>>) src(%dma_wait3A_58 : memref<80x125xi32, #tpu.memory_space<hbm>>) dst(%dma_wait3A_54 : memref<80x125xi32, #tpu.memory_space<vmem>>)
    %dma_wait3A_59 = arith.constant 1 : i32
    %dma_wait3A_60 = arith.constant 1 : i32
    %dma_wait3A_61 = arith.constant 0 : i32
    %dma_wait3A_62 = arith.constant 0 : i32
    %dma_wait3A_63 = tpu.memref_slice %arg6[%dma_wait3A_60, %dma_wait3A_61, %dma_wait3A_62] : memref<2x80x125xi32, #tpu.memory_space<vmem>> -> memref<1x80x125xi32, #tpu.memory_space<vmem>>
    %dma_wait3A_64 = tpu.memref_squeeze %dma_wait3A_63 : memref<1x80x125xi32, #tpu.memory_space<vmem>> -> memref<80x125xi32, #tpu.memory_space<vmem>>
    %dma_wait3A_65 = arith.constant 0 : i32
    %dma_wait3A_66 = arith.constant 0 : i32
    %dma_wait3A_67 = tpu.memref_slice %arg3[%dma_wait3A_59, %add3A, %dma_wait3A_65, %dma_wait3A_66] : memref<2x32x80x125xi32, #tpu.memory_space<hbm>> -> memref<1x1x80x125xi32, #tpu.memory_space<hbm>>
    %dma_wait3A_68 = tpu.memref_squeeze %dma_wait3A_67 : memref<1x1x80x125xi32, #tpu.memory_space<hbm>> -> memref<80x125xi32, #tpu.memory_space<hbm>>
    %dma_wait3A_69 = arith.constant 0 : i32
    %dma_wait3A_70 = arith.constant 0 : i32
    %dma_wait3A_71 = tpu.memref_slice %arg6[%dma_wait3A_60, %dma_wait3A_69, %dma_wait3A_70] : memref<2x80x125xi32, #tpu.memory_space<vmem>> -> memref<1x80x125xi32, #tpu.memory_space<vmem>>
    %dma_wait3A_72 = tpu.memref_squeeze %dma_wait3A_71 : memref<1x80x125xi32, #tpu.memory_space<vmem>> -> memref<80x125xi32, #tpu.memory_space<vmem>>
    %dma_wait3A_73 = arith.constant 0 : i32
    %dma_wait3A_74 = arith.constant 0 : i32
    %dma_wait3A_75 = tpu.memref_slice %arg3[%dma_wait3A_59, %add3A, %dma_wait3A_73, %dma_wait3A_74] : memref<2x32x80x125xi32, #tpu.memory_space<hbm>> -> memref<1x1x80x125xi32, #tpu.memory_space<hbm>>
    %dma_wait3A_76 = tpu.memref_squeeze %dma_wait3A_75 : memref<1x1x80x125xi32, #tpu.memory_space<hbm>> -> memref<80x125xi32, #tpu.memory_space<hbm>>
    tpu.wait_dma2 semaphore(%arg17 : memref<!tpu.dma_semaphore, #tpu.memory_space<semaphore_mem>>) src(%dma_wait3A_76 : memref<80x125xi32, #tpu.memory_space<hbm>>) dst(%dma_wait3A_72 : memref<80x125xi32, #tpu.memory_space<vmem>>)
    %dma_start3A_77 = arith.constant 0 : i32
    %dma_start3A_78 = arith.constant 0 : i32
    %dma_start3A_79 = arith.constant 0 : i32
    %dma_start3A_80 = tpu.memref_slice %arg6[%dma_start3A_77, %dma_start3A_78, %dma_start3A_79] : memref<2x80x125xi32, #tpu.memory_space<vmem>> -> memref<1x1x125xi32, #tpu.memory_space<vmem>>
    %dma_start3A_81 = tpu.memref_squeeze %dma_start3A_80 : memref<1x1x125xi32, #tpu.memory_space<vmem>> -> memref<125xi32, #tpu.memory_space<vmem>>
    %dma_start3A_82 = arith.constant 0 : i32
    %dma_start3A_83 = arith.constant 0 : i32
    %dma_start3A_84 = tpu.memref_slice %arg2[%dma_start3A_82, %dma_start3A_83] : memref<10000x64xf32, #tpu.memory_space<hbm>> -> memref<10000x64xf32, #tpu.memory_space<hbm>>
    tpu.enqueue_indirect_dma source(%dma_start3A_84 : memref<10000x64xf32, #tpu.memory_space<hbm>>) target(%arg8 : memref<125x64xf32, #tpu.memory_space<vmem>>) offsets(%dma_start3A_81 : memref<125xi32, #tpu.memory_space<vmem>>) semaphore(%arg16 : memref<!tpu.dma_semaphore, #tpu.memory_space<semaphore_mem>>)
    %dma_start3A_85 = arith.constant 0 : i32
    %dma_start3A_86 = arith.constant 1 : i32
    %dma_start3A_87 = arith.constant 0 : i32
    %dma_start3A_88 = tpu.memref_slice %arg6[%dma_start3A_85, %dma_start3A_86, %dma_start3A_87] : memref<2x80x125xi32, #tpu.memory_space<vmem>> -> memref<1x1x125xi32, #tpu.memory_space<vmem>>
    %dma_start3A_89 = tpu.memref_squeeze %dma_start3A_88 : memref<1x1x125xi32, #tpu.memory_space<vmem>> -> memref<125xi32, #tpu.memory_space<vmem>>
    %dma_start3A_90 = arith.constant 0 : i32
    %dma_start3A_91 = arith.constant 0 : i32
    %dma_start3A_92 = tpu.memref_slice %arg2[%dma_start3A_90, %dma_start3A_91] : memref<10000x64xf32, #tpu.memory_space<hbm>> -> memref<10000x64xf32, #tpu.memory_space<hbm>>
    tpu.enqueue_indirect_dma source(%dma_start3A_92 : memref<10000x64xf32, #tpu.memory_space<hbm>>) target(%arg9 : memref<125x64xf32, #tpu.memory_space<vmem>>) offsets(%dma_start3A_89 : memref<125xi32, #tpu.memory_space<vmem>>) semaphore(%arg17 : memref<!tpu.dma_semaphore, #tpu.memory_space<semaphore_mem>>)
    %dma_start3A_93 = arith.constant 0 : i32
    %dma_start3A_94 = arith.constant 2 : i32
    %dma_start3A_95 = arith.constant 0 : i32
    %dma_start3A_96 = tpu.memref_slice %arg6[%dma_start3A_93, %dma_start3A_94, %dma_start3A_95] : memref<2x80x125xi32, #tpu.memory_space<vmem>> -> memref<1x1x125xi32, #tpu.memory_space<vmem>>
    %dma_start3A_97 = tpu.memref_squeeze %dma_start3A_96 : memref<1x1x125xi32, #tpu.memory_space<vmem>> -> memref<125xi32, #tpu.memory_space<vmem>>
    %dma_start3A_98 = arith.constant 0 : i32
    %dma_start3A_99 = arith.constant 0 : i32
    %dma_start3A_100 = tpu.memref_slice %arg2[%dma_start3A_98, %dma_start3A_99] : memref<10000x64xf32, #tpu.memory_space<hbm>> -> memref<10000x64xf32, #tpu.memory_space<hbm>>
    tpu.enqueue_indirect_dma source(%dma_start3A_100 : memref<10000x64xf32, #tpu.memory_space<hbm>>) target(%arg10 : memref<125x64xf32, #tpu.memory_space<vmem>>) offsets(%dma_start3A_97 : memref<125xi32, #tpu.memory_space<vmem>>) semaphore(%arg18 : memref<!tpu.dma_semaphore, #tpu.memory_space<semaphore_mem>>)
    %dma_start3A_101 = arith.constant 0 : i32
    %dma_start3A_102 = arith.constant 3 : i32
    %dma_start3A_103 = arith.constant 0 : i32
    %dma_start3A_104 = tpu.memref_slice %arg6[%dma_start3A_101, %dma_start3A_102, %dma_start3A_103] : memref<2x80x125xi32, #tpu.memory_space<vmem>> -> memref<1x1x125xi32, #tpu.memory_space<vmem>>
    %dma_start3A_105 = tpu.memref_squeeze %dma_start3A_104 : memref<1x1x125xi32, #tpu.memory_space<vmem>> -> memref<125xi32, #tpu.memory_space<vmem>>
    %dma_start3A_106 = arith.constant 0 : i32
    %dma_start3A_107 = arith.constant 0 : i32
    %dma_start3A_108 = tpu.memref_slice %arg2[%dma_start3A_106, %dma_start3A_107] : memref<10000x64xf32, #tpu.memory_space<hbm>> -> memref<10000x64xf32, #tpu.memory_space<hbm>>
    tpu.enqueue_indirect_dma source(%dma_start3A_108 : memref<10000x64xf32, #tpu.memory_space<hbm>>) target(%arg11 : memref<125x64xf32, #tpu.memory_space<vmem>>) offsets(%dma_start3A_105 : memref<125xi32, #tpu.memory_space<vmem>>) semaphore(%arg19 : memref<!tpu.dma_semaphore, #tpu.memory_space<semaphore_mem>>)
    %dma_start3A_109 = arith.constant 0 : i32
    %dma_start3A_110 = arith.constant 4 : i32
    %dma_start3A_111 = arith.constant 0 : i32
    %dma_start3A_112 = tpu.memref_slice %arg6[%dma_start3A_109, %dma_start3A_110, %dma_start3A_111] : memref<2x80x125xi32, #tpu.memory_space<vmem>> -> memref<1x1x125xi32, #tpu.memory_space<vmem>>
    %dma_start3A_113 = tpu.memref_squeeze %dma_start3A_112 : memref<1x1x125xi32, #tpu.memory_space<vmem>> -> memref<125xi32, #tpu.memory_space<vmem>>
    %dma_start3A_114 = arith.constant 0 : i32
    %dma_start3A_115 = arith.constant 0 : i32
    %dma_start3A_116 = tpu.memref_slice %arg2[%dma_start3A_114, %dma_start3A_115] : memref<10000x64xf32, #tpu.memory_space<hbm>> -> memref<10000x64xf32, #tpu.memory_space<hbm>>
    tpu.enqueue_indirect_dma source(%dma_start3A_116 : memref<10000x64xf32, #tpu.memory_space<hbm>>) target(%arg12 : memref<125x64xf32, #tpu.memory_space<vmem>>) offsets(%dma_start3A_113 : memref<125xi32, #tpu.memory_space<vmem>>) semaphore(%arg20 : memref<!tpu.dma_semaphore, #tpu.memory_space<semaphore_mem>>)
    %dma_start3A_117 = arith.constant 0 : i32
    %dma_start3A_118 = arith.constant 5 : i32
    %dma_start3A_119 = arith.constant 0 : i32
    %dma_start3A_120 = tpu.memref_slice %arg6[%dma_start3A_117, %dma_start3A_118, %dma_start3A_119] : memref<2x80x125xi32, #tpu.memory_space<vmem>> -> memref<1x1x125xi32, #tpu.memory_space<vmem>>
    %dma_start3A_121 = tpu.memref_squeeze %dma_start3A_120 : memref<1x1x125xi32, #tpu.memory_space<vmem>> -> memref<125xi32, #tpu.memory_space<vmem>>
    %dma_start3A_122 = arith.constant 0 : i32
    %dma_start3A_123 = arith.constant 0 : i32
    %dma_start3A_124 = tpu.memref_slice %arg2[%dma_start3A_122, %dma_start3A_123] : memref<10000x64xf32, #tpu.memory_space<hbm>> -> memref<10000x64xf32, #tpu.memory_space<hbm>>
    tpu.enqueue_indirect_dma source(%dma_start3A_124 : memref<10000x64xf32, #tpu.memory_space<hbm>>) target(%arg13 : memref<125x64xf32, #tpu.memory_space<vmem>>) offsets(%dma_start3A_121 : memref<125xi32, #tpu.memory_space<vmem>>) semaphore(%arg21 : memref<!tpu.dma_semaphore, #tpu.memory_space<semaphore_mem>>)
    %dma_start3A_125 = arith.constant 0 : i32
    %dma_start3A_126 = arith.constant 6 : i32
    %dma_start3A_127 = arith.constant 0 : i32
    %dma_start3A_128 = tpu.memref_slice %arg6[%dma_start3A_125, %dma_start3A_126, %dma_start3A_127] : memref<2x80x125xi32, #tpu.memory_space<vmem>> -> memref<1x1x125xi32, #tpu.memory_space<vmem>>
    %dma_start3A_129 = tpu.memref_squeeze %dma_start3A_128 : memref<1x1x125xi32, #tpu.memory_space<vmem>> -> memref<125xi32, #tpu.memory_space<vmem>>
    %dma_start3A_130 = arith.constant 0 : i32
    %dma_start3A_131 = arith.constant 0 : i32
    %dma_start3A_132 = tpu.memref_slice %arg2[%dma_start3A_130, %dma_start3A_131] : memref<10000x64xf32, #tpu.memory_space<hbm>> -> memref<10000x64xf32, #tpu.memory_space<hbm>>
    tpu.enqueue_indirect_dma source(%dma_start3A_132 : memref<10000x64xf32, #tpu.memory_space<hbm>>) target(%arg14 : memref<125x64xf32, #tpu.memory_space<vmem>>) offsets(%dma_start3A_129 : memref<125xi32, #tpu.memory_space<vmem>>) semaphore(%arg22 : memref<!tpu.dma_semaphore, #tpu.memory_space<semaphore_mem>>)
    %dma_start3A_133 = arith.constant 0 : i32
    %dma_start3A_134 = arith.constant 7 : i32
    %dma_start3A_135 = arith.constant 0 : i32
    %dma_start3A_136 = tpu.memref_slice %arg6[%dma_start3A_133, %dma_start3A_134, %dma_start3A_135] : memref<2x80x125xi32, #tpu.memory_space<vmem>> -> memref<1x1x125xi32, #tpu.memory_space<vmem>>
    %dma_start3A_137 = tpu.memref_squeeze %dma_start3A_136 : memref<1x1x125xi32, #tpu.memory_space<vmem>> -> memref<125xi32, #tpu.memory_space<vmem>>
    %dma_start3A_138 = arith.constant 0 : i32
    %dma_start3A_139 = arith.constant 0 : i32
    %dma_start3A_140 = tpu.memref_slice %arg2[%dma_start3A_138, %dma_start3A_139] : memref<10000x64xf32, #tpu.memory_space<hbm>> -> memref<10000x64xf32, #tpu.memory_space<hbm>>
    tpu.enqueue_indirect_dma source(%dma_start3A_140 : memref<10000x64xf32, #tpu.memory_space<hbm>>) target(%arg15 : memref<125x64xf32, #tpu.memory_space<vmem>>) offsets(%dma_start3A_137 : memref<125xi32, #tpu.memory_space<vmem>>) semaphore(%arg23 : memref<!tpu.dma_semaphore, #tpu.memory_space<semaphore_mem>>)
    %add3A_141 = arith.constant 0 : i32
    %add3A_142 = arith.addi %mul3A_2, %add3A_141 : i32
    "tpu.region"() ({
      %run_scoped3A = tpu.sem_alloc : memref<!tpu.dma_semaphore, #tpu.memory_space<semaphore_mem>>
      %dma_start3A_359 = arith.constant 0 : i32
      %dma_start3A_360 = tpu.memref_slice %arg5[%add3A_142, %dma_start3A_359] : memref<10240x64xf32, #tpu.memory_space<vmem_shared>> -> memref<64x64xf32, #tpu.memory_space<vmem_shared>>
      %dma_start3A_361 = arith.constant 0 : i32
      %dma_start3A_362 = tpu.memref_slice %arg5[%add3A_142, %dma_start3A_361] : memref<10240x64xf32, #tpu.memory_space<vmem_shared>> -> memref<64x64xf32, #tpu.memory_space<vmem_shared>>
      tpu.enqueue_dma source(%arg7 : memref<64x64xf32, #tpu.memory_space<vmem>>) target(%dma_start3A_362 : memref<64x64xf32, #tpu.memory_space<vmem_shared>>) target_semaphore(%run_scoped3A : memref<!tpu.dma_semaphore, #tpu.memory_space<semaphore_mem>>)
      %dma_wait3A_363 = arith.constant 0 : i32
      %dma_wait3A_364 = tpu.memref_slice %arg5[%add3A_142, %dma_wait3A_363] : memref<10240x64xf32, #tpu.memory_space<vmem_shared>> -> memref<64x64xf32, #tpu.memory_space<vmem_shared>>
      %dma_wait3A_365 = arith.constant 0 : i32
      %dma_wait3A_366 = tpu.memref_slice %arg5[%add3A_142, %dma_wait3A_365] : memref<10240x64xf32, #tpu.memory_space<vmem_shared>> -> memref<64x64xf32, #tpu.memory_space<vmem_shared>>
      tpu.wait_dma2 semaphore(%run_scoped3A : memref<!tpu.dma_semaphore, #tpu.memory_space<semaphore_mem>>) src(%arg7 : memref<64x64xf32, #tpu.memory_space<vmem>>) dst(%dma_wait3A_366 : memref<64x64xf32, #tpu.memory_space<vmem_shared>>)
      tpu.yield
    }) : () -> ()
    %add3A_143 = arith.constant 64 : i32
    %add3A_144 = arith.addi %mul3A_2, %add3A_143 : i32
    "tpu.region"() ({
      %run_scoped3A = tpu.sem_alloc : memref<!tpu.dma_semaphore, #tpu.memory_space<semaphore_mem>>
      %dma_start3A_359 = arith.constant 0 : i32
      %dma_start3A_360 = tpu.memref_slice %arg5[%add3A_144, %dma_start3A_359] : memref<10240x64xf32, #tpu.memory_space<vmem_shared>> -> memref<64x64xf32, #tpu.memory_space<vmem_shared>>
      %dma_start3A_361 = arith.constant 0 : i32
      %dma_start3A_362 = tpu.memref_slice %arg5[%add3A_144, %dma_start3A_361] : memref<10240x64xf32, #tpu.memory_space<vmem_shared>> -> memref<64x64xf32, #tpu.memory_space<vmem_shared>>
      tpu.enqueue_dma source(%arg7 : memref<64x64xf32, #tpu.memory_space<vmem>>) target(%dma_start3A_362 : memref<64x64xf32, #tpu.memory_space<vmem_shared>>) target_semaphore(%run_scoped3A : memref<!tpu.dma_semaphore, #tpu.memory_space<semaphore_mem>>)
      %dma_wait3A_363 = arith.constant 0 : i32
      %dma_wait3A_364 = tpu.memref_slice %arg5[%add3A_144, %dma_wait3A_363] : memref<10240x64xf32, #tpu.memory_space<vmem_shared>> -> memref<64x64xf32, #tpu.memory_space<vmem_shared>>
      %dma_wait3A_365 = arith.constant 0 : i32
      %dma_wait3A_366 = tpu.memref_slice %arg5[%add3A_144, %dma_wait3A_365] : memref<10240x64xf32, #tpu.memory_space<vmem_shared>> -> memref<64x64xf32, #tpu.memory_space<vmem_shared>>
      tpu.wait_dma2 semaphore(%run_scoped3A : memref<!tpu.dma_semaphore, #tpu.memory_space<semaphore_mem>>) src(%arg7 : memref<64x64xf32, #tpu.memory_space<vmem>>) dst(%dma_wait3A_366 : memref<64x64xf32, #tpu.memory_space<vmem_shared>>)
      tpu.yield
    }) : () -> ()
    %add3A_145 = arith.constant 128 : i32
    %add3A_146 = arith.addi %mul3A_2, %add3A_145 : i32
    "tpu.region"() ({
      %run_scoped3A = tpu.sem_alloc : memref<!tpu.dma_semaphore, #tpu.memory_space<semaphore_mem>>
      %dma_start3A_359 = arith.constant 0 : i32
      %dma_start3A_360 = tpu.memref_slice %arg5[%add3A_146, %dma_start3A_359] : memref<10240x64xf32, #tpu.memory_space<vmem_shared>> -> memref<64x64xf32, #tpu.memory_space<vmem_shared>>
      %dma_start3A_361 = arith.constant 0 : i32
      %dma_start3A_362 = tpu.memref_slice %arg5[%add3A_146, %dma_start3A_361] : memref<10240x64xf32, #tpu.memory_space<vmem_shared>> -> memref<64x64xf32, #tpu.memory_space<vmem_shared>>
      tpu.enqueue_dma source(%arg7 : memref<64x64xf32, #tpu.memory_space<vmem>>) target(%dma_start3A_362 : memref<64x64xf32, #tpu.memory_space<vmem_shared>>) target_semaphore(%run_scoped3A : memref<!tpu.dma_semaphore, #tpu.memory_space<semaphore_mem>>)
      %dma_wait3A_363 = arith.constant 0 : i32
      %dma_wait3A_364 = tpu.memref_slice %arg5[%add3A_146, %dma_wait3A_363] : memref<10240x64xf32, #tpu.memory_space<vmem_shared>> -> memref<64x64xf32, #tpu.memory_space<vmem_shared>>
      %dma_wait3A_365 = arith.constant 0 : i32
      %dma_wait3A_366 = tpu.memref_slice %arg5[%add3A_146, %dma_wait3A_365] : memref<10240x64xf32, #tpu.memory_space<vmem_shared>> -> memref<64x64xf32, #tpu.memory_space<vmem_shared>>
      tpu.wait_dma2 semaphore(%run_scoped3A : memref<!tpu.dma_semaphore, #tpu.memory_space<semaphore_mem>>) src(%arg7 : memref<64x64xf32, #tpu.memory_space<vmem>>) dst(%dma_wait3A_366 : memref<64x64xf32, #tpu.memory_space<vmem_shared>>)
      tpu.yield
    }) : () -> ()
    %add3A_147 = arith.constant 192 : i32
    %add3A_148 = arith.addi %mul3A_2, %add3A_147 : i32
    "tpu.region"() ({
      %run_scoped3A = tpu.sem_alloc : memref<!tpu.dma_semaphore, #tpu.memory_space<semaphore_mem>>
      %dma_start3A_359 = arith.constant 0 : i32
      %dma_start3A_360 = tpu.memref_slice %arg5[%add3A_148, %dma_start3A_359] : memref<10240x64xf32, #tpu.memory_space<vmem_shared>> -> memref<64x64xf32, #tpu.memory_space<vmem_shared>>
      %dma_start3A_361 = arith.constant 0 : i32
      %dma_start3A_362 = tpu.memref_slice %arg5[%add3A_148, %dma_start3A_361] : memref<10240x64xf32, #tpu.memory_space<vmem_shared>> -> memref<64x64xf32, #tpu.memory_space<vmem_shared>>
      tpu.enqueue_dma source(%arg7 : memref<64x64xf32, #tpu.memory_space<vmem>>) target(%dma_start3A_362 : memref<64x64xf32, #tpu.memory_space<vmem_shared>>) target_semaphore(%run_scoped3A : memref<!tpu.dma_semaphore, #tpu.memory_space<semaphore_mem>>)
      %dma_wait3A_363 = arith.constant 0 : i32
      %dma_wait3A_364 = tpu.memref_slice %arg5[%add3A_148, %dma_wait3A_363] : memref<10240x64xf32, #tpu.memory_space<vmem_shared>> -> memref<64x64xf32, #tpu.memory_space<vmem_shared>>
      %dma_wait3A_365 = arith.constant 0 : i32
      %dma_wait3A_366 = tpu.memref_slice %arg5[%add3A_148, %dma_wait3A_365] : memref<10240x64xf32, #tpu.memory_space<vmem_shared>> -> memref<64x64xf32, #tpu.memory_space<vmem_shared>>
      tpu.wait_dma2 semaphore(%run_scoped3A : memref<!tpu.dma_semaphore, #tpu.memory_space<semaphore_mem>>) src(%arg7 : memref<64x64xf32, #tpu.memory_space<vmem>>) dst(%dma_wait3A_366 : memref<64x64xf32, #tpu.memory_space<vmem_shared>>)
      tpu.yield
    }) : () -> ()
    %add3A_149 = arith.constant 256 : i32
    %add3A_150 = arith.addi %mul3A_2, %add3A_149 : i32
    "tpu.region"() ({
      %run_scoped3A = tpu.sem_alloc : memref<!tpu.dma_semaphore, #tpu.memory_space<semaphore_mem>>
      %dma_start3A_359 = arith.constant 0 : i32
      %dma_start3A_360 = tpu.memref_slice %arg5[%add3A_150, %dma_start3A_359] : memref<10240x64xf32, #tpu.memory_space<vmem_shared>> -> memref<64x64xf32, #tpu.memory_space<vmem_shared>>
      %dma_start3A_361 = arith.constant 0 : i32
      %dma_start3A_362 = tpu.memref_slice %arg5[%add3A_150, %dma_start3A_361] : memref<10240x64xf32, #tpu.memory_space<vmem_shared>> -> memref<64x64xf32, #tpu.memory_space<vmem_shared>>
      tpu.enqueue_dma source(%arg7 : memref<64x64xf32, #tpu.memory_space<vmem>>) target(%dma_start3A_362 : memref<64x64xf32, #tpu.memory_space<vmem_shared>>) target_semaphore(%run_scoped3A : memref<!tpu.dma_semaphore, #tpu.memory_space<semaphore_mem>>)
      %dma_wait3A_363 = arith.constant 0 : i32
      %dma_wait3A_364 = tpu.memref_slice %arg5[%add3A_150, %dma_wait3A_363] : memref<10240x64xf32, #tpu.memory_space<vmem_shared>> -> memref<64x64xf32, #tpu.memory_space<vmem_shared>>
      %dma_wait3A_365 = arith.constant 0 : i32
      %dma_wait3A_366 = tpu.memref_slice %arg5[%add3A_150, %dma_wait3A_365] : memref<10240x64xf32, #tpu.memory_space<vmem_shared>> -> memref<64x64xf32, #tpu.memory_space<vmem_shared>>
      tpu.wait_dma2 semaphore(%run_scoped3A : memref<!tpu.dma_semaphore, #tpu.memory_space<semaphore_mem>>) src(%arg7 : memref<64x64xf32, #tpu.memory_space<vmem>>) dst(%dma_wait3A_366 : memref<64x64xf32, #tpu.memory_space<vmem_shared>>)
      tpu.yield
    }) : () -> ()
    %add3A_151 = arith.constant 320 : i32
    %add3A_152 = arith.addi %mul3A_2, %add3A_151 : i32
    "tpu.region"() ({
      %run_scoped3A = tpu.sem_alloc : memref<!tpu.dma_semaphore, #tpu.memory_space<semaphore_mem>>
      %dma_start3A_359 = arith.constant 0 : i32
      %dma_start3A_360 = tpu.memref_slice %arg5[%add3A_152, %dma_start3A_359] : memref<10240x64xf32, #tpu.memory_space<vmem_shared>> -> memref<64x64xf32, #tpu.memory_space<vmem_shared>>
      %dma_start3A_361 = arith.constant 0 : i32
      %dma_start3A_362 = tpu.memref_slice %arg5[%add3A_152, %dma_start3A_361] : memref<10240x64xf32, #tpu.memory_space<vmem_shared>> -> memref<64x64xf32, #tpu.memory_space<vmem_shared>>
      tpu.enqueue_dma source(%arg7 : memref<64x64xf32, #tpu.memory_space<vmem>>) target(%dma_start3A_362 : memref<64x64xf32, #tpu.memory_space<vmem_shared>>) target_semaphore(%run_scoped3A : memref<!tpu.dma_semaphore, #tpu.memory_space<semaphore_mem>>)
      %dma_wait3A_363 = arith.constant 0 : i32
      %dma_wait3A_364 = tpu.memref_slice %arg5[%add3A_152, %dma_wait3A_363] : memref<10240x64xf32, #tpu.memory_space<vmem_shared>> -> memref<64x64xf32, #tpu.memory_space<vmem_shared>>
      %dma_wait3A_365 = arith.constant 0 : i32
      %dma_wait3A_366 = tpu.memref_slice %arg5[%add3A_152, %dma_wait3A_365] : memref<10240x64xf32, #tpu.memory_space<vmem_shared>> -> memref<64x64xf32, #tpu.memory_space<vmem_shared>>
      tpu.wait_dma2 semaphore(%run_scoped3A : memref<!tpu.dma_semaphore, #tpu.memory_space<semaphore_mem>>) src(%arg7 : memref<64x64xf32, #tpu.memory_space<vmem>>) dst(%dma_wait3A_366 : memref<64x64xf32, #tpu.memory_space<vmem_shared>>)
      tpu.yield
    }) : () -> ()
    %add3A_153 = arith.constant 384 : i32
    %add3A_154 = arith.addi %mul3A_2, %add3A_153 : i32
    "tpu.region"() ({
      %run_scoped3A = tpu.sem_alloc : memref<!tpu.dma_semaphore, #tpu.memory_space<semaphore_mem>>
      %dma_start3A_359 = arith.constant 0 : i32
      %dma_start3A_360 = tpu.memref_slice %arg5[%add3A_154, %dma_start3A_359] : memref<10240x64xf32, #tpu.memory_space<vmem_shared>> -> memref<64x64xf32, #tpu.memory_space<vmem_shared>>
      %dma_start3A_361 = arith.constant 0 : i32
      %dma_start3A_362 = tpu.memref_slice %arg5[%add3A_154, %dma_start3A_361] : memref<10240x64xf32, #tpu.memory_space<vmem_shared>> -> memref<64x64xf32, #tpu.memory_space<vmem_shared>>
      tpu.enqueue_dma source(%arg7 : memref<64x64xf32, #tpu.memory_space<vmem>>) target(%dma_start3A_362 : memref<64x64xf32, #tpu.memory_space<vmem_shared>>) target_semaphore(%run_scoped3A : memref<!tpu.dma_semaphore, #tpu.memory_space<semaphore_mem>>)
      %dma_wait3A_363 = arith.constant 0 : i32
      %dma_wait3A_364 = tpu.memref_slice %arg5[%add3A_154, %dma_wait3A_363] : memref<10240x64xf32, #tpu.memory_space<vmem_shared>> -> memref<64x64xf32, #tpu.memory_space<vmem_shared>>
      %dma_wait3A_365 = arith.constant 0 : i32
      %dma_wait3A_366 = tpu.memref_slice %arg5[%add3A_154, %dma_wait3A_365] : memref<10240x64xf32, #tpu.memory_space<vmem_shared>> -> memref<64x64xf32, #tpu.memory_space<vmem_shared>>
      tpu.wait_dma2 semaphore(%run_scoped3A : memref<!tpu.dma_semaphore, #tpu.memory_space<semaphore_mem>>) src(%arg7 : memref<64x64xf32, #tpu.memory_space<vmem>>) dst(%dma_wait3A_366 : memref<64x64xf32, #tpu.memory_space<vmem_shared>>)
      tpu.yield
    }) : () -> ()
    %add3A_155 = arith.constant 448 : i32
    %add3A_156 = arith.addi %mul3A_2, %add3A_155 : i32
    "tpu.region"() ({
      %run_scoped3A = tpu.sem_alloc : memref<!tpu.dma_semaphore, #tpu.memory_space<semaphore_mem>>
      %dma_start3A_359 = arith.constant 0 : i32
      %dma_start3A_360 = tpu.memref_slice %arg5[%add3A_156, %dma_start3A_359] : memref<10240x64xf32, #tpu.memory_space<vmem_shared>> -> memref<64x64xf32, #tpu.memory_space<vmem_shared>>
      %dma_start3A_361 = arith.constant 0 : i32
      %dma_start3A_362 = tpu.memref_slice %arg5[%add3A_156, %dma_start3A_361] : memref<10240x64xf32, #tpu.memory_space<vmem_shared>> -> memref<64x64xf32, #tpu.memory_space<vmem_shared>>
      tpu.enqueue_dma source(%arg7 : memref<64x64xf32, #tpu.memory_space<vmem>>) target(%dma_start3A_362 : memref<64x64xf32, #tpu.memory_space<vmem_shared>>) target_semaphore(%run_scoped3A : memref<!tpu.dma_semaphore, #tpu.memory_space<semaphore_mem>>)
      %dma_wait3A_363 = arith.constant 0 : i32
      %dma_wait3A_364 = tpu.memref_slice %arg5[%add3A_156, %dma_wait3A_363] : memref<10240x64xf32, #tpu.memory_space<vmem_shared>> -> memref<64x64xf32, #tpu.memory_space<vmem_shared>>
      %dma_wait3A_365 = arith.constant 0 : i32
      %dma_wait3A_366 = tpu.memref_slice %arg5[%add3A_156, %dma_wait3A_365] : memref<10240x64xf32, #tpu.memory_space<vmem_shared>> -> memref<64x64xf32, #tpu.memory_space<vmem_shared>>
      tpu.wait_dma2 semaphore(%run_scoped3A : memref<!tpu.dma_semaphore, #tpu.memory_space<semaphore_mem>>) src(%arg7 : memref<64x64xf32, #tpu.memory_space<vmem>>) dst(%dma_wait3A_366 : memref<64x64xf32, #tpu.memory_space<vmem_shared>>)
      tpu.yield
    }) : () -> ()
    %add3A_157 = arith.constant 512 : i32
    %add3A_158 = arith.addi %mul3A_2, %add3A_157 : i32
    "tpu.region"() ({
      %run_scoped3A = tpu.sem_alloc : memref<!tpu.dma_semaphore, #tpu.memory_space<semaphore_mem>>
      %dma_start3A_359 = arith.constant 0 : i32
      %dma_start3A_360 = tpu.memref_slice %arg5[%add3A_158, %dma_start3A_359] : memref<10240x64xf32, #tpu.memory_space<vmem_shared>> -> memref<64x64xf32, #tpu.memory_space<vmem_shared>>
      %dma_start3A_361 = arith.constant 0 : i32
      %dma_start3A_362 = tpu.memref_slice %arg5[%add3A_158, %dma_start3A_361] : memref<10240x64xf32, #tpu.memory_space<vmem_shared>> -> memref<64x64xf32, #tpu.memory_space<vmem_shared>>
      tpu.enqueue_dma source(%arg7 : memref<64x64xf32, #tpu.memory_space<vmem>>) target(%dma_start3A_362 : memref<64x64xf32, #tpu.memory_space<vmem_shared>>) target_semaphore(%run_scoped3A : memref<!tpu.dma_semaphore, #tpu.memory_space<semaphore_mem>>)
      %dma_wait3A_363 = arith.constant 0 : i32
      %dma_wait3A_364 = tpu.memref_slice %arg5[%add3A_158, %dma_wait3A_363] : memref<10240x64xf32, #tpu.memory_space<vmem_shared>> -> memref<64x64xf32, #tpu.memory_space<vmem_shared>>
      %dma_wait3A_365 = arith.constant 0 : i32
      %dma_wait3A_366 = tpu.memref_slice %arg5[%add3A_158, %dma_wait3A_365] : memref<10240x64xf32, #tpu.memory_space<vmem_shared>> -> memref<64x64xf32, #tpu.memory_space<vmem_shared>>
      tpu.wait_dma2 semaphore(%run_scoped3A : memref<!tpu.dma_semaphore, #tpu.memory_space<semaphore_mem>>) src(%arg7 : memref<64x64xf32, #tpu.memory_space<vmem>>) dst(%dma_wait3A_366 : memref<64x64xf32, #tpu.memory_space<vmem_shared>>)
      tpu.yield
    }) : () -> ()
    %add3A_159 = arith.constant 576 : i32
    %add3A_160 = arith.addi %mul3A_2, %add3A_159 : i32
    "tpu.region"() ({
      %run_scoped3A = tpu.sem_alloc : memref<!tpu.dma_semaphore, #tpu.memory_space<semaphore_mem>>
      %dma_start3A_359 = arith.constant 0 : i32
      %dma_start3A_360 = tpu.memref_slice %arg5[%add3A_160, %dma_start3A_359] : memref<10240x64xf32, #tpu.memory_space<vmem_shared>> -> memref<64x64xf32, #tpu.memory_space<vmem_shared>>
      %dma_start3A_361 = arith.constant 0 : i32
      %dma_start3A_362 = tpu.memref_slice %arg5[%add3A_160, %dma_start3A_361] : memref<10240x64xf32, #tpu.memory_space<vmem_shared>> -> memref<64x64xf32, #tpu.memory_space<vmem_shared>>
      tpu.enqueue_dma source(%arg7 : memref<64x64xf32, #tpu.memory_space<vmem>>) target(%dma_start3A_362 : memref<64x64xf32, #tpu.memory_space<vmem_shared>>) target_semaphore(%run_scoped3A : memref<!tpu.dma_semaphore, #tpu.memory_space<semaphore_mem>>)
      %dma_wait3A_363 = arith.constant 0 : i32
      %dma_wait3A_364 = tpu.memref_slice %arg5[%add3A_160, %dma_wait3A_363] : memref<10240x64xf32, #tpu.memory_space<vmem_shared>> -> memref<64x64xf32, #tpu.memory_space<vmem_shared>>
      %dma_wait3A_365 = arith.constant 0 : i32
      %dma_wait3A_366 = tpu.memref_slice %arg5[%add3A_160, %dma_wait3A_365] : memref<10240x64xf32, #tpu.memory_space<vmem_shared>> -> memref<64x64xf32, #tpu.memory_space<vmem_shared>>
      tpu.wait_dma2 semaphore(%run_scoped3A : memref<!tpu.dma_semaphore, #tpu.memory_space<semaphore_mem>>) src(%arg7 : memref<64x64xf32, #tpu.memory_space<vmem>>) dst(%dma_wait3A_366 : memref<64x64xf32, #tpu.memory_space<vmem_shared>>)
      tpu.yield
    }) : () -> ()
    %barrier3A = arith.constant 0 : index
    tpu.barrier barrier_id(%barrier3A)
    %scan3A_161 = arith.constant 0 : i32
    %scan3A_162 = arith.constant 9 : i32
    %scan3A_163 = arith.addi %scan3A_161, %scan3A_162 : i32
    %scan3A_164 = arith.constant 1 : i32
    scf.for %scan3A_359 = %scan3A_161 to %scan3A_163 step %scan3A_164  : i32 {
      %mul3A_360 = arith.constant 8 : i32
      %mul3A_361 = arith.muli %scan3A_359, %mul3A_360 : i32
      %add3A_362 = arith.constant 0 : i32
      %add3A_363 = arith.addi %add3A_362, %mul3A_361 : i32
      %add3A_364 = arith.constant 0 : i32
      %add3A_365 = arith.addi %add3A_363, %add3A_364 : i32
      %dma_wait3A_366 = arith.constant 0 : i32
      %dma_wait3A_367 = arith.constant 0 : i32
      %dma_wait3A_368 = tpu.memref_slice %arg6[%dma_wait3A_366, %add3A_365, %dma_wait3A_367] : memref<2x80x125xi32, #tpu.memory_space<vmem>> -> memref<1x1x125xi32, #tpu.memory_space<vmem>>
      %dma_wait3A_369 = tpu.memref_squeeze %dma_wait3A_368 : memref<1x1x125xi32, #tpu.memory_space<vmem>> -> memref<125xi32, #tpu.memory_space<vmem>>
      %dma_wait3A_370 = arith.constant 0 : i32
      %dma_wait3A_371 = arith.constant 0 : i32
      %dma_wait3A_372 = tpu.memref_slice %arg2[%dma_wait3A_370, %dma_wait3A_371] : memref<10000x64xf32, #tpu.memory_space<hbm>> -> memref<10000x64xf32, #tpu.memory_space<hbm>>
      tpu.wait_indirect_dma semaphore(%arg16 : memref<!tpu.dma_semaphore, #tpu.memory_space<semaphore_mem>>) src(%dma_wait3A_372 : memref<10000x64xf32, #tpu.memory_space<hbm>>) dst(%arg8 : memref<125x64xf32, #tpu.memory_space<vmem>>)
      %dma_start3A_373 = arith.constant 1 : i32
      %dma_start3A_374 = arith.constant 0 : i32
      %dma_start3A_375 = tpu.memref_slice %arg6[%dma_start3A_373, %add3A_365, %dma_start3A_374] : memref<2x80x125xi32, #tpu.memory_space<vmem>> -> memref<1x1x125xi32, #tpu.memory_space<vmem>>
      %dma_start3A_376 = tpu.memref_squeeze %dma_start3A_375 : memref<1x1x125xi32, #tpu.memory_space<vmem>> -> memref<125xi32, #tpu.memory_space<vmem>>
      %dma_start3A_377 = arith.constant 0 : i32
      %dma_start3A_378 = arith.constant 0 : i32
      %dma_start3A_379 = tpu.memref_slice %arg5[%dma_start3A_377, %dma_start3A_378] : memref<10240x64xf32, #tpu.memory_space<vmem_shared>> -> memref<10240x64xf32, #tpu.memory_space<vmem_shared>>
      tpu.enqueue_indirect_dma source(%arg8 : memref<125x64xf32, #tpu.memory_space<vmem>>) target(%dma_start3A_379 : memref<10240x64xf32, #tpu.memory_space<vmem_shared>>) offsets(%dma_start3A_376 : memref<125xi32, #tpu.memory_space<vmem>>) semaphore(%arg24 : memref<!tpu.dma_semaphore, #tpu.memory_space<semaphore_mem>>) {add = true}
      %add3A_380 = arith.constant 1 : i32
      %add3A_381 = arith.addi %add3A_363, %add3A_380 : i32
      %dma_wait3A_382 = arith.constant 0 : i32
      %dma_wait3A_383 = arith.constant 0 : i32
      %dma_wait3A_384 = tpu.memref_slice %arg6[%dma_wait3A_382, %add3A_381, %dma_wait3A_383] : memref<2x80x125xi32, #tpu.memory_space<vmem>> -> memref<1x1x125xi32, #tpu.memory_space<vmem>>
      %dma_wait3A_385 = tpu.memref_squeeze %dma_wait3A_384 : memref<1x1x125xi32, #tpu.memory_space<vmem>> -> memref<125xi32, #tpu.memory_space<vmem>>
      %dma_wait3A_386 = arith.constant 0 : i32
      %dma_wait3A_387 = arith.constant 0 : i32
      %dma_wait3A_388 = tpu.memref_slice %arg2[%dma_wait3A_386, %dma_wait3A_387] : memref<10000x64xf32, #tpu.memory_space<hbm>> -> memref<10000x64xf32, #tpu.memory_space<hbm>>
      tpu.wait_indirect_dma semaphore(%arg17 : memref<!tpu.dma_semaphore, #tpu.memory_space<semaphore_mem>>) src(%dma_wait3A_388 : memref<10000x64xf32, #tpu.memory_space<hbm>>) dst(%arg9 : memref<125x64xf32, #tpu.memory_space<vmem>>)
      %dma_start3A_389 = arith.constant 1 : i32
      %dma_start3A_390 = arith.constant 0 : i32
      %dma_start3A_391 = tpu.memref_slice %arg6[%dma_start3A_389, %add3A_381, %dma_start3A_390] : memref<2x80x125xi32, #tpu.memory_space<vmem>> -> memref<1x1x125xi32, #tpu.memory_space<vmem>>
      %dma_start3A_392 = tpu.memref_squeeze %dma_start3A_391 : memref<1x1x125xi32, #tpu.memory_space<vmem>> -> memref<125xi32, #tpu.memory_space<vmem>>
      %dma_start3A_393 = arith.constant 0 : i32
      %dma_start3A_394 = arith.constant 0 : i32
      %dma_start3A_395 = tpu.memref_slice %arg5[%dma_start3A_393, %dma_start3A_394] : memref<10240x64xf32, #tpu.memory_space<vmem_shared>> -> memref<10240x64xf32, #tpu.memory_space<vmem_shared>>
      tpu.enqueue_indirect_dma source(%arg9 : memref<125x64xf32, #tpu.memory_space<vmem>>) target(%dma_start3A_395 : memref<10240x64xf32, #tpu.memory_space<vmem_shared>>) offsets(%dma_start3A_392 : memref<125xi32, #tpu.memory_space<vmem>>) semaphore(%arg25 : memref<!tpu.dma_semaphore, #tpu.memory_space<semaphore_mem>>) {add = true}
      %add3A_396 = arith.constant 2 : i32
      %add3A_397 = arith.addi %add3A_363, %add3A_396 : i32
      %dma_wait3A_398 = arith.constant 0 : i32
      %dma_wait3A_399 = arith.constant 0 : i32
      %dma_wait3A_400 = tpu.memref_slice %arg6[%dma_wait3A_398, %add3A_397, %dma_wait3A_399] : memref<2x80x125xi32, #tpu.memory_space<vmem>> -> memref<1x1x125xi32, #tpu.memory_space<vmem>>
      %dma_wait3A_401 = tpu.memref_squeeze %dma_wait3A_400 : memref<1x1x125xi32, #tpu.memory_space<vmem>> -> memref<125xi32, #tpu.memory_space<vmem>>
      %dma_wait3A_402 = arith.constant 0 : i32
      %dma_wait3A_403 = arith.constant 0 : i32
      %dma_wait3A_404 = tpu.memref_slice %arg2[%dma_wait3A_402, %dma_wait3A_403] : memref<10000x64xf32, #tpu.memory_space<hbm>> -> memref<10000x64xf32, #tpu.memory_space<hbm>>
      tpu.wait_indirect_dma semaphore(%arg18 : memref<!tpu.dma_semaphore, #tpu.memory_space<semaphore_mem>>) src(%dma_wait3A_404 : memref<10000x64xf32, #tpu.memory_space<hbm>>) dst(%arg10 : memref<125x64xf32, #tpu.memory_space<vmem>>)
      %dma_start3A_405 = arith.constant 1 : i32
      %dma_start3A_406 = arith.constant 0 : i32
      %dma_start3A_407 = tpu.memref_slice %arg6[%dma_start3A_405, %add3A_397, %dma_start3A_406] : memref<2x80x125xi32, #tpu.memory_space<vmem>> -> memref<1x1x125xi32, #tpu.memory_space<vmem>>
      %dma_start3A_408 = tpu.memref_squeeze %dma_start3A_407 : memref<1x1x125xi32, #tpu.memory_space<vmem>> -> memref<125xi32, #tpu.memory_space<vmem>>
      %dma_start3A_409 = arith.constant 0 : i32
      %dma_start3A_410 = arith.constant 0 : i32
      %dma_start3A_411 = tpu.memref_slice %arg5[%dma_start3A_409, %dma_start3A_410] : memref<10240x64xf32, #tpu.memory_space<vmem_shared>> -> memref<10240x64xf32, #tpu.memory_space<vmem_shared>>
      tpu.enqueue_indirect_dma source(%arg10 : memref<125x64xf32, #tpu.memory_space<vmem>>) target(%dma_start3A_411 : memref<10240x64xf32, #tpu.memory_space<vmem_shared>>) offsets(%dma_start3A_408 : memref<125xi32, #tpu.memory_space<vmem>>) semaphore(%arg26 : memref<!tpu.dma_semaphore, #tpu.memory_space<semaphore_mem>>) {add = true}
      %add3A_412 = arith.constant 3 : i32
      %add3A_413 = arith.addi %add3A_363, %add3A_412 : i32
      %dma_wait3A_414 = arith.constant 0 : i32
      %dma_wait3A_415 = arith.constant 0 : i32
      %dma_wait3A_416 = tpu.memref_slice %arg6[%dma_wait3A_414, %add3A_413, %dma_wait3A_415] : memref<2x80x125xi32, #tpu.memory_space<vmem>> -> memref<1x1x125xi32, #tpu.memory_space<vmem>>
      %dma_wait3A_417 = tpu.memref_squeeze %dma_wait3A_416 : memref<1x1x125xi32, #tpu.memory_space<vmem>> -> memref<125xi32, #tpu.memory_space<vmem>>
      %dma_wait3A_418 = arith.constant 0 : i32
      %dma_wait3A_419 = arith.constant 0 : i32
      %dma_wait3A_420 = tpu.memref_slice %arg2[%dma_wait3A_418, %dma_wait3A_419] : memref<10000x64xf32, #tpu.memory_space<hbm>> -> memref<10000x64xf32, #tpu.memory_space<hbm>>
      tpu.wait_indirect_dma semaphore(%arg19 : memref<!tpu.dma_semaphore, #tpu.memory_space<semaphore_mem>>) src(%dma_wait3A_420 : memref<10000x64xf32, #tpu.memory_space<hbm>>) dst(%arg11 : memref<125x64xf32, #tpu.memory_space<vmem>>)
      %dma_start3A_421 = arith.constant 1 : i32
      %dma_start3A_422 = arith.constant 0 : i32
      %dma_start3A_423 = tpu.memref_slice %arg6[%dma_start3A_421, %add3A_413, %dma_start3A_422] : memref<2x80x125xi32, #tpu.memory_space<vmem>> -> memref<1x1x125xi32, #tpu.memory_space<vmem>>
      %dma_start3A_424 = tpu.memref_squeeze %dma_start3A_423 : memref<1x1x125xi32, #tpu.memory_space<vmem>> -> memref<125xi32, #tpu.memory_space<vmem>>
      %dma_start3A_425 = arith.constant 0 : i32
      %dma_start3A_426 = arith.constant 0 : i32
      %dma_start3A_427 = tpu.memref_slice %arg5[%dma_start3A_425, %dma_start3A_426] : memref<10240x64xf32, #tpu.memory_space<vmem_shared>> -> memref<10240x64xf32, #tpu.memory_space<vmem_shared>>
      tpu.enqueue_indirect_dma source(%arg11 : memref<125x64xf32, #tpu.memory_space<vmem>>) target(%dma_start3A_427 : memref<10240x64xf32, #tpu.memory_space<vmem_shared>>) offsets(%dma_start3A_424 : memref<125xi32, #tpu.memory_space<vmem>>) semaphore(%arg27 : memref<!tpu.dma_semaphore, #tpu.memory_space<semaphore_mem>>) {add = true}
      %add3A_428 = arith.constant 4 : i32
      %add3A_429 = arith.addi %add3A_363, %add3A_428 : i32
      %dma_wait3A_430 = arith.constant 0 : i32
      %dma_wait3A_431 = arith.constant 0 : i32
      %dma_wait3A_432 = tpu.memref_slice %arg6[%dma_wait3A_430, %add3A_429, %dma_wait3A_431] : memref<2x80x125xi32, #tpu.memory_space<vmem>> -> memref<1x1x125xi32, #tpu.memory_space<vmem>>
      %dma_wait3A_433 = tpu.memref_squeeze %dma_wait3A_432 : memref<1x1x125xi32, #tpu.memory_space<vmem>> -> memref<125xi32, #tpu.memory_space<vmem>>
      %dma_wait3A_434 = arith.constant 0 : i32
      %dma_wait3A_435 = arith.constant 0 : i32
      %dma_wait3A_436 = tpu.memref_slice %arg2[%dma_wait3A_434, %dma_wait3A_435] : memref<10000x64xf32, #tpu.memory_space<hbm>> -> memref<10000x64xf32, #tpu.memory_space<hbm>>
      tpu.wait_indirect_dma semaphore(%arg20 : memref<!tpu.dma_semaphore, #tpu.memory_space<semaphore_mem>>) src(%dma_wait3A_436 : memref<10000x64xf32, #tpu.memory_space<hbm>>) dst(%arg12 : memref<125x64xf32, #tpu.memory_space<vmem>>)
      %dma_start3A_437 = arith.constant 1 : i32
      %dma_start3A_438 = arith.constant 0 : i32
      %dma_start3A_439 = tpu.memref_slice %arg6[%dma_start3A_437, %add3A_429, %dma_start3A_438] : memref<2x80x125xi32, #tpu.memory_space<vmem>> -> memref<1x1x125xi32, #tpu.memory_space<vmem>>
      %dma_start3A_440 = tpu.memref_squeeze %dma_start3A_439 : memref<1x1x125xi32, #tpu.memory_space<vmem>> -> memref<125xi32, #tpu.memory_space<vmem>>
      %dma_start3A_441 = arith.constant 0 : i32
      %dma_start3A_442 = arith.constant 0 : i32
      %dma_start3A_443 = tpu.memref_slice %arg5[%dma_start3A_441, %dma_start3A_442] : memref<10240x64xf32, #tpu.memory_space<vmem_shared>> -> memref<10240x64xf32, #tpu.memory_space<vmem_shared>>
      tpu.enqueue_indirect_dma source(%arg12 : memref<125x64xf32, #tpu.memory_space<vmem>>) target(%dma_start3A_443 : memref<10240x64xf32, #tpu.memory_space<vmem_shared>>) offsets(%dma_start3A_440 : memref<125xi32, #tpu.memory_space<vmem>>) semaphore(%arg28 : memref<!tpu.dma_semaphore, #tpu.memory_space<semaphore_mem>>) {add = true}
      %add3A_444 = arith.constant 5 : i32
      %add3A_445 = arith.addi %add3A_363, %add3A_444 : i32
      %dma_wait3A_446 = arith.constant 0 : i32
      %dma_wait3A_447 = arith.constant 0 : i32
      %dma_wait3A_448 = tpu.memref_slice %arg6[%dma_wait3A_446, %add3A_445, %dma_wait3A_447] : memref<2x80x125xi32, #tpu.memory_space<vmem>> -> memref<1x1x125xi32, #tpu.memory_space<vmem>>
      %dma_wait3A_449 = tpu.memref_squeeze %dma_wait3A_448 : memref<1x1x125xi32, #tpu.memory_space<vmem>> -> memref<125xi32, #tpu.memory_space<vmem>>
      %dma_wait3A_450 = arith.constant 0 : i32
      %dma_wait3A_451 = arith.constant 0 : i32
      %dma_wait3A_452 = tpu.memref_slice %arg2[%dma_wait3A_450, %dma_wait3A_451] : memref<10000x64xf32, #tpu.memory_space<hbm>> -> memref<10000x64xf32, #tpu.memory_space<hbm>>
      tpu.wait_indirect_dma semaphore(%arg21 : memref<!tpu.dma_semaphore, #tpu.memory_space<semaphore_mem>>) src(%dma_wait3A_452 : memref<10000x64xf32, #tpu.memory_space<hbm>>) dst(%arg13 : memref<125x64xf32, #tpu.memory_space<vmem>>)
      %dma_start3A_453 = arith.constant 1 : i32
      %dma_start3A_454 = arith.constant 0 : i32
      %dma_start3A_455 = tpu.memref_slice %arg6[%dma_start3A_453, %add3A_445, %dma_start3A_454] : memref<2x80x125xi32, #tpu.memory_space<vmem>> -> memref<1x1x125xi32, #tpu.memory_space<vmem>>
      %dma_start3A_456 = tpu.memref_squeeze %dma_start3A_455 : memref<1x1x125xi32, #tpu.memory_space<vmem>> -> memref<125xi32, #tpu.memory_space<vmem>>
      %dma_start3A_457 = arith.constant 0 : i32
      %dma_start3A_458 = arith.constant 0 : i32
      %dma_start3A_459 = tpu.memref_slice %arg5[%dma_start3A_457, %dma_start3A_458] : memref<10240x64xf32, #tpu.memory_space<vmem_shared>> -> memref<10240x64xf32, #tpu.memory_space<vmem_shared>>
      tpu.enqueue_indirect_dma source(%arg13 : memref<125x64xf32, #tpu.memory_space<vmem>>) target(%dma_start3A_459 : memref<10240x64xf32, #tpu.memory_space<vmem_shared>>) offsets(%dma_start3A_456 : memref<125xi32, #tpu.memory_space<vmem>>) semaphore(%arg29 : memref<!tpu.dma_semaphore, #tpu.memory_space<semaphore_mem>>) {add = true}
      %add3A_460 = arith.constant 6 : i32
      %add3A_461 = arith.addi %add3A_363, %add3A_460 : i32
      %dma_wait3A_462 = arith.constant 0 : i32
      %dma_wait3A_463 = arith.constant 0 : i32
      %dma_wait3A_464 = tpu.memref_slice %arg6[%dma_wait3A_462, %add3A_461, %dma_wait3A_463] : memref<2x80x125xi32, #tpu.memory_space<vmem>> -> memref<1x1x125xi32, #tpu.memory_space<vmem>>
      %dma_wait3A_465 = tpu.memref_squeeze %dma_wait3A_464 : memref<1x1x125xi32, #tpu.memory_space<vmem>> -> memref<125xi32, #tpu.memory_space<vmem>>
      %dma_wait3A_466 = arith.constant 0 : i32
      %dma_wait3A_467 = arith.constant 0 : i32
      %dma_wait3A_468 = tpu.memref_slice %arg2[%dma_wait3A_466, %dma_wait3A_467] : memref<10000x64xf32, #tpu.memory_space<hbm>> -> memref<10000x64xf32, #tpu.memory_space<hbm>>
      tpu.wait_indirect_dma semaphore(%arg22 : memref<!tpu.dma_semaphore, #tpu.memory_space<semaphore_mem>>) src(%dma_wait3A_468 : memref<10000x64xf32, #tpu.memory_space<hbm>>) dst(%arg14 : memref<125x64xf32, #tpu.memory_space<vmem>>)
      %dma_start3A_469 = arith.constant 1 : i32
      %dma_start3A_470 = arith.constant 0 : i32
      %dma_start3A_471 = tpu.memref_slice %arg6[%dma_start3A_469, %add3A_461, %dma_start3A_470] : memref<2x80x125xi32, #tpu.memory_space<vmem>> -> memref<1x1x125xi32, #tpu.memory_space<vmem>>
      %dma_start3A_472 = tpu.memref_squeeze %dma_start3A_471 : memref<1x1x125xi32, #tpu.memory_space<vmem>> -> memref<125xi32, #tpu.memory_space<vmem>>
      %dma_start3A_473 = arith.constant 0 : i32
      %dma_start3A_474 = arith.constant 0 : i32
      %dma_start3A_475 = tpu.memref_slice %arg5[%dma_start3A_473, %dma_start3A_474] : memref<10240x64xf32, #tpu.memory_space<vmem_shared>> -> memref<10240x64xf32, #tpu.memory_space<vmem_shared>>
      tpu.enqueue_indirect_dma source(%arg14 : memref<125x64xf32, #tpu.memory_space<vmem>>) target(%dma_start3A_475 : memref<10240x64xf32, #tpu.memory_space<vmem_shared>>) offsets(%dma_start3A_472 : memref<125xi32, #tpu.memory_space<vmem>>) semaphore(%arg30 : memref<!tpu.dma_semaphore, #tpu.memory_space<semaphore_mem>>) {add = true}
      %add3A_476 = arith.constant 7 : i32
      %add3A_477 = arith.addi %add3A_363, %add3A_476 : i32
      %dma_wait3A_478 = arith.constant 0 : i32
      %dma_wait3A_479 = arith.constant 0 : i32
      %dma_wait3A_480 = tpu.memref_slice %arg6[%dma_wait3A_478, %add3A_477, %dma_wait3A_479] : memref<2x80x125xi32, #tpu.memory_space<vmem>> -> memref<1x1x125xi32, #tpu.memory_space<vmem>>
      %dma_wait3A_481 = tpu.memref_squeeze %dma_wait3A_480 : memref<1x1x125xi32, #tpu.memory_space<vmem>> -> memref<125xi32, #tpu.memory_space<vmem>>
      %dma_wait3A_482 = arith.constant 0 : i32
      %dma_wait3A_483 = arith.constant 0 : i32
      %dma_wait3A_484 = tpu.memref_slice %arg2[%dma_wait3A_482, %dma_wait3A_483] : memref<10000x64xf32, #tpu.memory_space<hbm>> -> memref<10000x64xf32, #tpu.memory_space<hbm>>
      tpu.wait_indirect_dma semaphore(%arg23 : memref<!tpu.dma_semaphore, #tpu.memory_space<semaphore_mem>>) src(%dma_wait3A_484 : memref<10000x64xf32, #tpu.memory_space<hbm>>) dst(%arg15 : memref<125x64xf32, #tpu.memory_space<vmem>>)
      %dma_start3A_485 = arith.constant 1 : i32
      %dma_start3A_486 = arith.constant 0 : i32
      %dma_start3A_487 = tpu.memref_slice %arg6[%dma_start3A_485, %add3A_477, %dma_start3A_486] : memref<2x80x125xi32, #tpu.memory_space<vmem>> -> memref<1x1x125xi32, #tpu.memory_space<vmem>>
      %dma_start3A_488 = tpu.memref_squeeze %dma_start3A_487 : memref<1x1x125xi32, #tpu.memory_space<vmem>> -> memref<125xi32, #tpu.memory_space<vmem>>
      %dma_start3A_489 = arith.constant 0 : i32
      %dma_start3A_490 = arith.constant 0 : i32
      %dma_start3A_491 = tpu.memref_slice %arg5[%dma_start3A_489, %dma_start3A_490] : memref<10240x64xf32, #tpu.memory_space<vmem_shared>> -> memref<10240x64xf32, #tpu.memory_space<vmem_shared>>
      tpu.enqueue_indirect_dma source(%arg15 : memref<125x64xf32, #tpu.memory_space<vmem>>) target(%dma_start3A_491 : memref<10240x64xf32, #tpu.memory_space<vmem_shared>>) offsets(%dma_start3A_488 : memref<125xi32, #tpu.memory_space<vmem>>) semaphore(%arg31 : memref<!tpu.dma_semaphore, #tpu.memory_space<semaphore_mem>>) {add = true}
      %add3A_492 = arith.constant 0 : i32
      %add3A_493 = arith.addi %add3A_363, %add3A_492 : i32
      %dma_wait3A_494 = arith.constant 1 : i32
      %dma_wait3A_495 = arith.constant 0 : i32
      %dma_wait3A_496 = tpu.memref_slice %arg6[%dma_wait3A_494, %add3A_493, %dma_wait3A_495] : memref<2x80x125xi32, #tpu.memory_space<vmem>> -> memref<1x1x125xi32, #tpu.memory_space<vmem>>
      %dma_wait3A_497 = tpu.memref_squeeze %dma_wait3A_496 : memref<1x1x125xi32, #tpu.memory_space<vmem>> -> memref<125xi32, #tpu.memory_space<vmem>>
      %dma_wait3A_498 = arith.constant 0 : i32
      %dma_wait3A_499 = arith.constant 0 : i32
      %dma_wait3A_500 = tpu.memref_slice %arg5[%dma_wait3A_498, %dma_wait3A_499] : memref<10240x64xf32, #tpu.memory_space<vmem_shared>> -> memref<10240x64xf32, #tpu.memory_space<vmem_shared>>
      tpu.wait_indirect_dma semaphore(%arg24 : memref<!tpu.dma_semaphore, #tpu.memory_space<semaphore_mem>>) src(%arg8 : memref<125x64xf32, #tpu.memory_space<vmem>>) dst(%dma_wait3A_500 : memref<10240x64xf32, #tpu.memory_space<vmem_shared>>)
      %add3A_501 = arith.constant 0 : i32
      %add3A_502 = arith.addi %add3A_363, %add3A_501 : i32
      %add3A_503 = arith.constant 8 : i32
      %add3A_504 = arith.addi %add3A_502, %add3A_503 : i32
      %dma_start3A_505 = arith.constant 0 : i32
      %dma_start3A_506 = arith.constant 0 : i32
      %dma_start3A_507 = tpu.memref_slice %arg6[%dma_start3A_505, %add3A_504, %dma_start3A_506] : memref<2x80x125xi32, #tpu.memory_space<vmem>> -> memref<1x1x125xi32, #tpu.memory_space<vmem>>
      %dma_start3A_508 = tpu.memref_squeeze %dma_start3A_507 : memref<1x1x125xi32, #tpu.memory_space<vmem>> -> memref<125xi32, #tpu.memory_space<vmem>>
      %dma_start3A_509 = arith.constant 0 : i32
      %dma_start3A_510 = arith.constant 0 : i32
      %dma_start3A_511 = tpu.memref_slice %arg2[%dma_start3A_509, %dma_start3A_510] : memref<10000x64xf32, #tpu.memory_space<hbm>> -> memref<10000x64xf32, #tpu.memory_space<hbm>>
      tpu.enqueue_indirect_dma source(%dma_start3A_511 : memref<10000x64xf32, #tpu.memory_space<hbm>>) target(%arg8 : memref<125x64xf32, #tpu.memory_space<vmem>>) offsets(%dma_start3A_508 : memref<125xi32, #tpu.memory_space<vmem>>) semaphore(%arg16 : memref<!tpu.dma_semaphore, #tpu.memory_space<semaphore_mem>>)
      %add3A_512 = arith.constant 1 : i32
      %add3A_513 = arith.addi %add3A_363, %add3A_512 : i32
      %dma_wait3A_514 = arith.constant 1 : i32
      %dma_wait3A_515 = arith.constant 0 : i32
      %dma_wait3A_516 = tpu.memref_slice %arg6[%dma_wait3A_514, %add3A_513, %dma_wait3A_515] : memref<2x80x125xi32, #tpu.memory_space<vmem>> -> memref<1x1x125xi32, #tpu.memory_space<vmem>>
      %dma_wait3A_517 = tpu.memref_squeeze %dma_wait3A_516 : memref<1x1x125xi32, #tpu.memory_space<vmem>> -> memref<125xi32, #tpu.memory_space<vmem>>
      %dma_wait3A_518 = arith.constant 0 : i32
      %dma_wait3A_519 = arith.constant 0 : i32
      %dma_wait3A_520 = tpu.memref_slice %arg5[%dma_wait3A_518, %dma_wait3A_519] : memref<10240x64xf32, #tpu.memory_space<vmem_shared>> -> memref<10240x64xf32, #tpu.memory_space<vmem_shared>>
      tpu.wait_indirect_dma semaphore(%arg25 : memref<!tpu.dma_semaphore, #tpu.memory_space<semaphore_mem>>) src(%arg9 : memref<125x64xf32, #tpu.memory_space<vmem>>) dst(%dma_wait3A_520 : memref<10240x64xf32, #tpu.memory_space<vmem_shared>>)
      %add3A_521 = arith.constant 1 : i32
      %add3A_522 = arith.addi %add3A_363, %add3A_521 : i32
      %add3A_523 = arith.constant 8 : i32
      %add3A_524 = arith.addi %add3A_522, %add3A_523 : i32
      %dma_start3A_525 = arith.constant 0 : i32
      %dma_start3A_526 = arith.constant 0 : i32
      %dma_start3A_527 = tpu.memref_slice %arg6[%dma_start3A_525, %add3A_524, %dma_start3A_526] : memref<2x80x125xi32, #tpu.memory_space<vmem>> -> memref<1x1x125xi32, #tpu.memory_space<vmem>>
      %dma_start3A_528 = tpu.memref_squeeze %dma_start3A_527 : memref<1x1x125xi32, #tpu.memory_space<vmem>> -> memref<125xi32, #tpu.memory_space<vmem>>
      %dma_start3A_529 = arith.constant 0 : i32
      %dma_start3A_530 = arith.constant 0 : i32
      %dma_start3A_531 = tpu.memref_slice %arg2[%dma_start3A_529, %dma_start3A_530] : memref<10000x64xf32, #tpu.memory_space<hbm>> -> memref<10000x64xf32, #tpu.memory_space<hbm>>
      tpu.enqueue_indirect_dma source(%dma_start3A_531 : memref<10000x64xf32, #tpu.memory_space<hbm>>) target(%arg9 : memref<125x64xf32, #tpu.memory_space<vmem>>) offsets(%dma_start3A_528 : memref<125xi32, #tpu.memory_space<vmem>>) semaphore(%arg17 : memref<!tpu.dma_semaphore, #tpu.memory_space<semaphore_mem>>)
      %add3A_532 = arith.constant 2 : i32
      %add3A_533 = arith.addi %add3A_363, %add3A_532 : i32
      %dma_wait3A_534 = arith.constant 1 : i32
      %dma_wait3A_535 = arith.constant 0 : i32
      %dma_wait3A_536 = tpu.memref_slice %arg6[%dma_wait3A_534, %add3A_533, %dma_wait3A_535] : memref<2x80x125xi32, #tpu.memory_space<vmem>> -> memref<1x1x125xi32, #tpu.memory_space<vmem>>
      %dma_wait3A_537 = tpu.memref_squeeze %dma_wait3A_536 : memref<1x1x125xi32, #tpu.memory_space<vmem>> -> memref<125xi32, #tpu.memory_space<vmem>>
      %dma_wait3A_538 = arith.constant 0 : i32
      %dma_wait3A_539 = arith.constant 0 : i32
      %dma_wait3A_540 = tpu.memref_slice %arg5[%dma_wait3A_538, %dma_wait3A_539] : memref<10240x64xf32, #tpu.memory_space<vmem_shared>> -> memref<10240x64xf32, #tpu.memory_space<vmem_shared>>
      tpu.wait_indirect_dma semaphore(%arg26 : memref<!tpu.dma_semaphore, #tpu.memory_space<semaphore_mem>>) src(%arg10 : memref<125x64xf32, #tpu.memory_space<vmem>>) dst(%dma_wait3A_540 : memref<10240x64xf32, #tpu.memory_space<vmem_shared>>)
      %add3A_541 = arith.constant 2 : i32
      %add3A_542 = arith.addi %add3A_363, %add3A_541 : i32
      %add3A_543 = arith.constant 8 : i32
      %add3A_544 = arith.addi %add3A_542, %add3A_543 : i32
      %dma_start3A_545 = arith.constant 0 : i32
      %dma_start3A_546 = arith.constant 0 : i32
      %dma_start3A_547 = tpu.memref_slice %arg6[%dma_start3A_545, %add3A_544, %dma_start3A_546] : memref<2x80x125xi32, #tpu.memory_space<vmem>> -> memref<1x1x125xi32, #tpu.memory_space<vmem>>
      %dma_start3A_548 = tpu.memref_squeeze %dma_start3A_547 : memref<1x1x125xi32, #tpu.memory_space<vmem>> -> memref<125xi32, #tpu.memory_space<vmem>>
      %dma_start3A_549 = arith.constant 0 : i32
      %dma_start3A_550 = arith.constant 0 : i32
      %dma_start3A_551 = tpu.memref_slice %arg2[%dma_start3A_549, %dma_start3A_550] : memref<10000x64xf32, #tpu.memory_space<hbm>> -> memref<10000x64xf32, #tpu.memory_space<hbm>>
      tpu.enqueue_indirect_dma source(%dma_start3A_551 : memref<10000x64xf32, #tpu.memory_space<hbm>>) target(%arg10 : memref<125x64xf32, #tpu.memory_space<vmem>>) offsets(%dma_start3A_548 : memref<125xi32, #tpu.memory_space<vmem>>) semaphore(%arg18 : memref<!tpu.dma_semaphore, #tpu.memory_space<semaphore_mem>>)
      %add3A_552 = arith.constant 3 : i32
      %add3A_553 = arith.addi %add3A_363, %add3A_552 : i32
      %dma_wait3A_554 = arith.constant 1 : i32
      %dma_wait3A_555 = arith.constant 0 : i32
      %dma_wait3A_556 = tpu.memref_slice %arg6[%dma_wait3A_554, %add3A_553, %dma_wait3A_555] : memref<2x80x125xi32, #tpu.memory_space<vmem>> -> memref<1x1x125xi32, #tpu.memory_space<vmem>>
      %dma_wait3A_557 = tpu.memref_squeeze %dma_wait3A_556 : memref<1x1x125xi32, #tpu.memory_space<vmem>> -> memref<125xi32, #tpu.memory_space<vmem>>
      %dma_wait3A_558 = arith.constant 0 : i32
      %dma_wait3A_559 = arith.constant 0 : i32
      %dma_wait3A_560 = tpu.memref_slice %arg5[%dma_wait3A_558, %dma_wait3A_559] : memref<10240x64xf32, #tpu.memory_space<vmem_shared>> -> memref<10240x64xf32, #tpu.memory_space<vmem_shared>>
      tpu.wait_indirect_dma semaphore(%arg27 : memref<!tpu.dma_semaphore, #tpu.memory_space<semaphore_mem>>) src(%arg11 : memref<125x64xf32, #tpu.memory_space<vmem>>) dst(%dma_wait3A_560 : memref<10240x64xf32, #tpu.memory_space<vmem_shared>>)
      %add3A_561 = arith.constant 3 : i32
      %add3A_562 = arith.addi %add3A_363, %add3A_561 : i32
      %add3A_563 = arith.constant 8 : i32
      %add3A_564 = arith.addi %add3A_562, %add3A_563 : i32
      %dma_start3A_565 = arith.constant 0 : i32
      %dma_start3A_566 = arith.constant 0 : i32
      %dma_start3A_567 = tpu.memref_slice %arg6[%dma_start3A_565, %add3A_564, %dma_start3A_566] : memref<2x80x125xi32, #tpu.memory_space<vmem>> -> memref<1x1x125xi32, #tpu.memory_space<vmem>>
      %dma_start3A_568 = tpu.memref_squeeze %dma_start3A_567 : memref<1x1x125xi32, #tpu.memory_space<vmem>> -> memref<125xi32, #tpu.memory_space<vmem>>
      %dma_start3A_569 = arith.constant 0 : i32
      %dma_start3A_570 = arith.constant 0 : i32
      %dma_start3A_571 = tpu.memref_slice %arg2[%dma_start3A_569, %dma_start3A_570] : memref<10000x64xf32, #tpu.memory_space<hbm>> -> memref<10000x64xf32, #tpu.memory_space<hbm>>
      tpu.enqueue_indirect_dma source(%dma_start3A_571 : memref<10000x64xf32, #tpu.memory_space<hbm>>) target(%arg11 : memref<125x64xf32, #tpu.memory_space<vmem>>) offsets(%dma_start3A_568 : memref<125xi32, #tpu.memory_space<vmem>>) semaphore(%arg19 : memref<!tpu.dma_semaphore, #tpu.memory_space<semaphore_mem>>)
      %add3A_572 = arith.constant 4 : i32
      %add3A_573 = arith.addi %add3A_363, %add3A_572 : i32
      %dma_wait3A_574 = arith.constant 1 : i32
      %dma_wait3A_575 = arith.constant 0 : i32
      %dma_wait3A_576 = tpu.memref_slice %arg6[%dma_wait3A_574, %add3A_573, %dma_wait3A_575] : memref<2x80x125xi32, #tpu.memory_space<vmem>> -> memref<1x1x125xi32, #tpu.memory_space<vmem>>
      %dma_wait3A_577 = tpu.memref_squeeze %dma_wait3A_576 : memref<1x1x125xi32, #tpu.memory_space<vmem>> -> memref<125xi32, #tpu.memory_space<vmem>>
      %dma_wait3A_578 = arith.constant 0 : i32
      %dma_wait3A_579 = arith.constant 0 : i32
      %dma_wait3A_580 = tpu.memref_slice %arg5[%dma_wait3A_578, %dma_wait3A_579] : memref<10240x64xf32, #tpu.memory_space<vmem_shared>> -> memref<10240x64xf32, #tpu.memory_space<vmem_shared>>
      tpu.wait_indirect_dma semaphore(%arg28 : memref<!tpu.dma_semaphore, #tpu.memory_space<semaphore_mem>>) src(%arg12 : memref<125x64xf32, #tpu.memory_space<vmem>>) dst(%dma_wait3A_580 : memref<10240x64xf32, #tpu.memory_space<vmem_shared>>)
      %add3A_581 = arith.constant 4 : i32
      %add3A_582 = arith.addi %add3A_363, %add3A_581 : i32
      %add3A_583 = arith.constant 8 : i32
      %add3A_584 = arith.addi %add3A_582, %add3A_583 : i32
      %dma_start3A_585 = arith.constant 0 : i32
      %dma_start3A_586 = arith.constant 0 : i32
      %dma_start3A_587 = tpu.memref_slice %arg6[%dma_start3A_585, %add3A_584, %dma_start3A_586] : memref<2x80x125xi32, #tpu.memory_space<vmem>> -> memref<1x1x125xi32, #tpu.memory_space<vmem>>
      %dma_start3A_588 = tpu.memref_squeeze %dma_start3A_587 : memref<1x1x125xi32, #tpu.memory_space<vmem>> -> memref<125xi32, #tpu.memory_space<vmem>>
      %dma_start3A_589 = arith.constant 0 : i32
      %dma_start3A_590 = arith.constant 0 : i32
      %dma_start3A_591 = tpu.memref_slice %arg2[%dma_start3A_589, %dma_start3A_590] : memref<10000x64xf32, #tpu.memory_space<hbm>> -> memref<10000x64xf32, #tpu.memory_space<hbm>>
      tpu.enqueue_indirect_dma source(%dma_start3A_591 : memref<10000x64xf32, #tpu.memory_space<hbm>>) target(%arg12 : memref<125x64xf32, #tpu.memory_space<vmem>>) offsets(%dma_start3A_588 : memref<125xi32, #tpu.memory_space<vmem>>) semaphore(%arg20 : memref<!tpu.dma_semaphore, #tpu.memory_space<semaphore_mem>>)
      %add3A_592 = arith.constant 5 : i32
      %add3A_593 = arith.addi %add3A_363, %add3A_592 : i32
      %dma_wait3A_594 = arith.constant 1 : i32
      %dma_wait3A_595 = arith.constant 0 : i32
      %dma_wait3A_596 = tpu.memref_slice %arg6[%dma_wait3A_594, %add3A_593, %dma_wait3A_595] : memref<2x80x125xi32, #tpu.memory_space<vmem>> -> memref<1x1x125xi32, #tpu.memory_space<vmem>>
      %dma_wait3A_597 = tpu.memref_squeeze %dma_wait3A_596 : memref<1x1x125xi32, #tpu.memory_space<vmem>> -> memref<125xi32, #tpu.memory_space<vmem>>
      %dma_wait3A_598 = arith.constant 0 : i32
      %dma_wait3A_599 = arith.constant 0 : i32
      %dma_wait3A_600 = tpu.memref_slice %arg5[%dma_wait3A_598, %dma_wait3A_599] : memref<10240x64xf32, #tpu.memory_space<vmem_shared>> -> memref<10240x64xf32, #tpu.memory_space<vmem_shared>>
      tpu.wait_indirect_dma semaphore(%arg29 : memref<!tpu.dma_semaphore, #tpu.memory_space<semaphore_mem>>) src(%arg13 : memref<125x64xf32, #tpu.memory_space<vmem>>) dst(%dma_wait3A_600 : memref<10240x64xf32, #tpu.memory_space<vmem_shared>>)
      %add3A_601 = arith.constant 5 : i32
      %add3A_602 = arith.addi %add3A_363, %add3A_601 : i32
      %add3A_603 = arith.constant 8 : i32
      %add3A_604 = arith.addi %add3A_602, %add3A_603 : i32
      %dma_start3A_605 = arith.constant 0 : i32
      %dma_start3A_606 = arith.constant 0 : i32
      %dma_start3A_607 = tpu.memref_slice %arg6[%dma_start3A_605, %add3A_604, %dma_start3A_606] : memref<2x80x125xi32, #tpu.memory_space<vmem>> -> memref<1x1x125xi32, #tpu.memory_space<vmem>>
      %dma_start3A_608 = tpu.memref_squeeze %dma_start3A_607 : memref<1x1x125xi32, #tpu.memory_space<vmem>> -> memref<125xi32, #tpu.memory_space<vmem>>
      %dma_start3A_609 = arith.constant 0 : i32
      %dma_start3A_610 = arith.constant 0 : i32
      %dma_start3A_611 = tpu.memref_slice %arg2[%dma_start3A_609, %dma_start3A_610] : memref<10000x64xf32, #tpu.memory_space<hbm>> -> memref<10000x64xf32, #tpu.memory_space<hbm>>
      tpu.enqueue_indirect_dma source(%dma_start3A_611 : memref<10000x64xf32, #tpu.memory_space<hbm>>) target(%arg13 : memref<125x64xf32, #tpu.memory_space<vmem>>) offsets(%dma_start3A_608 : memref<125xi32, #tpu.memory_space<vmem>>) semaphore(%arg21 : memref<!tpu.dma_semaphore, #tpu.memory_space<semaphore_mem>>)
      %add3A_612 = arith.constant 6 : i32
      %add3A_613 = arith.addi %add3A_363, %add3A_612 : i32
      %dma_wait3A_614 = arith.constant 1 : i32
      %dma_wait3A_615 = arith.constant 0 : i32
      %dma_wait3A_616 = tpu.memref_slice %arg6[%dma_wait3A_614, %add3A_613, %dma_wait3A_615] : memref<2x80x125xi32, #tpu.memory_space<vmem>> -> memref<1x1x125xi32, #tpu.memory_space<vmem>>
      %dma_wait3A_617 = tpu.memref_squeeze %dma_wait3A_616 : memref<1x1x125xi32, #tpu.memory_space<vmem>> -> memref<125xi32, #tpu.memory_space<vmem>>
      %dma_wait3A_618 = arith.constant 0 : i32
      %dma_wait3A_619 = arith.constant 0 : i32
      %dma_wait3A_620 = tpu.memref_slice %arg5[%dma_wait3A_618, %dma_wait3A_619] : memref<10240x64xf32, #tpu.memory_space<vmem_shared>> -> memref<10240x64xf32, #tpu.memory_space<vmem_shared>>
      tpu.wait_indirect_dma semaphore(%arg30 : memref<!tpu.dma_semaphore, #tpu.memory_space<semaphore_mem>>) src(%arg14 : memref<125x64xf32, #tpu.memory_space<vmem>>) dst(%dma_wait3A_620 : memref<10240x64xf32, #tpu.memory_space<vmem_shared>>)
      %add3A_621 = arith.constant 6 : i32
      %add3A_622 = arith.addi %add3A_363, %add3A_621 : i32
      %add3A_623 = arith.constant 8 : i32
      %add3A_624 = arith.addi %add3A_622, %add3A_623 : i32
      %dma_start3A_625 = arith.constant 0 : i32
      %dma_start3A_626 = arith.constant 0 : i32
      %dma_start3A_627 = tpu.memref_slice %arg6[%dma_start3A_625, %add3A_624, %dma_start3A_626] : memref<2x80x125xi32, #tpu.memory_space<vmem>> -> memref<1x1x125xi32, #tpu.memory_space<vmem>>
      %dma_start3A_628 = tpu.memref_squeeze %dma_start3A_627 : memref<1x1x125xi32, #tpu.memory_space<vmem>> -> memref<125xi32, #tpu.memory_space<vmem>>
      %dma_start3A_629 = arith.constant 0 : i32
      %dma_start3A_630 = arith.constant 0 : i32
      %dma_start3A_631 = tpu.memref_slice %arg2[%dma_start3A_629, %dma_start3A_630] : memref<10000x64xf32, #tpu.memory_space<hbm>> -> memref<10000x64xf32, #tpu.memory_space<hbm>>
      tpu.enqueue_indirect_dma source(%dma_start3A_631 : memref<10000x64xf32, #tpu.memory_space<hbm>>) target(%arg14 : memref<125x64xf32, #tpu.memory_space<vmem>>) offsets(%dma_start3A_628 : memref<125xi32, #tpu.memory_space<vmem>>) semaphore(%arg22 : memref<!tpu.dma_semaphore, #tpu.memory_space<semaphore_mem>>)
      %add3A_632 = arith.constant 7 : i32
      %add3A_633 = arith.addi %add3A_363, %add3A_632 : i32
      %dma_wait3A_634 = arith.constant 1 : i32
      %dma_wait3A_635 = arith.constant 0 : i32
      %dma_wait3A_636 = tpu.memref_slice %arg6[%dma_wait3A_634, %add3A_633, %dma_wait3A_635] : memref<2x80x125xi32, #tpu.memory_space<vmem>> -> memref<1x1x125xi32, #tpu.memory_space<vmem>>
      %dma_wait3A_637 = tpu.memref_squeeze %dma_wait3A_636 : memref<1x1x125xi32, #tpu.memory_space<vmem>> -> memref<125xi32, #tpu.memory_space<vmem>>
      %dma_wait3A_638 = arith.constant 0 : i32
      %dma_wait3A_639 = arith.constant 0 : i32
      %dma_wait3A_640 = tpu.memref_slice %arg5[%dma_wait3A_638, %dma_wait3A_639] : memref<10240x64xf32, #tpu.memory_space<vmem_shared>> -> memref<10240x64xf32, #tpu.memory_space<vmem_shared>>
      tpu.wait_indirect_dma semaphore(%arg31 : memref<!tpu.dma_semaphore, #tpu.memory_space<semaphore_mem>>) src(%arg15 : memref<125x64xf32, #tpu.memory_space<vmem>>) dst(%dma_wait3A_640 : memref<10240x64xf32, #tpu.memory_space<vmem_shared>>)
      %add3A_641 = arith.constant 7 : i32
      %add3A_642 = arith.addi %add3A_363, %add3A_641 : i32
      %add3A_643 = arith.constant 8 : i32
      %add3A_644 = arith.addi %add3A_642, %add3A_643 : i32
      %dma_start3A_645 = arith.constant 0 : i32
      %dma_start3A_646 = arith.constant 0 : i32
      %dma_start3A_647 = tpu.memref_slice %arg6[%dma_start3A_645, %add3A_644, %dma_start3A_646] : memref<2x80x125xi32, #tpu.memory_space<vmem>> -> memref<1x1x125xi32, #tpu.memory_space<vmem>>
      %dma_start3A_648 = tpu.memref_squeeze %dma_start3A_647 : memref<1x1x125xi32, #tpu.memory_space<vmem>> -> memref<125xi32, #tpu.memory_space<vmem>>
      %dma_start3A_649 = arith.constant 0 : i32
      %dma_start3A_650 = arith.constant 0 : i32
      %dma_start3A_651 = tpu.memref_slice %arg2[%dma_start3A_649, %dma_start3A_650] : memref<10000x64xf32, #tpu.memory_space<hbm>> -> memref<10000x64xf32, #tpu.memory_space<hbm>>
      tpu.enqueue_indirect_dma source(%dma_start3A_651 : memref<10000x64xf32, #tpu.memory_space<hbm>>) target(%arg15 : memref<125x64xf32, #tpu.memory_space<vmem>>) offsets(%dma_start3A_648 : memref<125xi32, #tpu.memory_space<vmem>>) semaphore(%arg23 : memref<!tpu.dma_semaphore, #tpu.memory_space<semaphore_mem>>)
    }
    %scan3A_165 = arith.constant 9 : i32
    %dma_wait3A_166 = arith.constant 0 : i32
    %dma_wait3A_167 = arith.constant 72 : i32
    %dma_wait3A_168 = arith.constant 0 : i32
    %dma_wait3A_169 = tpu.memref_slice %arg6[%dma_wait3A_166, %dma_wait3A_167, %dma_wait3A_168] : memref<2x80x125xi32, #tpu.memory_space<vmem>> -> memref<1x1x125xi32, #tpu.memory_space<vmem>>
    %dma_wait3A_170 = tpu.memref_squeeze %dma_wait3A_169 : memref<1x1x125xi32, #tpu.memory_space<vmem>> -> memref<125xi32, #tpu.memory_space<vmem>>
    %dma_wait3A_171 = arith.constant 0 : i32
    %dma_wait3A_172 = arith.constant 0 : i32
    %dma_wait3A_173 = tpu.memref_slice %arg2[%dma_wait3A_171, %dma_wait3A_172] : memref<10000x64xf32, #tpu.memory_space<hbm>> -> memref<10000x64xf32, #tpu.memory_space<hbm>>
    tpu.wait_indirect_dma semaphore(%arg16 : memref<!tpu.dma_semaphore, #tpu.memory_space<semaphore_mem>>) src(%dma_wait3A_173 : memref<10000x64xf32, #tpu.memory_space<hbm>>) dst(%arg8 : memref<125x64xf32, #tpu.memory_space<vmem>>)
    %dma_start3A_174 = arith.constant 1 : i32
    %dma_start3A_175 = arith.constant 72 : i32
    %dma_start3A_176 = arith.constant 0 : i32
    %dma_start3A_177 = tpu.memref_slice %arg6[%dma_start3A_174, %dma_start3A_175, %dma_start3A_176] : memref<2x80x125xi32, #tpu.memory_space<vmem>> -> memref<1x1x125xi32, #tpu.memory_space<vmem>>
    %dma_start3A_178 = tpu.memref_squeeze %dma_start3A_177 : memref<1x1x125xi32, #tpu.memory_space<vmem>> -> memref<125xi32, #tpu.memory_space<vmem>>
    %dma_start3A_179 = arith.constant 0 : i32
    %dma_start3A_180 = arith.constant 0 : i32
    %dma_start3A_181 = tpu.memref_slice %arg5[%dma_start3A_179, %dma_start3A_180] : memref<10240x64xf32, #tpu.memory_space<vmem_shared>> -> memref<10240x64xf32, #tpu.memory_space<vmem_shared>>
    tpu.enqueue_indirect_dma source(%arg8 : memref<125x64xf32, #tpu.memory_space<vmem>>) target(%dma_start3A_181 : memref<10240x64xf32, #tpu.memory_space<vmem_shared>>) offsets(%dma_start3A_178 : memref<125xi32, #tpu.memory_space<vmem>>) semaphore(%arg24 : memref<!tpu.dma_semaphore, #tpu.memory_space<semaphore_mem>>) {add = true}
    %dma_wait3A_182 = arith.constant 0 : i32
    %dma_wait3A_183 = arith.constant 73 : i32
    %dma_wait3A_184 = arith.constant 0 : i32
    %dma_wait3A_185 = tpu.memref_slice %arg6[%dma_wait3A_182, %dma_wait3A_183, %dma_wait3A_184] : memref<2x80x125xi32, #tpu.memory_space<vmem>> -> memref<1x1x125xi32, #tpu.memory_space<vmem>>
    %dma_wait3A_186 = tpu.memref_squeeze %dma_wait3A_185 : memref<1x1x125xi32, #tpu.memory_space<vmem>> -> memref<125xi32, #tpu.memory_space<vmem>>
    %dma_wait3A_187 = arith.constant 0 : i32
    %dma_wait3A_188 = arith.constant 0 : i32
    %dma_wait3A_189 = tpu.memref_slice %arg2[%dma_wait3A_187, %dma_wait3A_188] : memref<10000x64xf32, #tpu.memory_space<hbm>> -> memref<10000x64xf32, #tpu.memory_space<hbm>>
    tpu.wait_indirect_dma semaphore(%arg17 : memref<!tpu.dma_semaphore, #tpu.memory_space<semaphore_mem>>) src(%dma_wait3A_189 : memref<10000x64xf32, #tpu.memory_space<hbm>>) dst(%arg9 : memref<125x64xf32, #tpu.memory_space<vmem>>)
    %dma_start3A_190 = arith.constant 1 : i32
    %dma_start3A_191 = arith.constant 73 : i32
    %dma_start3A_192 = arith.constant 0 : i32
    %dma_start3A_193 = tpu.memref_slice %arg6[%dma_start3A_190, %dma_start3A_191, %dma_start3A_192] : memref<2x80x125xi32, #tpu.memory_space<vmem>> -> memref<1x1x125xi32, #tpu.memory_space<vmem>>
    %dma_start3A_194 = tpu.memref_squeeze %dma_start3A_193 : memref<1x1x125xi32, #tpu.memory_space<vmem>> -> memref<125xi32, #tpu.memory_space<vmem>>
    %dma_start3A_195 = arith.constant 0 : i32
    %dma_start3A_196 = arith.constant 0 : i32
    %dma_start3A_197 = tpu.memref_slice %arg5[%dma_start3A_195, %dma_start3A_196] : memref<10240x64xf32, #tpu.memory_space<vmem_shared>> -> memref<10240x64xf32, #tpu.memory_space<vmem_shared>>
    tpu.enqueue_indirect_dma source(%arg9 : memref<125x64xf32, #tpu.memory_space<vmem>>) target(%dma_start3A_197 : memref<10240x64xf32, #tpu.memory_space<vmem_shared>>) offsets(%dma_start3A_194 : memref<125xi32, #tpu.memory_space<vmem>>) semaphore(%arg25 : memref<!tpu.dma_semaphore, #tpu.memory_space<semaphore_mem>>) {add = true}
    %dma_wait3A_198 = arith.constant 0 : i32
    %dma_wait3A_199 = arith.constant 74 : i32
    %dma_wait3A_200 = arith.constant 0 : i32
    %dma_wait3A_201 = tpu.memref_slice %arg6[%dma_wait3A_198, %dma_wait3A_199, %dma_wait3A_200] : memref<2x80x125xi32, #tpu.memory_space<vmem>> -> memref<1x1x125xi32, #tpu.memory_space<vmem>>
    %dma_wait3A_202 = tpu.memref_squeeze %dma_wait3A_201 : memref<1x1x125xi32, #tpu.memory_space<vmem>> -> memref<125xi32, #tpu.memory_space<vmem>>
    %dma_wait3A_203 = arith.constant 0 : i32
    %dma_wait3A_204 = arith.constant 0 : i32
    %dma_wait3A_205 = tpu.memref_slice %arg2[%dma_wait3A_203, %dma_wait3A_204] : memref<10000x64xf32, #tpu.memory_space<hbm>> -> memref<10000x64xf32, #tpu.memory_space<hbm>>
    tpu.wait_indirect_dma semaphore(%arg18 : memref<!tpu.dma_semaphore, #tpu.memory_space<semaphore_mem>>) src(%dma_wait3A_205 : memref<10000x64xf32, #tpu.memory_space<hbm>>) dst(%arg10 : memref<125x64xf32, #tpu.memory_space<vmem>>)
    %dma_start3A_206 = arith.constant 1 : i32
    %dma_start3A_207 = arith.constant 74 : i32
    %dma_start3A_208 = arith.constant 0 : i32
    %dma_start3A_209 = tpu.memref_slice %arg6[%dma_start3A_206, %dma_start3A_207, %dma_start3A_208] : memref<2x80x125xi32, #tpu.memory_space<vmem>> -> memref<1x1x125xi32, #tpu.memory_space<vmem>>
    %dma_start3A_210 = tpu.memref_squeeze %dma_start3A_209 : memref<1x1x125xi32, #tpu.memory_space<vmem>> -> memref<125xi32, #tpu.memory_space<vmem>>
    %dma_start3A_211 = arith.constant 0 : i32
    %dma_start3A_212 = arith.constant 0 : i32
    %dma_start3A_213 = tpu.memref_slice %arg5[%dma_start3A_211, %dma_start3A_212] : memref<10240x64xf32, #tpu.memory_space<vmem_shared>> -> memref<10240x64xf32, #tpu.memory_space<vmem_shared>>
    tpu.enqueue_indirect_dma source(%arg10 : memref<125x64xf32, #tpu.memory_space<vmem>>) target(%dma_start3A_213 : memref<10240x64xf32, #tpu.memory_space<vmem_shared>>) offsets(%dma_start3A_210 : memref<125xi32, #tpu.memory_space<vmem>>) semaphore(%arg26 : memref<!tpu.dma_semaphore, #tpu.memory_space<semaphore_mem>>) {add = true}
    %dma_wait3A_214 = arith.constant 0 : i32
    %dma_wait3A_215 = arith.constant 75 : i32
    %dma_wait3A_216 = arith.constant 0 : i32
    %dma_wait3A_217 = tpu.memref_slice %arg6[%dma_wait3A_214, %dma_wait3A_215, %dma_wait3A_216] : memref<2x80x125xi32, #tpu.memory_space<vmem>> -> memref<1x1x125xi32, #tpu.memory_space<vmem>>
    %dma_wait3A_218 = tpu.memref_squeeze %dma_wait3A_217 : memref<1x1x125xi32, #tpu.memory_space<vmem>> -> memref<125xi32, #tpu.memory_space<vmem>>
    %dma_wait3A_219 = arith.constant 0 : i32
    %dma_wait3A_220 = arith.constant 0 : i32
    %dma_wait3A_221 = tpu.memref_slice %arg2[%dma_wait3A_219, %dma_wait3A_220] : memref<10000x64xf32, #tpu.memory_space<hbm>> -> memref<10000x64xf32, #tpu.memory_space<hbm>>
    tpu.wait_indirect_dma semaphore(%arg19 : memref<!tpu.dma_semaphore, #tpu.memory_space<semaphore_mem>>) src(%dma_wait3A_221 : memref<10000x64xf32, #tpu.memory_space<hbm>>) dst(%arg11 : memref<125x64xf32, #tpu.memory_space<vmem>>)
    %dma_start3A_222 = arith.constant 1 : i32
    %dma_start3A_223 = arith.constant 75 : i32
    %dma_start3A_224 = arith.constant 0 : i32
    %dma_start3A_225 = tpu.memref_slice %arg6[%dma_start3A_222, %dma_start3A_223, %dma_start3A_224] : memref<2x80x125xi32, #tpu.memory_space<vmem>> -> memref<1x1x125xi32, #tpu.memory_space<vmem>>
    %dma_start3A_226 = tpu.memref_squeeze %dma_start3A_225 : memref<1x1x125xi32, #tpu.memory_space<vmem>> -> memref<125xi32, #tpu.memory_space<vmem>>
    %dma_start3A_227 = arith.constant 0 : i32
    %dma_start3A_228 = arith.constant 0 : i32
    %dma_start3A_229 = tpu.memref_slice %arg5[%dma_start3A_227, %dma_start3A_228] : memref<10240x64xf32, #tpu.memory_space<vmem_shared>> -> memref<10240x64xf32, #tpu.memory_space<vmem_shared>>
    tpu.enqueue_indirect_dma source(%arg11 : memref<125x64xf32, #tpu.memory_space<vmem>>) target(%dma_start3A_229 : memref<10240x64xf32, #tpu.memory_space<vmem_shared>>) offsets(%dma_start3A_226 : memref<125xi32, #tpu.memory_space<vmem>>) semaphore(%arg27 : memref<!tpu.dma_semaphore, #tpu.memory_space<semaphore_mem>>) {add = true}
    %dma_wait3A_230 = arith.constant 0 : i32
    %dma_wait3A_231 = arith.constant 76 : i32
    %dma_wait3A_232 = arith.constant 0 : i32
    %dma_wait3A_233 = tpu.memref_slice %arg6[%dma_wait3A_230, %dma_wait3A_231, %dma_wait3A_232] : memref<2x80x125xi32, #tpu.memory_space<vmem>> -> memref<1x1x125xi32, #tpu.memory_space<vmem>>
    %dma_wait3A_234 = tpu.memref_squeeze %dma_wait3A_233 : memref<1x1x125xi32, #tpu.memory_space<vmem>> -> memref<125xi32, #tpu.memory_space<vmem>>
    %dma_wait3A_235 = arith.constant 0 : i32
    %dma_wait3A_236 = arith.constant 0 : i32
    %dma_wait3A_237 = tpu.memref_slice %arg2[%dma_wait3A_235, %dma_wait3A_236] : memref<10000x64xf32, #tpu.memory_space<hbm>> -> memref<10000x64xf32, #tpu.memory_space<hbm>>
    tpu.wait_indirect_dma semaphore(%arg20 : memref<!tpu.dma_semaphore, #tpu.memory_space<semaphore_mem>>) src(%dma_wait3A_237 : memref<10000x64xf32, #tpu.memory_space<hbm>>) dst(%arg12 : memref<125x64xf32, #tpu.memory_space<vmem>>)
    %dma_start3A_238 = arith.constant 1 : i32
    %dma_start3A_239 = arith.constant 76 : i32
    %dma_start3A_240 = arith.constant 0 : i32
    %dma_start3A_241 = tpu.memref_slice %arg6[%dma_start3A_238, %dma_start3A_239, %dma_start3A_240] : memref<2x80x125xi32, #tpu.memory_space<vmem>> -> memref<1x1x125xi32, #tpu.memory_space<vmem>>
    %dma_start3A_242 = tpu.memref_squeeze %dma_start3A_241 : memref<1x1x125xi32, #tpu.memory_space<vmem>> -> memref<125xi32, #tpu.memory_space<vmem>>
    %dma_start3A_243 = arith.constant 0 : i32
    %dma_start3A_244 = arith.constant 0 : i32
    %dma_start3A_245 = tpu.memref_slice %arg5[%dma_start3A_243, %dma_start3A_244] : memref<10240x64xf32, #tpu.memory_space<vmem_shared>> -> memref<10240x64xf32, #tpu.memory_space<vmem_shared>>
    tpu.enqueue_indirect_dma source(%arg12 : memref<125x64xf32, #tpu.memory_space<vmem>>) target(%dma_start3A_245 : memref<10240x64xf32, #tpu.memory_space<vmem_shared>>) offsets(%dma_start3A_242 : memref<125xi32, #tpu.memory_space<vmem>>) semaphore(%arg28 : memref<!tpu.dma_semaphore, #tpu.memory_space<semaphore_mem>>) {add = true}
    %dma_wait3A_246 = arith.constant 0 : i32
    %dma_wait3A_247 = arith.constant 77 : i32
    %dma_wait3A_248 = arith.constant 0 : i32
    %dma_wait3A_249 = tpu.memref_slice %arg6[%dma_wait3A_246, %dma_wait3A_247, %dma_wait3A_248] : memref<2x80x125xi32, #tpu.memory_space<vmem>> -> memref<1x1x125xi32, #tpu.memory_space<vmem>>
    %dma_wait3A_250 = tpu.memref_squeeze %dma_wait3A_249 : memref<1x1x125xi32, #tpu.memory_space<vmem>> -> memref<125xi32, #tpu.memory_space<vmem>>
    %dma_wait3A_251 = arith.constant 0 : i32
    %dma_wait3A_252 = arith.constant 0 : i32
    %dma_wait3A_253 = tpu.memref_slice %arg2[%dma_wait3A_251, %dma_wait3A_252] : memref<10000x64xf32, #tpu.memory_space<hbm>> -> memref<10000x64xf32, #tpu.memory_space<hbm>>
    tpu.wait_indirect_dma semaphore(%arg21 : memref<!tpu.dma_semaphore, #tpu.memory_space<semaphore_mem>>) src(%dma_wait3A_253 : memref<10000x64xf32, #tpu.memory_space<hbm>>) dst(%arg13 : memref<125x64xf32, #tpu.memory_space<vmem>>)
    %dma_start3A_254 = arith.constant 1 : i32
    %dma_start3A_255 = arith.constant 77 : i32
    %dma_start3A_256 = arith.constant 0 : i32
    %dma_start3A_257 = tpu.memref_slice %arg6[%dma_start3A_254, %dma_start3A_255, %dma_start3A_256] : memref<2x80x125xi32, #tpu.memory_space<vmem>> -> memref<1x1x125xi32, #tpu.memory_space<vmem>>
    %dma_start3A_258 = tpu.memref_squeeze %dma_start3A_257 : memref<1x1x125xi32, #tpu.memory_space<vmem>> -> memref<125xi32, #tpu.memory_space<vmem>>
    %dma_start3A_259 = arith.constant 0 : i32
    %dma_start3A_260 = arith.constant 0 : i32
    %dma_start3A_261 = tpu.memref_slice %arg5[%dma_start3A_259, %dma_start3A_260] : memref<10240x64xf32, #tpu.memory_space<vmem_shared>> -> memref<10240x64xf32, #tpu.memory_space<vmem_shared>>
    tpu.enqueue_indirect_dma source(%arg13 : memref<125x64xf32, #tpu.memory_space<vmem>>) target(%dma_start3A_261 : memref<10240x64xf32, #tpu.memory_space<vmem_shared>>) offsets(%dma_start3A_258 : memref<125xi32, #tpu.memory_space<vmem>>) semaphore(%arg29 : memref<!tpu.dma_semaphore, #tpu.memory_space<semaphore_mem>>) {add = true}
    %dma_wait3A_262 = arith.constant 0 : i32
    %dma_wait3A_263 = arith.constant 78 : i32
    %dma_wait3A_264 = arith.constant 0 : i32
    %dma_wait3A_265 = tpu.memref_slice %arg6[%dma_wait3A_262, %dma_wait3A_263, %dma_wait3A_264] : memref<2x80x125xi32, #tpu.memory_space<vmem>> -> memref<1x1x125xi32, #tpu.memory_space<vmem>>
    %dma_wait3A_266 = tpu.memref_squeeze %dma_wait3A_265 : memref<1x1x125xi32, #tpu.memory_space<vmem>> -> memref<125xi32, #tpu.memory_space<vmem>>
    %dma_wait3A_267 = arith.constant 0 : i32
    %dma_wait3A_268 = arith.constant 0 : i32
    %dma_wait3A_269 = tpu.memref_slice %arg2[%dma_wait3A_267, %dma_wait3A_268] : memref<10000x64xf32, #tpu.memory_space<hbm>> -> memref<10000x64xf32, #tpu.memory_space<hbm>>
    tpu.wait_indirect_dma semaphore(%arg22 : memref<!tpu.dma_semaphore, #tpu.memory_space<semaphore_mem>>) src(%dma_wait3A_269 : memref<10000x64xf32, #tpu.memory_space<hbm>>) dst(%arg14 : memref<125x64xf32, #tpu.memory_space<vmem>>)
    %dma_start3A_270 = arith.constant 1 : i32
    %dma_start3A_271 = arith.constant 78 : i32
    %dma_start3A_272 = arith.constant 0 : i32
    %dma_start3A_273 = tpu.memref_slice %arg6[%dma_start3A_270, %dma_start3A_271, %dma_start3A_272] : memref<2x80x125xi32, #tpu.memory_space<vmem>> -> memref<1x1x125xi32, #tpu.memory_space<vmem>>
    %dma_start3A_274 = tpu.memref_squeeze %dma_start3A_273 : memref<1x1x125xi32, #tpu.memory_space<vmem>> -> memref<125xi32, #tpu.memory_space<vmem>>
    %dma_start3A_275 = arith.constant 0 : i32
    %dma_start3A_276 = arith.constant 0 : i32
    %dma_start3A_277 = tpu.memref_slice %arg5[%dma_start3A_275, %dma_start3A_276] : memref<10240x64xf32, #tpu.memory_space<vmem_shared>> -> memref<10240x64xf32, #tpu.memory_space<vmem_shared>>
    tpu.enqueue_indirect_dma source(%arg14 : memref<125x64xf32, #tpu.memory_space<vmem>>) target(%dma_start3A_277 : memref<10240x64xf32, #tpu.memory_space<vmem_shared>>) offsets(%dma_start3A_274 : memref<125xi32, #tpu.memory_space<vmem>>) semaphore(%arg30 : memref<!tpu.dma_semaphore, #tpu.memory_space<semaphore_mem>>) {add = true}
    %dma_wait3A_278 = arith.constant 0 : i32
    %dma_wait3A_279 = arith.constant 79 : i32
    %dma_wait3A_280 = arith.constant 0 : i32
    %dma_wait3A_281 = tpu.memref_slice %arg6[%dma_wait3A_278, %dma_wait3A_279, %dma_wait3A_280] : memref<2x80x125xi32, #tpu.memory_space<vmem>> -> memref<1x1x125xi32, #tpu.memory_space<vmem>>
    %dma_wait3A_282 = tpu.memref_squeeze %dma_wait3A_281 : memref<1x1x125xi32, #tpu.memory_space<vmem>> -> memref<125xi32, #tpu.memory_space<vmem>>
    %dma_wait3A_283 = arith.constant 0 : i32
    %dma_wait3A_284 = arith.constant 0 : i32
    %dma_wait3A_285 = tpu.memref_slice %arg2[%dma_wait3A_283, %dma_wait3A_284] : memref<10000x64xf32, #tpu.memory_space<hbm>> -> memref<10000x64xf32, #tpu.memory_space<hbm>>
    tpu.wait_indirect_dma semaphore(%arg23 : memref<!tpu.dma_semaphore, #tpu.memory_space<semaphore_mem>>) src(%dma_wait3A_285 : memref<10000x64xf32, #tpu.memory_space<hbm>>) dst(%arg15 : memref<125x64xf32, #tpu.memory_space<vmem>>)
    %dma_start3A_286 = arith.constant 1 : i32
    %dma_start3A_287 = arith.constant 79 : i32
    %dma_start3A_288 = arith.constant 0 : i32
    %dma_start3A_289 = tpu.memref_slice %arg6[%dma_start3A_286, %dma_start3A_287, %dma_start3A_288] : memref<2x80x125xi32, #tpu.memory_space<vmem>> -> memref<1x1x125xi32, #tpu.memory_space<vmem>>
    %dma_start3A_290 = tpu.memref_squeeze %dma_start3A_289 : memref<1x1x125xi32, #tpu.memory_space<vmem>> -> memref<125xi32, #tpu.memory_space<vmem>>
    %dma_start3A_291 = arith.constant 0 : i32
    %dma_start3A_292 = arith.constant 0 : i32
    %dma_start3A_293 = tpu.memref_slice %arg5[%dma_start3A_291, %dma_start3A_292] : memref<10240x64xf32, #tpu.memory_space<vmem_shared>> -> memref<10240x64xf32, #tpu.memory_space<vmem_shared>>
    tpu.enqueue_indirect_dma source(%arg15 : memref<125x64xf32, #tpu.memory_space<vmem>>) target(%dma_start3A_293 : memref<10240x64xf32, #tpu.memory_space<vmem_shared>>) offsets(%dma_start3A_290 : memref<125xi32, #tpu.memory_space<vmem>>) semaphore(%arg31 : memref<!tpu.dma_semaphore, #tpu.memory_space<semaphore_mem>>) {add = true}
    %dma_wait3A_294 = arith.constant 1 : i32
    %dma_wait3A_295 = arith.constant 72 : i32
    %dma_wait3A_296 = arith.constant 0 : i32
    %dma_wait3A_297 = tpu.memref_slice %arg6[%dma_wait3A_294, %dma_wait3A_295, %dma_wait3A_296] : memref<2x80x125xi32, #tpu.memory_space<vmem>> -> memref<1x1x125xi32, #tpu.memory_space<vmem>>
    %dma_wait3A_298 = tpu.memref_squeeze %dma_wait3A_297 : memref<1x1x125xi32, #tpu.memory_space<vmem>> -> memref<125xi32, #tpu.memory_space<vmem>>
    %dma_wait3A_299 = arith.constant 0 : i32
    %dma_wait3A_300 = arith.constant 0 : i32
    %dma_wait3A_301 = tpu.memref_slice %arg5[%dma_wait3A_299, %dma_wait3A_300] : memref<10240x64xf32, #tpu.memory_space<vmem_shared>> -> memref<10240x64xf32, #tpu.memory_space<vmem_shared>>
    tpu.wait_indirect_dma semaphore(%arg24 : memref<!tpu.dma_semaphore, #tpu.memory_space<semaphore_mem>>) src(%arg8 : memref<125x64xf32, #tpu.memory_space<vmem>>) dst(%dma_wait3A_301 : memref<10240x64xf32, #tpu.memory_space<vmem_shared>>)
    %dma_wait3A_302 = arith.constant 1 : i32
    %dma_wait3A_303 = arith.constant 73 : i32
    %dma_wait3A_304 = arith.constant 0 : i32
    %dma_wait3A_305 = tpu.memref_slice %arg6[%dma_wait3A_302, %dma_wait3A_303, %dma_wait3A_304] : memref<2x80x125xi32, #tpu.memory_space<vmem>> -> memref<1x1x125xi32, #tpu.memory_space<vmem>>
    %dma_wait3A_306 = tpu.memref_squeeze %dma_wait3A_305 : memref<1x1x125xi32, #tpu.memory_space<vmem>> -> memref<125xi32, #tpu.memory_space<vmem>>
    %dma_wait3A_307 = arith.constant 0 : i32
    %dma_wait3A_308 = arith.constant 0 : i32
    %dma_wait3A_309 = tpu.memref_slice %arg5[%dma_wait3A_307, %dma_wait3A_308] : memref<10240x64xf32, #tpu.memory_space<vmem_shared>> -> memref<10240x64xf32, #tpu.memory_space<vmem_shared>>
    tpu.wait_indirect_dma semaphore(%arg25 : memref<!tpu.dma_semaphore, #tpu.memory_space<semaphore_mem>>) src(%arg9 : memref<125x64xf32, #tpu.memory_space<vmem>>) dst(%dma_wait3A_309 : memref<10240x64xf32, #tpu.memory_space<vmem_shared>>)
    %dma_wait3A_310 = arith.constant 1 : i32
    %dma_wait3A_311 = arith.constant 74 : i32
    %dma_wait3A_312 = arith.constant 0 : i32
    %dma_wait3A_313 = tpu.memref_slice %arg6[%dma_wait3A_310, %dma_wait3A_311, %dma_wait3A_312] : memref<2x80x125xi32, #tpu.memory_space<vmem>> -> memref<1x1x125xi32, #tpu.memory_space<vmem>>
    %dma_wait3A_314 = tpu.memref_squeeze %dma_wait3A_313 : memref<1x1x125xi32, #tpu.memory_space<vmem>> -> memref<125xi32, #tpu.memory_space<vmem>>
    %dma_wait3A_315 = arith.constant 0 : i32
    %dma_wait3A_316 = arith.constant 0 : i32
    %dma_wait3A_317 = tpu.memref_slice %arg5[%dma_wait3A_315, %dma_wait3A_316] : memref<10240x64xf32, #tpu.memory_space<vmem_shared>> -> memref<10240x64xf32, #tpu.memory_space<vmem_shared>>
    tpu.wait_indirect_dma semaphore(%arg26 : memref<!tpu.dma_semaphore, #tpu.memory_space<semaphore_mem>>) src(%arg10 : memref<125x64xf32, #tpu.memory_space<vmem>>) dst(%dma_wait3A_317 : memref<10240x64xf32, #tpu.memory_space<vmem_shared>>)
    %dma_wait3A_318 = arith.constant 1 : i32
    %dma_wait3A_319 = arith.constant 75 : i32
    %dma_wait3A_320 = arith.constant 0 : i32
    %dma_wait3A_321 = tpu.memref_slice %arg6[%dma_wait3A_318, %dma_wait3A_319, %dma_wait3A_320] : memref<2x80x125xi32, #tpu.memory_space<vmem>> -> memref<1x1x125xi32, #tpu.memory_space<vmem>>
    %dma_wait3A_322 = tpu.memref_squeeze %dma_wait3A_321 : memref<1x1x125xi32, #tpu.memory_space<vmem>> -> memref<125xi32, #tpu.memory_space<vmem>>
    %dma_wait3A_323 = arith.constant 0 : i32
    %dma_wait3A_324 = arith.constant 0 : i32
    %dma_wait3A_325 = tpu.memref_slice %arg5[%dma_wait3A_323, %dma_wait3A_324] : memref<10240x64xf32, #tpu.memory_space<vmem_shared>> -> memref<10240x64xf32, #tpu.memory_space<vmem_shared>>
    tpu.wait_indirect_dma semaphore(%arg27 : memref<!tpu.dma_semaphore, #tpu.memory_space<semaphore_mem>>) src(%arg11 : memref<125x64xf32, #tpu.memory_space<vmem>>) dst(%dma_wait3A_325 : memref<10240x64xf32, #tpu.memory_space<vmem_shared>>)
    %dma_wait3A_326 = arith.constant 1 : i32
    %dma_wait3A_327 = arith.constant 76 : i32
    %dma_wait3A_328 = arith.constant 0 : i32
    %dma_wait3A_329 = tpu.memref_slice %arg6[%dma_wait3A_326, %dma_wait3A_327, %dma_wait3A_328] : memref<2x80x125xi32, #tpu.memory_space<vmem>> -> memref<1x1x125xi32, #tpu.memory_space<vmem>>
    %dma_wait3A_330 = tpu.memref_squeeze %dma_wait3A_329 : memref<1x1x125xi32, #tpu.memory_space<vmem>> -> memref<125xi32, #tpu.memory_space<vmem>>
    %dma_wait3A_331 = arith.constant 0 : i32
    %dma_wait3A_332 = arith.constant 0 : i32
    %dma_wait3A_333 = tpu.memref_slice %arg5[%dma_wait3A_331, %dma_wait3A_332] : memref<10240x64xf32, #tpu.memory_space<vmem_shared>> -> memref<10240x64xf32, #tpu.memory_space<vmem_shared>>
    tpu.wait_indirect_dma semaphore(%arg28 : memref<!tpu.dma_semaphore, #tpu.memory_space<semaphore_mem>>) src(%arg12 : memref<125x64xf32, #tpu.memory_space<vmem>>) dst(%dma_wait3A_333 : memref<10240x64xf32, #tpu.memory_space<vmem_shared>>)
    %dma_wait3A_334 = arith.constant 1 : i32
    %dma_wait3A_335 = arith.constant 77 : i32
    %dma_wait3A_336 = arith.constant 0 : i32
    %dma_wait3A_337 = tpu.memref_slice %arg6[%dma_wait3A_334, %dma_wait3A_335, %dma_wait3A_336] : memref<2x80x125xi32, #tpu.memory_space<vmem>> -> memref<1x1x125xi32, #tpu.memory_space<vmem>>
    %dma_wait3A_338 = tpu.memref_squeeze %dma_wait3A_337 : memref<1x1x125xi32, #tpu.memory_space<vmem>> -> memref<125xi32, #tpu.memory_space<vmem>>
    %dma_wait3A_339 = arith.constant 0 : i32
    %dma_wait3A_340 = arith.constant 0 : i32
    %dma_wait3A_341 = tpu.memref_slice %arg5[%dma_wait3A_339, %dma_wait3A_340] : memref<10240x64xf32, #tpu.memory_space<vmem_shared>> -> memref<10240x64xf32, #tpu.memory_space<vmem_shared>>
    tpu.wait_indirect_dma semaphore(%arg29 : memref<!tpu.dma_semaphore, #tpu.memory_space<semaphore_mem>>) src(%arg13 : memref<125x64xf32, #tpu.memory_space<vmem>>) dst(%dma_wait3A_341 : memref<10240x64xf32, #tpu.memory_space<vmem_shared>>)
    %dma_wait3A_342 = arith.constant 1 : i32
    %dma_wait3A_343 = arith.constant 78 : i32
    %dma_wait3A_344 = arith.constant 0 : i32
    %dma_wait3A_345 = tpu.memref_slice %arg6[%dma_wait3A_342, %dma_wait3A_343, %dma_wait3A_344] : memref<2x80x125xi32, #tpu.memory_space<vmem>> -> memref<1x1x125xi32, #tpu.memory_space<vmem>>
    %dma_wait3A_346 = tpu.memref_squeeze %dma_wait3A_345 : memref<1x1x125xi32, #tpu.memory_space<vmem>> -> memref<125xi32, #tpu.memory_space<vmem>>
    %dma_wait3A_347 = arith.constant 0 : i32
    %dma_wait3A_348 = arith.constant 0 : i32
    %dma_wait3A_349 = tpu.memref_slice %arg5[%dma_wait3A_347, %dma_wait3A_348] : memref<10240x64xf32, #tpu.memory_space<vmem_shared>> -> memref<10240x64xf32, #tpu.memory_space<vmem_shared>>
    tpu.wait_indirect_dma semaphore(%arg30 : memref<!tpu.dma_semaphore, #tpu.memory_space<semaphore_mem>>) src(%arg14 : memref<125x64xf32, #tpu.memory_space<vmem>>) dst(%dma_wait3A_349 : memref<10240x64xf32, #tpu.memory_space<vmem_shared>>)
    %dma_wait3A_350 = arith.constant 1 : i32
    %dma_wait3A_351 = arith.constant 79 : i32
    %dma_wait3A_352 = arith.constant 0 : i32
    %dma_wait3A_353 = tpu.memref_slice %arg6[%dma_wait3A_350, %dma_wait3A_351, %dma_wait3A_352] : memref<2x80x125xi32, #tpu.memory_space<vmem>> -> memref<1x1x125xi32, #tpu.memory_space<vmem>>
    %dma_wait3A_354 = tpu.memref_squeeze %dma_wait3A_353 : memref<1x1x125xi32, #tpu.memory_space<vmem>> -> memref<125xi32, #tpu.memory_space<vmem>>
    %dma_wait3A_355 = arith.constant 0 : i32
    %dma_wait3A_356 = arith.constant 0 : i32
    %dma_wait3A_357 = tpu.memref_slice %arg5[%dma_wait3A_355, %dma_wait3A_356] : memref<10240x64xf32, #tpu.memory_space<vmem_shared>> -> memref<10240x64xf32, #tpu.memory_space<vmem_shared>>
    tpu.wait_indirect_dma semaphore(%arg31 : memref<!tpu.dma_semaphore, #tpu.memory_space<semaphore_mem>>) src(%arg15 : memref<125x64xf32, #tpu.memory_space<vmem>>) dst(%dma_wait3A_357 : memref<10240x64xf32, #tpu.memory_space<vmem_shared>>)
    %barrier3A_358 = arith.constant 0 : index
    tpu.barrier barrier_id(%barrier3A_358)
    "tpu.region"() ({
      %run_scoped3A = tpu.sem_alloc : memref<!tpu.dma_semaphore, #tpu.memory_space<semaphore_mem>>
      %dma_start3A_359 = arith.constant 0 : i32
      %dma_start3A_360 = tpu.memref_slice %arg4[%arg0, %mul3A_2, %dma_start3A_359] : memref<2x10240x64xf32, #tpu.memory_space<hbm>> -> memref<1x640x64xf32, #tpu.memory_space<hbm>>
      %dma_start3A_361 = tpu.memref_squeeze %dma_start3A_360 : memref<1x640x64xf32, #tpu.memory_space<hbm>> -> memref<640x64xf32, #tpu.memory_space<hbm>>
      %dma_start3A_362 = arith.constant 0 : i32
      %dma_start3A_363 = tpu.memref_slice %arg5[%mul3A_2, %dma_start3A_362] : memref<10240x64xf32, #tpu.memory_space<vmem_shared>> -> memref<640x64xf32, #tpu.memory_space<vmem_shared>>
      tpu.enqueue_dma source(%dma_start3A_363 : memref<640x64xf32, #tpu.memory_space<vmem_shared>>) target(%dma_start3A_361 : memref<640x64xf32, #tpu.memory_space<hbm>>) target_semaphore(%run_scoped3A : memref<!tpu.dma_semaphore, #tpu.memory_space<semaphore_mem>>)
      %dma_wait3A_364 = arith.constant 0 : i32
      %dma_wait3A_365 = tpu.memref_slice %arg4[%arg0, %mul3A_2, %dma_wait3A_364] : memref<2x10240x64xf32, #tpu.memory_space<hbm>> -> memref<1x640x64xf32, #tpu.memory_space<hbm>>
      %dma_wait3A_366 = tpu.memref_squeeze %dma_wait3A_365 : memref<1x640x64xf32, #tpu.memory_space<hbm>> -> memref<640x64xf32, #tpu.memory_space<hbm>>
      %dma_wait3A_367 = arith.constant 0 : i32
      %dma_wait3A_368 = tpu.memref_slice %arg5[%mul3A_2, %dma_wait3A_367] : memref<10240x64xf32, #tpu.memory_space<vmem_shared>> -> memref<640x64xf32, #tpu.memory_space<vmem_shared>>
      tpu.wait_dma2 semaphore(%run_scoped3A : memref<!tpu.dma_semaphore, #tpu.memory_space<semaphore_mem>>) src(%dma_wait3A_368 : memref<640x64xf32, #tpu.memory_space<vmem_shared>>) dst(%dma_wait3A_366 : memref<640x64xf32, #tpu.memory_space<hbm>>)
      tpu.yield
    }) : () -> ()
    return
  }
}

#map = affine_map<(d0, d1) -> (0, 0)>
#map1 = affine_map<(d0, d1) -> (0, 0, 0, 0)>
#map2 = affine_map<(d0, d1) -> (0, 0, 0)>
module attributes {stable_mosaic.version = 14 : i64} {
  func.func @_sc_agg_body(%arg0: i32, %arg1: i32, %arg2: memref<10000x80xf32, #tpu.memory_space<hbm>>, %arg3: memref<2x32x80x125xi32, #tpu.memory_space<hbm>>, %arg4: memref<2x10240x80xf32, #tpu.memory_space<hbm>>, %arg5: memref<10240x80xf32, #tpu.memory_space<vmem_shared>>, %arg6: memref<2x80x125xi32, #tpu.memory_space<vmem>>, %arg7: memref<64x80xf32, #tpu.memory_space<vmem>>, %arg8: memref<125x80xf32, #tpu.memory_space<vmem>>, %arg9: memref<125x80xf32, #tpu.memory_space<vmem>>, %arg10: memref<125x80xf32, #tpu.memory_space<vmem>>, %arg11: memref<125x80xf32, #tpu.memory_space<vmem>>, %arg12: memref<125x80xf32, #tpu.memory_space<vmem>>, %arg13: memref<!tpu.dma_semaphore, #tpu.memory_space<semaphore_mem>>, %arg14: memref<!tpu.dma_semaphore, #tpu.memory_space<semaphore_mem>>, %arg15: memref<!tpu.dma_semaphore, #tpu.memory_space<semaphore_mem>>, %arg16: memref<!tpu.dma_semaphore, #tpu.memory_space<semaphore_mem>>, %arg17: memref<!tpu.dma_semaphore, #tpu.memory_space<semaphore_mem>>, %arg18: memref<!tpu.dma_semaphore, #tpu.memory_space<semaphore_mem>>, %arg19: memref<!tpu.dma_semaphore, #tpu.memory_space<semaphore_mem>>, %arg20: memref<!tpu.dma_semaphore, #tpu.memory_space<semaphore_mem>>, %arg21: memref<!tpu.dma_semaphore, #tpu.memory_space<semaphore_mem>>, %arg22: memref<!tpu.dma_semaphore, #tpu.memory_space<semaphore_mem>>) attributes {dimension_semantics = [#tpu.dimension_semantics<core_parallel>, #tpu.dimension_semantics<subcore_parallel>], iteration_bounds = array<i64: 2, 16>, scalar_prefetch = 0 : i64, scratch_operands = 18 : i64, tpu.core_type = #tpu.core_type<sc_vector_subcore>, window_params = [{transform_indices = #map}, {transform_indices = #map1}, {transform_indices = #map2}]} {
    %mul3A = arith.constant 16 : i32
    %mul3A_0 = arith.muli %arg0, %mul3A : i32
    %add3A = arith.addi %mul3A_0, %arg1 : i32
    %mul3A_1 = arith.constant 640 : i32
    %mul3A_2 = arith.muli %arg1, %mul3A_1 : i32
    %dma_start3A = arith.constant 0 : i32
    %dma_start3A_3 = arith.constant 0 : i32
    %dma_start3A_4 = arith.constant 0 : i32
    %dma_start3A_5 = arith.constant 0 : i32
    %dma_start3A_6 = tpu.memref_slice %arg6[%dma_start3A_3, %dma_start3A_4, %dma_start3A_5] : memref<2x80x125xi32, #tpu.memory_space<vmem>> -> memref<1x80x125xi32, #tpu.memory_space<vmem>>
    %dma_start3A_7 = tpu.memref_squeeze %dma_start3A_6 : memref<1x80x125xi32, #tpu.memory_space<vmem>> -> memref<80x125xi32, #tpu.memory_space<vmem>>
    %dma_start3A_8 = arith.constant 0 : i32
    %dma_start3A_9 = arith.constant 0 : i32
    %dma_start3A_10 = tpu.memref_slice %arg3[%dma_start3A, %add3A, %dma_start3A_8, %dma_start3A_9] : memref<2x32x80x125xi32, #tpu.memory_space<hbm>> -> memref<1x1x80x125xi32, #tpu.memory_space<hbm>>
    %dma_start3A_11 = tpu.memref_squeeze %dma_start3A_10 : memref<1x1x80x125xi32, #tpu.memory_space<hbm>> -> memref<80x125xi32, #tpu.memory_space<hbm>>
    %dma_start3A_12 = arith.constant 0 : i32
    %dma_start3A_13 = arith.constant 0 : i32
    %dma_start3A_14 = tpu.memref_slice %arg6[%dma_start3A_3, %dma_start3A_12, %dma_start3A_13] : memref<2x80x125xi32, #tpu.memory_space<vmem>> -> memref<1x80x125xi32, #tpu.memory_space<vmem>>
    %dma_start3A_15 = tpu.memref_squeeze %dma_start3A_14 : memref<1x80x125xi32, #tpu.memory_space<vmem>> -> memref<80x125xi32, #tpu.memory_space<vmem>>
    %dma_start3A_16 = arith.constant 0 : i32
    %dma_start3A_17 = arith.constant 0 : i32
    %dma_start3A_18 = tpu.memref_slice %arg3[%dma_start3A, %add3A, %dma_start3A_16, %dma_start3A_17] : memref<2x32x80x125xi32, #tpu.memory_space<hbm>> -> memref<1x1x80x125xi32, #tpu.memory_space<hbm>>
    %dma_start3A_19 = tpu.memref_squeeze %dma_start3A_18 : memref<1x1x80x125xi32, #tpu.memory_space<hbm>> -> memref<80x125xi32, #tpu.memory_space<hbm>>
    tpu.enqueue_dma source(%dma_start3A_19 : memref<80x125xi32, #tpu.memory_space<hbm>>) target(%dma_start3A_15 : memref<80x125xi32, #tpu.memory_space<vmem>>) target_semaphore(%arg13 : memref<!tpu.dma_semaphore, #tpu.memory_space<semaphore_mem>>)
    %dma_start3A_20 = arith.constant 1 : i32
    %dma_start3A_21 = arith.constant 1 : i32
    %dma_start3A_22 = arith.constant 0 : i32
    %dma_start3A_23 = arith.constant 0 : i32
    %dma_start3A_24 = tpu.memref_slice %arg6[%dma_start3A_21, %dma_start3A_22, %dma_start3A_23] : memref<2x80x125xi32, #tpu.memory_space<vmem>> -> memref<1x80x125xi32, #tpu.memory_space<vmem>>
    %dma_start3A_25 = tpu.memref_squeeze %dma_start3A_24 : memref<1x80x125xi32, #tpu.memory_space<vmem>> -> memref<80x125xi32, #tpu.memory_space<vmem>>
    %dma_start3A_26 = arith.constant 0 : i32
    %dma_start3A_27 = arith.constant 0 : i32
    %dma_start3A_28 = tpu.memref_slice %arg3[%dma_start3A_20, %add3A, %dma_start3A_26, %dma_start3A_27] : memref<2x32x80x125xi32, #tpu.memory_space<hbm>> -> memref<1x1x80x125xi32, #tpu.memory_space<hbm>>
    %dma_start3A_29 = tpu.memref_squeeze %dma_start3A_28 : memref<1x1x80x125xi32, #tpu.memory_space<hbm>> -> memref<80x125xi32, #tpu.memory_space<hbm>>
    %dma_start3A_30 = arith.constant 0 : i32
    %dma_start3A_31 = arith.constant 0 : i32
    %dma_start3A_32 = tpu.memref_slice %arg6[%dma_start3A_21, %dma_start3A_30, %dma_start3A_31] : memref<2x80x125xi32, #tpu.memory_space<vmem>> -> memref<1x80x125xi32, #tpu.memory_space<vmem>>
    %dma_start3A_33 = tpu.memref_squeeze %dma_start3A_32 : memref<1x80x125xi32, #tpu.memory_space<vmem>> -> memref<80x125xi32, #tpu.memory_space<vmem>>
    %dma_start3A_34 = arith.constant 0 : i32
    %dma_start3A_35 = arith.constant 0 : i32
    %dma_start3A_36 = tpu.memref_slice %arg3[%dma_start3A_20, %add3A, %dma_start3A_34, %dma_start3A_35] : memref<2x32x80x125xi32, #tpu.memory_space<hbm>> -> memref<1x1x80x125xi32, #tpu.memory_space<hbm>>
    %dma_start3A_37 = tpu.memref_squeeze %dma_start3A_36 : memref<1x1x80x125xi32, #tpu.memory_space<hbm>> -> memref<80x125xi32, #tpu.memory_space<hbm>>
    tpu.enqueue_dma source(%dma_start3A_37 : memref<80x125xi32, #tpu.memory_space<hbm>>) target(%dma_start3A_33 : memref<80x125xi32, #tpu.memory_space<vmem>>) target_semaphore(%arg14 : memref<!tpu.dma_semaphore, #tpu.memory_space<semaphore_mem>>)
    %scan3A = arith.constant 0 : i32
    %scan3A_38 = arith.constant 64 : i32
    %scan3A_39 = arith.addi %scan3A, %scan3A_38 : i32
    %scan3A_40 = arith.constant 1 : i32
    scf.for %scan3A_263 = %scan3A to %scan3A_39 step %scan3A_40  : i32 {
      %mul3A_264 = arith.constant 1 : i32
      %mul3A_265 = arith.muli %scan3A_263, %mul3A_264 : i32
      %add3A_266 = arith.constant 0 : i32
      %add3A_267 = arith.addi %add3A_266, %mul3A_265 : i32
      %broadcast_in_dim3A = arith.constant 0.000000e+00 : f32
      %broadcast_in_dim3A_268 = vector.broadcast %broadcast_in_dim3A : f32 to vector<16xf32>
      %swap3A = arith.index_cast %add3A_267 : i32 to index
      %swap3A_269 = arith.constant 0 : index
      %swap3A_270 = tpu.vector_load %arg7[%swap3A, %swap3A_269] {strides = array<i32>} : memref<64x80xf32, #tpu.memory_space<vmem>>, vector<1x16xf32>,
      %swap3A_271 = vector.shape_cast %swap3A_270 : vector<1x16xf32> to vector<16xf32>
      %swap3A_272 = vector.shape_cast %broadcast_in_dim3A_268 : vector<16xf32> to vector<1x16xf32>
      tpu.vector_store %arg7[%swap3A, %swap3A_269], %swap3A_272 {strides = array<i32>} : memref<64x80xf32, #tpu.memory_space<vmem>>, vector<1x16xf32>,
      %broadcast_in_dim3A_273 = arith.constant 0.000000e+00 : f32
      %broadcast_in_dim3A_274 = vector.broadcast %broadcast_in_dim3A_273 : f32 to vector<16xf32>
      %swap3A_275 = arith.index_cast %add3A_267 : i32 to index
      %swap3A_276 = arith.constant 16 : index
      %swap3A_277 = tpu.vector_load %arg7[%swap3A_275, %swap3A_276] {strides = array<i32>} : memref<64x80xf32, #tpu.memory_space<vmem>>, vector<1x16xf32>,
      %swap3A_278 = vector.shape_cast %swap3A_277 : vector<1x16xf32> to vector<16xf32>
      %swap3A_279 = vector.shape_cast %broadcast_in_dim3A_274 : vector<16xf32> to vector<1x16xf32>
      tpu.vector_store %arg7[%swap3A_275, %swap3A_276], %swap3A_279 {strides = array<i32>} : memref<64x80xf32, #tpu.memory_space<vmem>>, vector<1x16xf32>,
      %broadcast_in_dim3A_280 = arith.constant 0.000000e+00 : f32
      %broadcast_in_dim3A_281 = vector.broadcast %broadcast_in_dim3A_280 : f32 to vector<16xf32>
      %swap3A_282 = arith.index_cast %add3A_267 : i32 to index
      %swap3A_283 = arith.constant 32 : index
      %swap3A_284 = tpu.vector_load %arg7[%swap3A_282, %swap3A_283] {strides = array<i32>} : memref<64x80xf32, #tpu.memory_space<vmem>>, vector<1x16xf32>,
      %swap3A_285 = vector.shape_cast %swap3A_284 : vector<1x16xf32> to vector<16xf32>
      %swap3A_286 = vector.shape_cast %broadcast_in_dim3A_281 : vector<16xf32> to vector<1x16xf32>
      tpu.vector_store %arg7[%swap3A_282, %swap3A_283], %swap3A_286 {strides = array<i32>} : memref<64x80xf32, #tpu.memory_space<vmem>>, vector<1x16xf32>,
      %broadcast_in_dim3A_287 = arith.constant 0.000000e+00 : f32
      %broadcast_in_dim3A_288 = vector.broadcast %broadcast_in_dim3A_287 : f32 to vector<16xf32>
      %swap3A_289 = arith.index_cast %add3A_267 : i32 to index
      %swap3A_290 = arith.constant 48 : index
      %swap3A_291 = tpu.vector_load %arg7[%swap3A_289, %swap3A_290] {strides = array<i32>} : memref<64x80xf32, #tpu.memory_space<vmem>>, vector<1x16xf32>,
      %swap3A_292 = vector.shape_cast %swap3A_291 : vector<1x16xf32> to vector<16xf32>
      %swap3A_293 = vector.shape_cast %broadcast_in_dim3A_288 : vector<16xf32> to vector<1x16xf32>
      tpu.vector_store %arg7[%swap3A_289, %swap3A_290], %swap3A_293 {strides = array<i32>} : memref<64x80xf32, #tpu.memory_space<vmem>>, vector<1x16xf32>,
      %broadcast_in_dim3A_294 = arith.constant 0.000000e+00 : f32
      %broadcast_in_dim3A_295 = vector.broadcast %broadcast_in_dim3A_294 : f32 to vector<16xf32>
      %swap3A_296 = arith.index_cast %add3A_267 : i32 to index
      %swap3A_297 = arith.constant 64 : index
      %swap3A_298 = tpu.vector_load %arg7[%swap3A_296, %swap3A_297] {strides = array<i32>} : memref<64x80xf32, #tpu.memory_space<vmem>>, vector<1x16xf32>,
      %swap3A_299 = vector.shape_cast %swap3A_298 : vector<1x16xf32> to vector<16xf32>
      %swap3A_300 = vector.shape_cast %broadcast_in_dim3A_295 : vector<16xf32> to vector<1x16xf32>
      tpu.vector_store %arg7[%swap3A_296, %swap3A_297], %swap3A_300 {strides = array<i32>} : memref<64x80xf32, #tpu.memory_space<vmem>>, vector<1x16xf32>,
    }
    %scan3A_41 = arith.constant 64 : i32
    %dma_wait3A = arith.constant 0 : i32
    %dma_wait3A_42 = arith.constant 0 : i32
    %dma_wait3A_43 = arith.constant 0 : i32
    %dma_wait3A_44 = arith.constant 0 : i32
    %dma_wait3A_45 = tpu.memref_slice %arg6[%dma_wait3A_42, %dma_wait3A_43, %dma_wait3A_44] : memref<2x80x125xi32, #tpu.memory_space<vmem>> -> memref<1x80x125xi32, #tpu.memory_space<vmem>>
    %dma_wait3A_46 = tpu.memref_squeeze %dma_wait3A_45 : memref<1x80x125xi32, #tpu.memory_space<vmem>> -> memref<80x125xi32, #tpu.memory_space<vmem>>
    %dma_wait3A_47 = arith.constant 0 : i32
    %dma_wait3A_48 = arith.constant 0 : i32
    %dma_wait3A_49 = tpu.memref_slice %arg3[%dma_wait3A, %add3A, %dma_wait3A_47, %dma_wait3A_48] : memref<2x32x80x125xi32, #tpu.memory_space<hbm>> -> memref<1x1x80x125xi32, #tpu.memory_space<hbm>>
    %dma_wait3A_50 = tpu.memref_squeeze %dma_wait3A_49 : memref<1x1x80x125xi32, #tpu.memory_space<hbm>> -> memref<80x125xi32, #tpu.memory_space<hbm>>
    %dma_wait3A_51 = arith.constant 0 : i32
    %dma_wait3A_52 = arith.constant 0 : i32
    %dma_wait3A_53 = tpu.memref_slice %arg6[%dma_wait3A_42, %dma_wait3A_51, %dma_wait3A_52] : memref<2x80x125xi32, #tpu.memory_space<vmem>> -> memref<1x80x125xi32, #tpu.memory_space<vmem>>
    %dma_wait3A_54 = tpu.memref_squeeze %dma_wait3A_53 : memref<1x80x125xi32, #tpu.memory_space<vmem>> -> memref<80x125xi32, #tpu.memory_space<vmem>>
    %dma_wait3A_55 = arith.constant 0 : i32
    %dma_wait3A_56 = arith.constant 0 : i32
    %dma_wait3A_57 = tpu.memref_slice %arg3[%dma_wait3A, %add3A, %dma_wait3A_55, %dma_wait3A_56] : memref<2x32x80x125xi32, #tpu.memory_space<hbm>> -> memref<1x1x80x125xi32, #tpu.memory_space<hbm>>
    %dma_wait3A_58 = tpu.memref_squeeze %dma_wait3A_57 : memref<1x1x80x125xi32, #tpu.memory_space<hbm>> -> memref<80x125xi32, #tpu.memory_space<hbm>>
    tpu.wait_dma2 semaphore(%arg13 : memref<!tpu.dma_semaphore, #tpu.memory_space<semaphore_mem>>) src(%dma_wait3A_58 : memref<80x125xi32, #tpu.memory_space<hbm>>) dst(%dma_wait3A_54 : memref<80x125xi32, #tpu.memory_space<vmem>>)
    %dma_wait3A_59 = arith.constant 1 : i32
    %dma_wait3A_60 = arith.constant 1 : i32
    %dma_wait3A_61 = arith.constant 0 : i32
    %dma_wait3A_62 = arith.constant 0 : i32
    %dma_wait3A_63 = tpu.memref_slice %arg6[%dma_wait3A_60, %dma_wait3A_61, %dma_wait3A_62] : memref<2x80x125xi32, #tpu.memory_space<vmem>> -> memref<1x80x125xi32, #tpu.memory_space<vmem>>
    %dma_wait3A_64 = tpu.memref_squeeze %dma_wait3A_63 : memref<1x80x125xi32, #tpu.memory_space<vmem>> -> memref<80x125xi32, #tpu.memory_space<vmem>>
    %dma_wait3A_65 = arith.constant 0 : i32
    %dma_wait3A_66 = arith.constant 0 : i32
    %dma_wait3A_67 = tpu.memref_slice %arg3[%dma_wait3A_59, %add3A, %dma_wait3A_65, %dma_wait3A_66] : memref<2x32x80x125xi32, #tpu.memory_space<hbm>> -> memref<1x1x80x125xi32, #tpu.memory_space<hbm>>
    %dma_wait3A_68 = tpu.memref_squeeze %dma_wait3A_67 : memref<1x1x80x125xi32, #tpu.memory_space<hbm>> -> memref<80x125xi32, #tpu.memory_space<hbm>>
    %dma_wait3A_69 = arith.constant 0 : i32
    %dma_wait3A_70 = arith.constant 0 : i32
    %dma_wait3A_71 = tpu.memref_slice %arg6[%dma_wait3A_60, %dma_wait3A_69, %dma_wait3A_70] : memref<2x80x125xi32, #tpu.memory_space<vmem>> -> memref<1x80x125xi32, #tpu.memory_space<vmem>>
    %dma_wait3A_72 = tpu.memref_squeeze %dma_wait3A_71 : memref<1x80x125xi32, #tpu.memory_space<vmem>> -> memref<80x125xi32, #tpu.memory_space<vmem>>
    %dma_wait3A_73 = arith.constant 0 : i32
    %dma_wait3A_74 = arith.constant 0 : i32
    %dma_wait3A_75 = tpu.memref_slice %arg3[%dma_wait3A_59, %add3A, %dma_wait3A_73, %dma_wait3A_74] : memref<2x32x80x125xi32, #tpu.memory_space<hbm>> -> memref<1x1x80x125xi32, #tpu.memory_space<hbm>>
    %dma_wait3A_76 = tpu.memref_squeeze %dma_wait3A_75 : memref<1x1x80x125xi32, #tpu.memory_space<hbm>> -> memref<80x125xi32, #tpu.memory_space<hbm>>
    tpu.wait_dma2 semaphore(%arg14 : memref<!tpu.dma_semaphore, #tpu.memory_space<semaphore_mem>>) src(%dma_wait3A_76 : memref<80x125xi32, #tpu.memory_space<hbm>>) dst(%dma_wait3A_72 : memref<80x125xi32, #tpu.memory_space<vmem>>)
    %dma_start3A_77 = arith.constant 0 : i32
    %dma_start3A_78 = arith.constant 0 : i32
    %dma_start3A_79 = arith.constant 0 : i32
    %dma_start3A_80 = tpu.memref_slice %arg6[%dma_start3A_77, %dma_start3A_78, %dma_start3A_79] : memref<2x80x125xi32, #tpu.memory_space<vmem>> -> memref<1x1x125xi32, #tpu.memory_space<vmem>>
    %dma_start3A_81 = tpu.memref_squeeze %dma_start3A_80 : memref<1x1x125xi32, #tpu.memory_space<vmem>> -> memref<125xi32, #tpu.memory_space<vmem>>
    %dma_start3A_82 = arith.constant 0 : i32
    %dma_start3A_83 = arith.constant 0 : i32
    %dma_start3A_84 = tpu.memref_slice %arg2[%dma_start3A_82, %dma_start3A_83] : memref<10000x80xf32, #tpu.memory_space<hbm>> -> memref<10000x80xf32, #tpu.memory_space<hbm>>
    tpu.enqueue_indirect_dma source(%dma_start3A_84 : memref<10000x80xf32, #tpu.memory_space<hbm>>) target(%arg8 : memref<125x80xf32, #tpu.memory_space<vmem>>) offsets(%dma_start3A_81 : memref<125xi32, #tpu.memory_space<vmem>>) semaphore(%arg13 : memref<!tpu.dma_semaphore, #tpu.memory_space<semaphore_mem>>)
    %dma_start3A_85 = arith.constant 0 : i32
    %dma_start3A_86 = arith.constant 1 : i32
    %dma_start3A_87 = arith.constant 0 : i32
    %dma_start3A_88 = tpu.memref_slice %arg6[%dma_start3A_85, %dma_start3A_86, %dma_start3A_87] : memref<2x80x125xi32, #tpu.memory_space<vmem>> -> memref<1x1x125xi32, #tpu.memory_space<vmem>>
    %dma_start3A_89 = tpu.memref_squeeze %dma_start3A_88 : memref<1x1x125xi32, #tpu.memory_space<vmem>> -> memref<125xi32, #tpu.memory_space<vmem>>
    %dma_start3A_90 = arith.constant 0 : i32
    %dma_start3A_91 = arith.constant 0 : i32
    %dma_start3A_92 = tpu.memref_slice %arg2[%dma_start3A_90, %dma_start3A_91] : memref<10000x80xf32, #tpu.memory_space<hbm>> -> memref<10000x80xf32, #tpu.memory_space<hbm>>
    tpu.enqueue_indirect_dma source(%dma_start3A_92 : memref<10000x80xf32, #tpu.memory_space<hbm>>) target(%arg9 : memref<125x80xf32, #tpu.memory_space<vmem>>) offsets(%dma_start3A_89 : memref<125xi32, #tpu.memory_space<vmem>>) semaphore(%arg14 : memref<!tpu.dma_semaphore, #tpu.memory_space<semaphore_mem>>)
    %dma_start3A_93 = arith.constant 0 : i32
    %dma_start3A_94 = arith.constant 2 : i32
    %dma_start3A_95 = arith.constant 0 : i32
    %dma_start3A_96 = tpu.memref_slice %arg6[%dma_start3A_93, %dma_start3A_94, %dma_start3A_95] : memref<2x80x125xi32, #tpu.memory_space<vmem>> -> memref<1x1x125xi32, #tpu.memory_space<vmem>>
    %dma_start3A_97 = tpu.memref_squeeze %dma_start3A_96 : memref<1x1x125xi32, #tpu.memory_space<vmem>> -> memref<125xi32, #tpu.memory_space<vmem>>
    %dma_start3A_98 = arith.constant 0 : i32
    %dma_start3A_99 = arith.constant 0 : i32
    %dma_start3A_100 = tpu.memref_slice %arg2[%dma_start3A_98, %dma_start3A_99] : memref<10000x80xf32, #tpu.memory_space<hbm>> -> memref<10000x80xf32, #tpu.memory_space<hbm>>
    tpu.enqueue_indirect_dma source(%dma_start3A_100 : memref<10000x80xf32, #tpu.memory_space<hbm>>) target(%arg10 : memref<125x80xf32, #tpu.memory_space<vmem>>) offsets(%dma_start3A_97 : memref<125xi32, #tpu.memory_space<vmem>>) semaphore(%arg15 : memref<!tpu.dma_semaphore, #tpu.memory_space<semaphore_mem>>)
    %dma_start3A_101 = arith.constant 0 : i32
    %dma_start3A_102 = arith.constant 3 : i32
    %dma_start3A_103 = arith.constant 0 : i32
    %dma_start3A_104 = tpu.memref_slice %arg6[%dma_start3A_101, %dma_start3A_102, %dma_start3A_103] : memref<2x80x125xi32, #tpu.memory_space<vmem>> -> memref<1x1x125xi32, #tpu.memory_space<vmem>>
    %dma_start3A_105 = tpu.memref_squeeze %dma_start3A_104 : memref<1x1x125xi32, #tpu.memory_space<vmem>> -> memref<125xi32, #tpu.memory_space<vmem>>
    %dma_start3A_106 = arith.constant 0 : i32
    %dma_start3A_107 = arith.constant 0 : i32
    %dma_start3A_108 = tpu.memref_slice %arg2[%dma_start3A_106, %dma_start3A_107] : memref<10000x80xf32, #tpu.memory_space<hbm>> -> memref<10000x80xf32, #tpu.memory_space<hbm>>
    tpu.enqueue_indirect_dma source(%dma_start3A_108 : memref<10000x80xf32, #tpu.memory_space<hbm>>) target(%arg11 : memref<125x80xf32, #tpu.memory_space<vmem>>) offsets(%dma_start3A_105 : memref<125xi32, #tpu.memory_space<vmem>>) semaphore(%arg16 : memref<!tpu.dma_semaphore, #tpu.memory_space<semaphore_mem>>)
    %dma_start3A_109 = arith.constant 0 : i32
    %dma_start3A_110 = arith.constant 4 : i32
    %dma_start3A_111 = arith.constant 0 : i32
    %dma_start3A_112 = tpu.memref_slice %arg6[%dma_start3A_109, %dma_start3A_110, %dma_start3A_111] : memref<2x80x125xi32, #tpu.memory_space<vmem>> -> memref<1x1x125xi32, #tpu.memory_space<vmem>>
    %dma_start3A_113 = tpu.memref_squeeze %dma_start3A_112 : memref<1x1x125xi32, #tpu.memory_space<vmem>> -> memref<125xi32, #tpu.memory_space<vmem>>
    %dma_start3A_114 = arith.constant 0 : i32
    %dma_start3A_115 = arith.constant 0 : i32
    %dma_start3A_116 = tpu.memref_slice %arg2[%dma_start3A_114, %dma_start3A_115] : memref<10000x80xf32, #tpu.memory_space<hbm>> -> memref<10000x80xf32, #tpu.memory_space<hbm>>
    tpu.enqueue_indirect_dma source(%dma_start3A_116 : memref<10000x80xf32, #tpu.memory_space<hbm>>) target(%arg12 : memref<125x80xf32, #tpu.memory_space<vmem>>) offsets(%dma_start3A_113 : memref<125xi32, #tpu.memory_space<vmem>>) semaphore(%arg17 : memref<!tpu.dma_semaphore, #tpu.memory_space<semaphore_mem>>)
    %add3A_117 = arith.constant 0 : i32
    %add3A_118 = arith.addi %mul3A_2, %add3A_117 : i32
    "tpu.region"() ({
      %run_scoped3A = tpu.sem_alloc : memref<!tpu.dma_semaphore, #tpu.memory_space<semaphore_mem>>
      %dma_start3A_263 = arith.constant 0 : i32
      %dma_start3A_264 = tpu.memref_slice %arg5[%add3A_118, %dma_start3A_263] : memref<10240x80xf32, #tpu.memory_space<vmem_shared>> -> memref<64x80xf32, #tpu.memory_space<vmem_shared>>
      %dma_start3A_265 = arith.constant 0 : i32
      %dma_start3A_266 = tpu.memref_slice %arg5[%add3A_118, %dma_start3A_265] : memref<10240x80xf32, #tpu.memory_space<vmem_shared>> -> memref<64x80xf32, #tpu.memory_space<vmem_shared>>
      tpu.enqueue_dma source(%arg7 : memref<64x80xf32, #tpu.memory_space<vmem>>) target(%dma_start3A_266 : memref<64x80xf32, #tpu.memory_space<vmem_shared>>) target_semaphore(%run_scoped3A : memref<!tpu.dma_semaphore, #tpu.memory_space<semaphore_mem>>)
      %dma_wait3A_267 = arith.constant 0 : i32
      %dma_wait3A_268 = tpu.memref_slice %arg5[%add3A_118, %dma_wait3A_267] : memref<10240x80xf32, #tpu.memory_space<vmem_shared>> -> memref<64x80xf32, #tpu.memory_space<vmem_shared>>
      %dma_wait3A_269 = arith.constant 0 : i32
      %dma_wait3A_270 = tpu.memref_slice %arg5[%add3A_118, %dma_wait3A_269] : memref<10240x80xf32, #tpu.memory_space<vmem_shared>> -> memref<64x80xf32, #tpu.memory_space<vmem_shared>>
      tpu.wait_dma2 semaphore(%run_scoped3A : memref<!tpu.dma_semaphore, #tpu.memory_space<semaphore_mem>>) src(%arg7 : memref<64x80xf32, #tpu.memory_space<vmem>>) dst(%dma_wait3A_270 : memref<64x80xf32, #tpu.memory_space<vmem_shared>>)
      tpu.yield
    }) : () -> ()
    %add3A_119 = arith.constant 64 : i32
    %add3A_120 = arith.addi %mul3A_2, %add3A_119 : i32
    "tpu.region"() ({
      %run_scoped3A = tpu.sem_alloc : memref<!tpu.dma_semaphore, #tpu.memory_space<semaphore_mem>>
      %dma_start3A_263 = arith.constant 0 : i32
      %dma_start3A_264 = tpu.memref_slice %arg5[%add3A_120, %dma_start3A_263] : memref<10240x80xf32, #tpu.memory_space<vmem_shared>> -> memref<64x80xf32, #tpu.memory_space<vmem_shared>>
      %dma_start3A_265 = arith.constant 0 : i32
      %dma_start3A_266 = tpu.memref_slice %arg5[%add3A_120, %dma_start3A_265] : memref<10240x80xf32, #tpu.memory_space<vmem_shared>> -> memref<64x80xf32, #tpu.memory_space<vmem_shared>>
      tpu.enqueue_dma source(%arg7 : memref<64x80xf32, #tpu.memory_space<vmem>>) target(%dma_start3A_266 : memref<64x80xf32, #tpu.memory_space<vmem_shared>>) target_semaphore(%run_scoped3A : memref<!tpu.dma_semaphore, #tpu.memory_space<semaphore_mem>>)
      %dma_wait3A_267 = arith.constant 0 : i32
      %dma_wait3A_268 = tpu.memref_slice %arg5[%add3A_120, %dma_wait3A_267] : memref<10240x80xf32, #tpu.memory_space<vmem_shared>> -> memref<64x80xf32, #tpu.memory_space<vmem_shared>>
      %dma_wait3A_269 = arith.constant 0 : i32
      %dma_wait3A_270 = tpu.memref_slice %arg5[%add3A_120, %dma_wait3A_269] : memref<10240x80xf32, #tpu.memory_space<vmem_shared>> -> memref<64x80xf32, #tpu.memory_space<vmem_shared>>
      tpu.wait_dma2 semaphore(%run_scoped3A : memref<!tpu.dma_semaphore, #tpu.memory_space<semaphore_mem>>) src(%arg7 : memref<64x80xf32, #tpu.memory_space<vmem>>) dst(%dma_wait3A_270 : memref<64x80xf32, #tpu.memory_space<vmem_shared>>)
      tpu.yield
    }) : () -> ()
    %add3A_121 = arith.constant 128 : i32
    %add3A_122 = arith.addi %mul3A_2, %add3A_121 : i32
    "tpu.region"() ({
      %run_scoped3A = tpu.sem_alloc : memref<!tpu.dma_semaphore, #tpu.memory_space<semaphore_mem>>
      %dma_start3A_263 = arith.constant 0 : i32
      %dma_start3A_264 = tpu.memref_slice %arg5[%add3A_122, %dma_start3A_263] : memref<10240x80xf32, #tpu.memory_space<vmem_shared>> -> memref<64x80xf32, #tpu.memory_space<vmem_shared>>
      %dma_start3A_265 = arith.constant 0 : i32
      %dma_start3A_266 = tpu.memref_slice %arg5[%add3A_122, %dma_start3A_265] : memref<10240x80xf32, #tpu.memory_space<vmem_shared>> -> memref<64x80xf32, #tpu.memory_space<vmem_shared>>
      tpu.enqueue_dma source(%arg7 : memref<64x80xf32, #tpu.memory_space<vmem>>) target(%dma_start3A_266 : memref<64x80xf32, #tpu.memory_space<vmem_shared>>) target_semaphore(%run_scoped3A : memref<!tpu.dma_semaphore, #tpu.memory_space<semaphore_mem>>)
      %dma_wait3A_267 = arith.constant 0 : i32
      %dma_wait3A_268 = tpu.memref_slice %arg5[%add3A_122, %dma_wait3A_267] : memref<10240x80xf32, #tpu.memory_space<vmem_shared>> -> memref<64x80xf32, #tpu.memory_space<vmem_shared>>
      %dma_wait3A_269 = arith.constant 0 : i32
      %dma_wait3A_270 = tpu.memref_slice %arg5[%add3A_122, %dma_wait3A_269] : memref<10240x80xf32, #tpu.memory_space<vmem_shared>> -> memref<64x80xf32, #tpu.memory_space<vmem_shared>>
      tpu.wait_dma2 semaphore(%run_scoped3A : memref<!tpu.dma_semaphore, #tpu.memory_space<semaphore_mem>>) src(%arg7 : memref<64x80xf32, #tpu.memory_space<vmem>>) dst(%dma_wait3A_270 : memref<64x80xf32, #tpu.memory_space<vmem_shared>>)
      tpu.yield
    }) : () -> ()
    %add3A_123 = arith.constant 192 : i32
    %add3A_124 = arith.addi %mul3A_2, %add3A_123 : i32
    "tpu.region"() ({
      %run_scoped3A = tpu.sem_alloc : memref<!tpu.dma_semaphore, #tpu.memory_space<semaphore_mem>>
      %dma_start3A_263 = arith.constant 0 : i32
      %dma_start3A_264 = tpu.memref_slice %arg5[%add3A_124, %dma_start3A_263] : memref<10240x80xf32, #tpu.memory_space<vmem_shared>> -> memref<64x80xf32, #tpu.memory_space<vmem_shared>>
      %dma_start3A_265 = arith.constant 0 : i32
      %dma_start3A_266 = tpu.memref_slice %arg5[%add3A_124, %dma_start3A_265] : memref<10240x80xf32, #tpu.memory_space<vmem_shared>> -> memref<64x80xf32, #tpu.memory_space<vmem_shared>>
      tpu.enqueue_dma source(%arg7 : memref<64x80xf32, #tpu.memory_space<vmem>>) target(%dma_start3A_266 : memref<64x80xf32, #tpu.memory_space<vmem_shared>>) target_semaphore(%run_scoped3A : memref<!tpu.dma_semaphore, #tpu.memory_space<semaphore_mem>>)
      %dma_wait3A_267 = arith.constant 0 : i32
      %dma_wait3A_268 = tpu.memref_slice %arg5[%add3A_124, %dma_wait3A_267] : memref<10240x80xf32, #tpu.memory_space<vmem_shared>> -> memref<64x80xf32, #tpu.memory_space<vmem_shared>>
      %dma_wait3A_269 = arith.constant 0 : i32
      %dma_wait3A_270 = tpu.memref_slice %arg5[%add3A_124, %dma_wait3A_269] : memref<10240x80xf32, #tpu.memory_space<vmem_shared>> -> memref<64x80xf32, #tpu.memory_space<vmem_shared>>
      tpu.wait_dma2 semaphore(%run_scoped3A : memref<!tpu.dma_semaphore, #tpu.memory_space<semaphore_mem>>) src(%arg7 : memref<64x80xf32, #tpu.memory_space<vmem>>) dst(%dma_wait3A_270 : memref<64x80xf32, #tpu.memory_space<vmem_shared>>)
      tpu.yield
    }) : () -> ()
    %add3A_125 = arith.constant 256 : i32
    %add3A_126 = arith.addi %mul3A_2, %add3A_125 : i32
    "tpu.region"() ({
      %run_scoped3A = tpu.sem_alloc : memref<!tpu.dma_semaphore, #tpu.memory_space<semaphore_mem>>
      %dma_start3A_263 = arith.constant 0 : i32
      %dma_start3A_264 = tpu.memref_slice %arg5[%add3A_126, %dma_start3A_263] : memref<10240x80xf32, #tpu.memory_space<vmem_shared>> -> memref<64x80xf32, #tpu.memory_space<vmem_shared>>
      %dma_start3A_265 = arith.constant 0 : i32
      %dma_start3A_266 = tpu.memref_slice %arg5[%add3A_126, %dma_start3A_265] : memref<10240x80xf32, #tpu.memory_space<vmem_shared>> -> memref<64x80xf32, #tpu.memory_space<vmem_shared>>
      tpu.enqueue_dma source(%arg7 : memref<64x80xf32, #tpu.memory_space<vmem>>) target(%dma_start3A_266 : memref<64x80xf32, #tpu.memory_space<vmem_shared>>) target_semaphore(%run_scoped3A : memref<!tpu.dma_semaphore, #tpu.memory_space<semaphore_mem>>)
      %dma_wait3A_267 = arith.constant 0 : i32
      %dma_wait3A_268 = tpu.memref_slice %arg5[%add3A_126, %dma_wait3A_267] : memref<10240x80xf32, #tpu.memory_space<vmem_shared>> -> memref<64x80xf32, #tpu.memory_space<vmem_shared>>
      %dma_wait3A_269 = arith.constant 0 : i32
      %dma_wait3A_270 = tpu.memref_slice %arg5[%add3A_126, %dma_wait3A_269] : memref<10240x80xf32, #tpu.memory_space<vmem_shared>> -> memref<64x80xf32, #tpu.memory_space<vmem_shared>>
      tpu.wait_dma2 semaphore(%run_scoped3A : memref<!tpu.dma_semaphore, #tpu.memory_space<semaphore_mem>>) src(%arg7 : memref<64x80xf32, #tpu.memory_space<vmem>>) dst(%dma_wait3A_270 : memref<64x80xf32, #tpu.memory_space<vmem_shared>>)
      tpu.yield
    }) : () -> ()
    %add3A_127 = arith.constant 320 : i32
    %add3A_128 = arith.addi %mul3A_2, %add3A_127 : i32
    "tpu.region"() ({
      %run_scoped3A = tpu.sem_alloc : memref<!tpu.dma_semaphore, #tpu.memory_space<semaphore_mem>>
      %dma_start3A_263 = arith.constant 0 : i32
      %dma_start3A_264 = tpu.memref_slice %arg5[%add3A_128, %dma_start3A_263] : memref<10240x80xf32, #tpu.memory_space<vmem_shared>> -> memref<64x80xf32, #tpu.memory_space<vmem_shared>>
      %dma_start3A_265 = arith.constant 0 : i32
      %dma_start3A_266 = tpu.memref_slice %arg5[%add3A_128, %dma_start3A_265] : memref<10240x80xf32, #tpu.memory_space<vmem_shared>> -> memref<64x80xf32, #tpu.memory_space<vmem_shared>>
      tpu.enqueue_dma source(%arg7 : memref<64x80xf32, #tpu.memory_space<vmem>>) target(%dma_start3A_266 : memref<64x80xf32, #tpu.memory_space<vmem_shared>>) target_semaphore(%run_scoped3A : memref<!tpu.dma_semaphore, #tpu.memory_space<semaphore_mem>>)
      %dma_wait3A_267 = arith.constant 0 : i32
      %dma_wait3A_268 = tpu.memref_slice %arg5[%add3A_128, %dma_wait3A_267] : memref<10240x80xf32, #tpu.memory_space<vmem_shared>> -> memref<64x80xf32, #tpu.memory_space<vmem_shared>>
      %dma_wait3A_269 = arith.constant 0 : i32
      %dma_wait3A_270 = tpu.memref_slice %arg5[%add3A_128, %dma_wait3A_269] : memref<10240x80xf32, #tpu.memory_space<vmem_shared>> -> memref<64x80xf32, #tpu.memory_space<vmem_shared>>
      tpu.wait_dma2 semaphore(%run_scoped3A : memref<!tpu.dma_semaphore, #tpu.memory_space<semaphore_mem>>) src(%arg7 : memref<64x80xf32, #tpu.memory_space<vmem>>) dst(%dma_wait3A_270 : memref<64x80xf32, #tpu.memory_space<vmem_shared>>)
      tpu.yield
    }) : () -> ()
    %add3A_129 = arith.constant 384 : i32
    %add3A_130 = arith.addi %mul3A_2, %add3A_129 : i32
    "tpu.region"() ({
      %run_scoped3A = tpu.sem_alloc : memref<!tpu.dma_semaphore, #tpu.memory_space<semaphore_mem>>
      %dma_start3A_263 = arith.constant 0 : i32
      %dma_start3A_264 = tpu.memref_slice %arg5[%add3A_130, %dma_start3A_263] : memref<10240x80xf32, #tpu.memory_space<vmem_shared>> -> memref<64x80xf32, #tpu.memory_space<vmem_shared>>
      %dma_start3A_265 = arith.constant 0 : i32
      %dma_start3A_266 = tpu.memref_slice %arg5[%add3A_130, %dma_start3A_265] : memref<10240x80xf32, #tpu.memory_space<vmem_shared>> -> memref<64x80xf32, #tpu.memory_space<vmem_shared>>
      tpu.enqueue_dma source(%arg7 : memref<64x80xf32, #tpu.memory_space<vmem>>) target(%dma_start3A_266 : memref<64x80xf32, #tpu.memory_space<vmem_shared>>) target_semaphore(%run_scoped3A : memref<!tpu.dma_semaphore, #tpu.memory_space<semaphore_mem>>)
      %dma_wait3A_267 = arith.constant 0 : i32
      %dma_wait3A_268 = tpu.memref_slice %arg5[%add3A_130, %dma_wait3A_267] : memref<10240x80xf32, #tpu.memory_space<vmem_shared>> -> memref<64x80xf32, #tpu.memory_space<vmem_shared>>
      %dma_wait3A_269 = arith.constant 0 : i32
      %dma_wait3A_270 = tpu.memref_slice %arg5[%add3A_130, %dma_wait3A_269] : memref<10240x80xf32, #tpu.memory_space<vmem_shared>> -> memref<64x80xf32, #tpu.memory_space<vmem_shared>>
      tpu.wait_dma2 semaphore(%run_scoped3A : memref<!tpu.dma_semaphore, #tpu.memory_space<semaphore_mem>>) src(%arg7 : memref<64x80xf32, #tpu.memory_space<vmem>>) dst(%dma_wait3A_270 : memref<64x80xf32, #tpu.memory_space<vmem_shared>>)
      tpu.yield
    }) : () -> ()
    %add3A_131 = arith.constant 448 : i32
    %add3A_132 = arith.addi %mul3A_2, %add3A_131 : i32
    "tpu.region"() ({
      %run_scoped3A = tpu.sem_alloc : memref<!tpu.dma_semaphore, #tpu.memory_space<semaphore_mem>>
      %dma_start3A_263 = arith.constant 0 : i32
      %dma_start3A_264 = tpu.memref_slice %arg5[%add3A_132, %dma_start3A_263] : memref<10240x80xf32, #tpu.memory_space<vmem_shared>> -> memref<64x80xf32, #tpu.memory_space<vmem_shared>>
      %dma_start3A_265 = arith.constant 0 : i32
      %dma_start3A_266 = tpu.memref_slice %arg5[%add3A_132, %dma_start3A_265] : memref<10240x80xf32, #tpu.memory_space<vmem_shared>> -> memref<64x80xf32, #tpu.memory_space<vmem_shared>>
      tpu.enqueue_dma source(%arg7 : memref<64x80xf32, #tpu.memory_space<vmem>>) target(%dma_start3A_266 : memref<64x80xf32, #tpu.memory_space<vmem_shared>>) target_semaphore(%run_scoped3A : memref<!tpu.dma_semaphore, #tpu.memory_space<semaphore_mem>>)
      %dma_wait3A_267 = arith.constant 0 : i32
      %dma_wait3A_268 = tpu.memref_slice %arg5[%add3A_132, %dma_wait3A_267] : memref<10240x80xf32, #tpu.memory_space<vmem_shared>> -> memref<64x80xf32, #tpu.memory_space<vmem_shared>>
      %dma_wait3A_269 = arith.constant 0 : i32
      %dma_wait3A_270 = tpu.memref_slice %arg5[%add3A_132, %dma_wait3A_269] : memref<10240x80xf32, #tpu.memory_space<vmem_shared>> -> memref<64x80xf32, #tpu.memory_space<vmem_shared>>
      tpu.wait_dma2 semaphore(%run_scoped3A : memref<!tpu.dma_semaphore, #tpu.memory_space<semaphore_mem>>) src(%arg7 : memref<64x80xf32, #tpu.memory_space<vmem>>) dst(%dma_wait3A_270 : memref<64x80xf32, #tpu.memory_space<vmem_shared>>)
      tpu.yield
    }) : () -> ()
    %add3A_133 = arith.constant 512 : i32
    %add3A_134 = arith.addi %mul3A_2, %add3A_133 : i32
    "tpu.region"() ({
      %run_scoped3A = tpu.sem_alloc : memref<!tpu.dma_semaphore, #tpu.memory_space<semaphore_mem>>
      %dma_start3A_263 = arith.constant 0 : i32
      %dma_start3A_264 = tpu.memref_slice %arg5[%add3A_134, %dma_start3A_263] : memref<10240x80xf32, #tpu.memory_space<vmem_shared>> -> memref<64x80xf32, #tpu.memory_space<vmem_shared>>
      %dma_start3A_265 = arith.constant 0 : i32
      %dma_start3A_266 = tpu.memref_slice %arg5[%add3A_134, %dma_start3A_265] : memref<10240x80xf32, #tpu.memory_space<vmem_shared>> -> memref<64x80xf32, #tpu.memory_space<vmem_shared>>
      tpu.enqueue_dma source(%arg7 : memref<64x80xf32, #tpu.memory_space<vmem>>) target(%dma_start3A_266 : memref<64x80xf32, #tpu.memory_space<vmem_shared>>) target_semaphore(%run_scoped3A : memref<!tpu.dma_semaphore, #tpu.memory_space<semaphore_mem>>)
      %dma_wait3A_267 = arith.constant 0 : i32
      %dma_wait3A_268 = tpu.memref_slice %arg5[%add3A_134, %dma_wait3A_267] : memref<10240x80xf32, #tpu.memory_space<vmem_shared>> -> memref<64x80xf32, #tpu.memory_space<vmem_shared>>
      %dma_wait3A_269 = arith.constant 0 : i32
      %dma_wait3A_270 = tpu.memref_slice %arg5[%add3A_134, %dma_wait3A_269] : memref<10240x80xf32, #tpu.memory_space<vmem_shared>> -> memref<64x80xf32, #tpu.memory_space<vmem_shared>>
      tpu.wait_dma2 semaphore(%run_scoped3A : memref<!tpu.dma_semaphore, #tpu.memory_space<semaphore_mem>>) src(%arg7 : memref<64x80xf32, #tpu.memory_space<vmem>>) dst(%dma_wait3A_270 : memref<64x80xf32, #tpu.memory_space<vmem_shared>>)
      tpu.yield
    }) : () -> ()
    %add3A_135 = arith.constant 576 : i32
    %add3A_136 = arith.addi %mul3A_2, %add3A_135 : i32
    "tpu.region"() ({
      %run_scoped3A = tpu.sem_alloc : memref<!tpu.dma_semaphore, #tpu.memory_space<semaphore_mem>>
      %dma_start3A_263 = arith.constant 0 : i32
      %dma_start3A_264 = tpu.memref_slice %arg5[%add3A_136, %dma_start3A_263] : memref<10240x80xf32, #tpu.memory_space<vmem_shared>> -> memref<64x80xf32, #tpu.memory_space<vmem_shared>>
      %dma_start3A_265 = arith.constant 0 : i32
      %dma_start3A_266 = tpu.memref_slice %arg5[%add3A_136, %dma_start3A_265] : memref<10240x80xf32, #tpu.memory_space<vmem_shared>> -> memref<64x80xf32, #tpu.memory_space<vmem_shared>>
      tpu.enqueue_dma source(%arg7 : memref<64x80xf32, #tpu.memory_space<vmem>>) target(%dma_start3A_266 : memref<64x80xf32, #tpu.memory_space<vmem_shared>>) target_semaphore(%run_scoped3A : memref<!tpu.dma_semaphore, #tpu.memory_space<semaphore_mem>>)
      %dma_wait3A_267 = arith.constant 0 : i32
      %dma_wait3A_268 = tpu.memref_slice %arg5[%add3A_136, %dma_wait3A_267] : memref<10240x80xf32, #tpu.memory_space<vmem_shared>> -> memref<64x80xf32, #tpu.memory_space<vmem_shared>>
      %dma_wait3A_269 = arith.constant 0 : i32
      %dma_wait3A_270 = tpu.memref_slice %arg5[%add3A_136, %dma_wait3A_269] : memref<10240x80xf32, #tpu.memory_space<vmem_shared>> -> memref<64x80xf32, #tpu.memory_space<vmem_shared>>
      tpu.wait_dma2 semaphore(%run_scoped3A : memref<!tpu.dma_semaphore, #tpu.memory_space<semaphore_mem>>) src(%arg7 : memref<64x80xf32, #tpu.memory_space<vmem>>) dst(%dma_wait3A_270 : memref<64x80xf32, #tpu.memory_space<vmem_shared>>)
      tpu.yield
    }) : () -> ()
    %barrier3A = arith.constant 0 : index
    tpu.barrier barrier_id(%barrier3A)
    %scan3A_137 = arith.constant 0 : i32
    %scan3A_138 = arith.constant 15 : i32
    %scan3A_139 = arith.addi %scan3A_137, %scan3A_138 : i32
    %scan3A_140 = arith.constant 1 : i32
    scf.for %scan3A_263 = %scan3A_137 to %scan3A_139 step %scan3A_140  : i32 {
      %mul3A_264 = arith.constant 5 : i32
      %mul3A_265 = arith.muli %scan3A_263, %mul3A_264 : i32
      %add3A_266 = arith.constant 0 : i32
      %add3A_267 = arith.addi %add3A_266, %mul3A_265 : i32
      %add3A_268 = arith.constant 0 : i32
      %add3A_269 = arith.addi %add3A_267, %add3A_268 : i32
      %dma_wait3A_270 = arith.constant 0 : i32
      %dma_wait3A_271 = arith.constant 0 : i32
      %dma_wait3A_272 = tpu.memref_slice %arg6[%dma_wait3A_270, %add3A_269, %dma_wait3A_271] : memref<2x80x125xi32, #tpu.memory_space<vmem>> -> memref<1x1x125xi32, #tpu.memory_space<vmem>>
      %dma_wait3A_273 = tpu.memref_squeeze %dma_wait3A_272 : memref<1x1x125xi32, #tpu.memory_space<vmem>> -> memref<125xi32, #tpu.memory_space<vmem>>
      %dma_wait3A_274 = arith.constant 0 : i32
      %dma_wait3A_275 = arith.constant 0 : i32
      %dma_wait3A_276 = tpu.memref_slice %arg2[%dma_wait3A_274, %dma_wait3A_275] : memref<10000x80xf32, #tpu.memory_space<hbm>> -> memref<10000x80xf32, #tpu.memory_space<hbm>>
      tpu.wait_indirect_dma semaphore(%arg13 : memref<!tpu.dma_semaphore, #tpu.memory_space<semaphore_mem>>) src(%dma_wait3A_276 : memref<10000x80xf32, #tpu.memory_space<hbm>>) dst(%arg8 : memref<125x80xf32, #tpu.memory_space<vmem>>)
      %dma_start3A_277 = arith.constant 1 : i32
      %dma_start3A_278 = arith.constant 0 : i32
      %dma_start3A_279 = tpu.memref_slice %arg6[%dma_start3A_277, %add3A_269, %dma_start3A_278] : memref<2x80x125xi32, #tpu.memory_space<vmem>> -> memref<1x1x125xi32, #tpu.memory_space<vmem>>
      %dma_start3A_280 = tpu.memref_squeeze %dma_start3A_279 : memref<1x1x125xi32, #tpu.memory_space<vmem>> -> memref<125xi32, #tpu.memory_space<vmem>>
      %dma_start3A_281 = arith.constant 0 : i32
      %dma_start3A_282 = arith.constant 0 : i32
      %dma_start3A_283 = tpu.memref_slice %arg5[%dma_start3A_281, %dma_start3A_282] : memref<10240x80xf32, #tpu.memory_space<vmem_shared>> -> memref<10240x80xf32, #tpu.memory_space<vmem_shared>>
      tpu.enqueue_indirect_dma source(%arg8 : memref<125x80xf32, #tpu.memory_space<vmem>>) target(%dma_start3A_283 : memref<10240x80xf32, #tpu.memory_space<vmem_shared>>) offsets(%dma_start3A_280 : memref<125xi32, #tpu.memory_space<vmem>>) semaphore(%arg18 : memref<!tpu.dma_semaphore, #tpu.memory_space<semaphore_mem>>) {add = true}
      %add3A_284 = arith.constant 1 : i32
      %add3A_285 = arith.addi %add3A_267, %add3A_284 : i32
      %dma_wait3A_286 = arith.constant 0 : i32
      %dma_wait3A_287 = arith.constant 0 : i32
      %dma_wait3A_288 = tpu.memref_slice %arg6[%dma_wait3A_286, %add3A_285, %dma_wait3A_287] : memref<2x80x125xi32, #tpu.memory_space<vmem>> -> memref<1x1x125xi32, #tpu.memory_space<vmem>>
      %dma_wait3A_289 = tpu.memref_squeeze %dma_wait3A_288 : memref<1x1x125xi32, #tpu.memory_space<vmem>> -> memref<125xi32, #tpu.memory_space<vmem>>
      %dma_wait3A_290 = arith.constant 0 : i32
      %dma_wait3A_291 = arith.constant 0 : i32
      %dma_wait3A_292 = tpu.memref_slice %arg2[%dma_wait3A_290, %dma_wait3A_291] : memref<10000x80xf32, #tpu.memory_space<hbm>> -> memref<10000x80xf32, #tpu.memory_space<hbm>>
      tpu.wait_indirect_dma semaphore(%arg14 : memref<!tpu.dma_semaphore, #tpu.memory_space<semaphore_mem>>) src(%dma_wait3A_292 : memref<10000x80xf32, #tpu.memory_space<hbm>>) dst(%arg9 : memref<125x80xf32, #tpu.memory_space<vmem>>)
      %dma_start3A_293 = arith.constant 1 : i32
      %dma_start3A_294 = arith.constant 0 : i32
      %dma_start3A_295 = tpu.memref_slice %arg6[%dma_start3A_293, %add3A_285, %dma_start3A_294] : memref<2x80x125xi32, #tpu.memory_space<vmem>> -> memref<1x1x125xi32, #tpu.memory_space<vmem>>
      %dma_start3A_296 = tpu.memref_squeeze %dma_start3A_295 : memref<1x1x125xi32, #tpu.memory_space<vmem>> -> memref<125xi32, #tpu.memory_space<vmem>>
      %dma_start3A_297 = arith.constant 0 : i32
      %dma_start3A_298 = arith.constant 0 : i32
      %dma_start3A_299 = tpu.memref_slice %arg5[%dma_start3A_297, %dma_start3A_298] : memref<10240x80xf32, #tpu.memory_space<vmem_shared>> -> memref<10240x80xf32, #tpu.memory_space<vmem_shared>>
      tpu.enqueue_indirect_dma source(%arg9 : memref<125x80xf32, #tpu.memory_space<vmem>>) target(%dma_start3A_299 : memref<10240x80xf32, #tpu.memory_space<vmem_shared>>) offsets(%dma_start3A_296 : memref<125xi32, #tpu.memory_space<vmem>>) semaphore(%arg19 : memref<!tpu.dma_semaphore, #tpu.memory_space<semaphore_mem>>) {add = true}
      %add3A_300 = arith.constant 2 : i32
      %add3A_301 = arith.addi %add3A_267, %add3A_300 : i32
      %dma_wait3A_302 = arith.constant 0 : i32
      %dma_wait3A_303 = arith.constant 0 : i32
      %dma_wait3A_304 = tpu.memref_slice %arg6[%dma_wait3A_302, %add3A_301, %dma_wait3A_303] : memref<2x80x125xi32, #tpu.memory_space<vmem>> -> memref<1x1x125xi32, #tpu.memory_space<vmem>>
      %dma_wait3A_305 = tpu.memref_squeeze %dma_wait3A_304 : memref<1x1x125xi32, #tpu.memory_space<vmem>> -> memref<125xi32, #tpu.memory_space<vmem>>
      %dma_wait3A_306 = arith.constant 0 : i32
      %dma_wait3A_307 = arith.constant 0 : i32
      %dma_wait3A_308 = tpu.memref_slice %arg2[%dma_wait3A_306, %dma_wait3A_307] : memref<10000x80xf32, #tpu.memory_space<hbm>> -> memref<10000x80xf32, #tpu.memory_space<hbm>>
      tpu.wait_indirect_dma semaphore(%arg15 : memref<!tpu.dma_semaphore, #tpu.memory_space<semaphore_mem>>) src(%dma_wait3A_308 : memref<10000x80xf32, #tpu.memory_space<hbm>>) dst(%arg10 : memref<125x80xf32, #tpu.memory_space<vmem>>)
      %dma_start3A_309 = arith.constant 1 : i32
      %dma_start3A_310 = arith.constant 0 : i32
      %dma_start3A_311 = tpu.memref_slice %arg6[%dma_start3A_309, %add3A_301, %dma_start3A_310] : memref<2x80x125xi32, #tpu.memory_space<vmem>> -> memref<1x1x125xi32, #tpu.memory_space<vmem>>
      %dma_start3A_312 = tpu.memref_squeeze %dma_start3A_311 : memref<1x1x125xi32, #tpu.memory_space<vmem>> -> memref<125xi32, #tpu.memory_space<vmem>>
      %dma_start3A_313 = arith.constant 0 : i32
      %dma_start3A_314 = arith.constant 0 : i32
      %dma_start3A_315 = tpu.memref_slice %arg5[%dma_start3A_313, %dma_start3A_314] : memref<10240x80xf32, #tpu.memory_space<vmem_shared>> -> memref<10240x80xf32, #tpu.memory_space<vmem_shared>>
      tpu.enqueue_indirect_dma source(%arg10 : memref<125x80xf32, #tpu.memory_space<vmem>>) target(%dma_start3A_315 : memref<10240x80xf32, #tpu.memory_space<vmem_shared>>) offsets(%dma_start3A_312 : memref<125xi32, #tpu.memory_space<vmem>>) semaphore(%arg20 : memref<!tpu.dma_semaphore, #tpu.memory_space<semaphore_mem>>) {add = true}
      %add3A_316 = arith.constant 3 : i32
      %add3A_317 = arith.addi %add3A_267, %add3A_316 : i32
      %dma_wait3A_318 = arith.constant 0 : i32
      %dma_wait3A_319 = arith.constant 0 : i32
      %dma_wait3A_320 = tpu.memref_slice %arg6[%dma_wait3A_318, %add3A_317, %dma_wait3A_319] : memref<2x80x125xi32, #tpu.memory_space<vmem>> -> memref<1x1x125xi32, #tpu.memory_space<vmem>>
      %dma_wait3A_321 = tpu.memref_squeeze %dma_wait3A_320 : memref<1x1x125xi32, #tpu.memory_space<vmem>> -> memref<125xi32, #tpu.memory_space<vmem>>
      %dma_wait3A_322 = arith.constant 0 : i32
      %dma_wait3A_323 = arith.constant 0 : i32
      %dma_wait3A_324 = tpu.memref_slice %arg2[%dma_wait3A_322, %dma_wait3A_323] : memref<10000x80xf32, #tpu.memory_space<hbm>> -> memref<10000x80xf32, #tpu.memory_space<hbm>>
      tpu.wait_indirect_dma semaphore(%arg16 : memref<!tpu.dma_semaphore, #tpu.memory_space<semaphore_mem>>) src(%dma_wait3A_324 : memref<10000x80xf32, #tpu.memory_space<hbm>>) dst(%arg11 : memref<125x80xf32, #tpu.memory_space<vmem>>)
      %dma_start3A_325 = arith.constant 1 : i32
      %dma_start3A_326 = arith.constant 0 : i32
      %dma_start3A_327 = tpu.memref_slice %arg6[%dma_start3A_325, %add3A_317, %dma_start3A_326] : memref<2x80x125xi32, #tpu.memory_space<vmem>> -> memref<1x1x125xi32, #tpu.memory_space<vmem>>
      %dma_start3A_328 = tpu.memref_squeeze %dma_start3A_327 : memref<1x1x125xi32, #tpu.memory_space<vmem>> -> memref<125xi32, #tpu.memory_space<vmem>>
      %dma_start3A_329 = arith.constant 0 : i32
      %dma_start3A_330 = arith.constant 0 : i32
      %dma_start3A_331 = tpu.memref_slice %arg5[%dma_start3A_329, %dma_start3A_330] : memref<10240x80xf32, #tpu.memory_space<vmem_shared>> -> memref<10240x80xf32, #tpu.memory_space<vmem_shared>>
      tpu.enqueue_indirect_dma source(%arg11 : memref<125x80xf32, #tpu.memory_space<vmem>>) target(%dma_start3A_331 : memref<10240x80xf32, #tpu.memory_space<vmem_shared>>) offsets(%dma_start3A_328 : memref<125xi32, #tpu.memory_space<vmem>>) semaphore(%arg21 : memref<!tpu.dma_semaphore, #tpu.memory_space<semaphore_mem>>) {add = true}
      %add3A_332 = arith.constant 4 : i32
      %add3A_333 = arith.addi %add3A_267, %add3A_332 : i32
      %dma_wait3A_334 = arith.constant 0 : i32
      %dma_wait3A_335 = arith.constant 0 : i32
      %dma_wait3A_336 = tpu.memref_slice %arg6[%dma_wait3A_334, %add3A_333, %dma_wait3A_335] : memref<2x80x125xi32, #tpu.memory_space<vmem>> -> memref<1x1x125xi32, #tpu.memory_space<vmem>>
      %dma_wait3A_337 = tpu.memref_squeeze %dma_wait3A_336 : memref<1x1x125xi32, #tpu.memory_space<vmem>> -> memref<125xi32, #tpu.memory_space<vmem>>
      %dma_wait3A_338 = arith.constant 0 : i32
      %dma_wait3A_339 = arith.constant 0 : i32
      %dma_wait3A_340 = tpu.memref_slice %arg2[%dma_wait3A_338, %dma_wait3A_339] : memref<10000x80xf32, #tpu.memory_space<hbm>> -> memref<10000x80xf32, #tpu.memory_space<hbm>>
      tpu.wait_indirect_dma semaphore(%arg17 : memref<!tpu.dma_semaphore, #tpu.memory_space<semaphore_mem>>) src(%dma_wait3A_340 : memref<10000x80xf32, #tpu.memory_space<hbm>>) dst(%arg12 : memref<125x80xf32, #tpu.memory_space<vmem>>)
      %dma_start3A_341 = arith.constant 1 : i32
      %dma_start3A_342 = arith.constant 0 : i32
      %dma_start3A_343 = tpu.memref_slice %arg6[%dma_start3A_341, %add3A_333, %dma_start3A_342] : memref<2x80x125xi32, #tpu.memory_space<vmem>> -> memref<1x1x125xi32, #tpu.memory_space<vmem>>
      %dma_start3A_344 = tpu.memref_squeeze %dma_start3A_343 : memref<1x1x125xi32, #tpu.memory_space<vmem>> -> memref<125xi32, #tpu.memory_space<vmem>>
      %dma_start3A_345 = arith.constant 0 : i32
      %dma_start3A_346 = arith.constant 0 : i32
      %dma_start3A_347 = tpu.memref_slice %arg5[%dma_start3A_345, %dma_start3A_346] : memref<10240x80xf32, #tpu.memory_space<vmem_shared>> -> memref<10240x80xf32, #tpu.memory_space<vmem_shared>>
      tpu.enqueue_indirect_dma source(%arg12 : memref<125x80xf32, #tpu.memory_space<vmem>>) target(%dma_start3A_347 : memref<10240x80xf32, #tpu.memory_space<vmem_shared>>) offsets(%dma_start3A_344 : memref<125xi32, #tpu.memory_space<vmem>>) semaphore(%arg22 : memref<!tpu.dma_semaphore, #tpu.memory_space<semaphore_mem>>) {add = true}
      %add3A_348 = arith.constant 0 : i32
      %add3A_349 = arith.addi %add3A_267, %add3A_348 : i32
      %dma_wait3A_350 = arith.constant 1 : i32
      %dma_wait3A_351 = arith.constant 0 : i32
      %dma_wait3A_352 = tpu.memref_slice %arg6[%dma_wait3A_350, %add3A_349, %dma_wait3A_351] : memref<2x80x125xi32, #tpu.memory_space<vmem>> -> memref<1x1x125xi32, #tpu.memory_space<vmem>>
      %dma_wait3A_353 = tpu.memref_squeeze %dma_wait3A_352 : memref<1x1x125xi32, #tpu.memory_space<vmem>> -> memref<125xi32, #tpu.memory_space<vmem>>
      %dma_wait3A_354 = arith.constant 0 : i32
      %dma_wait3A_355 = arith.constant 0 : i32
      %dma_wait3A_356 = tpu.memref_slice %arg5[%dma_wait3A_354, %dma_wait3A_355] : memref<10240x80xf32, #tpu.memory_space<vmem_shared>> -> memref<10240x80xf32, #tpu.memory_space<vmem_shared>>
      tpu.wait_indirect_dma semaphore(%arg18 : memref<!tpu.dma_semaphore, #tpu.memory_space<semaphore_mem>>) src(%arg8 : memref<125x80xf32, #tpu.memory_space<vmem>>) dst(%dma_wait3A_356 : memref<10240x80xf32, #tpu.memory_space<vmem_shared>>)
      %add3A_357 = arith.constant 0 : i32
      %add3A_358 = arith.addi %add3A_267, %add3A_357 : i32
      %add3A_359 = arith.constant 5 : i32
      %add3A_360 = arith.addi %add3A_358, %add3A_359 : i32
      %dma_start3A_361 = arith.constant 0 : i32
      %dma_start3A_362 = arith.constant 0 : i32
      %dma_start3A_363 = tpu.memref_slice %arg6[%dma_start3A_361, %add3A_360, %dma_start3A_362] : memref<2x80x125xi32, #tpu.memory_space<vmem>> -> memref<1x1x125xi32, #tpu.memory_space<vmem>>
      %dma_start3A_364 = tpu.memref_squeeze %dma_start3A_363 : memref<1x1x125xi32, #tpu.memory_space<vmem>> -> memref<125xi32, #tpu.memory_space<vmem>>
      %dma_start3A_365 = arith.constant 0 : i32
      %dma_start3A_366 = arith.constant 0 : i32
      %dma_start3A_367 = tpu.memref_slice %arg2[%dma_start3A_365, %dma_start3A_366] : memref<10000x80xf32, #tpu.memory_space<hbm>> -> memref<10000x80xf32, #tpu.memory_space<hbm>>
      tpu.enqueue_indirect_dma source(%dma_start3A_367 : memref<10000x80xf32, #tpu.memory_space<hbm>>) target(%arg8 : memref<125x80xf32, #tpu.memory_space<vmem>>) offsets(%dma_start3A_364 : memref<125xi32, #tpu.memory_space<vmem>>) semaphore(%arg13 : memref<!tpu.dma_semaphore, #tpu.memory_space<semaphore_mem>>)
      %add3A_368 = arith.constant 1 : i32
      %add3A_369 = arith.addi %add3A_267, %add3A_368 : i32
      %dma_wait3A_370 = arith.constant 1 : i32
      %dma_wait3A_371 = arith.constant 0 : i32
      %dma_wait3A_372 = tpu.memref_slice %arg6[%dma_wait3A_370, %add3A_369, %dma_wait3A_371] : memref<2x80x125xi32, #tpu.memory_space<vmem>> -> memref<1x1x125xi32, #tpu.memory_space<vmem>>
      %dma_wait3A_373 = tpu.memref_squeeze %dma_wait3A_372 : memref<1x1x125xi32, #tpu.memory_space<vmem>> -> memref<125xi32, #tpu.memory_space<vmem>>
      %dma_wait3A_374 = arith.constant 0 : i32
      %dma_wait3A_375 = arith.constant 0 : i32
      %dma_wait3A_376 = tpu.memref_slice %arg5[%dma_wait3A_374, %dma_wait3A_375] : memref<10240x80xf32, #tpu.memory_space<vmem_shared>> -> memref<10240x80xf32, #tpu.memory_space<vmem_shared>>
      tpu.wait_indirect_dma semaphore(%arg19 : memref<!tpu.dma_semaphore, #tpu.memory_space<semaphore_mem>>) src(%arg9 : memref<125x80xf32, #tpu.memory_space<vmem>>) dst(%dma_wait3A_376 : memref<10240x80xf32, #tpu.memory_space<vmem_shared>>)
      %add3A_377 = arith.constant 1 : i32
      %add3A_378 = arith.addi %add3A_267, %add3A_377 : i32
      %add3A_379 = arith.constant 5 : i32
      %add3A_380 = arith.addi %add3A_378, %add3A_379 : i32
      %dma_start3A_381 = arith.constant 0 : i32
      %dma_start3A_382 = arith.constant 0 : i32
      %dma_start3A_383 = tpu.memref_slice %arg6[%dma_start3A_381, %add3A_380, %dma_start3A_382] : memref<2x80x125xi32, #tpu.memory_space<vmem>> -> memref<1x1x125xi32, #tpu.memory_space<vmem>>
      %dma_start3A_384 = tpu.memref_squeeze %dma_start3A_383 : memref<1x1x125xi32, #tpu.memory_space<vmem>> -> memref<125xi32, #tpu.memory_space<vmem>>
      %dma_start3A_385 = arith.constant 0 : i32
      %dma_start3A_386 = arith.constant 0 : i32
      %dma_start3A_387 = tpu.memref_slice %arg2[%dma_start3A_385, %dma_start3A_386] : memref<10000x80xf32, #tpu.memory_space<hbm>> -> memref<10000x80xf32, #tpu.memory_space<hbm>>
      tpu.enqueue_indirect_dma source(%dma_start3A_387 : memref<10000x80xf32, #tpu.memory_space<hbm>>) target(%arg9 : memref<125x80xf32, #tpu.memory_space<vmem>>) offsets(%dma_start3A_384 : memref<125xi32, #tpu.memory_space<vmem>>) semaphore(%arg14 : memref<!tpu.dma_semaphore, #tpu.memory_space<semaphore_mem>>)
      %add3A_388 = arith.constant 2 : i32
      %add3A_389 = arith.addi %add3A_267, %add3A_388 : i32
      %dma_wait3A_390 = arith.constant 1 : i32
      %dma_wait3A_391 = arith.constant 0 : i32
      %dma_wait3A_392 = tpu.memref_slice %arg6[%dma_wait3A_390, %add3A_389, %dma_wait3A_391] : memref<2x80x125xi32, #tpu.memory_space<vmem>> -> memref<1x1x125xi32, #tpu.memory_space<vmem>>
      %dma_wait3A_393 = tpu.memref_squeeze %dma_wait3A_392 : memref<1x1x125xi32, #tpu.memory_space<vmem>> -> memref<125xi32, #tpu.memory_space<vmem>>
      %dma_wait3A_394 = arith.constant 0 : i32
      %dma_wait3A_395 = arith.constant 0 : i32
      %dma_wait3A_396 = tpu.memref_slice %arg5[%dma_wait3A_394, %dma_wait3A_395] : memref<10240x80xf32, #tpu.memory_space<vmem_shared>> -> memref<10240x80xf32, #tpu.memory_space<vmem_shared>>
      tpu.wait_indirect_dma semaphore(%arg20 : memref<!tpu.dma_semaphore, #tpu.memory_space<semaphore_mem>>) src(%arg10 : memref<125x80xf32, #tpu.memory_space<vmem>>) dst(%dma_wait3A_396 : memref<10240x80xf32, #tpu.memory_space<vmem_shared>>)
      %add3A_397 = arith.constant 2 : i32
      %add3A_398 = arith.addi %add3A_267, %add3A_397 : i32
      %add3A_399 = arith.constant 5 : i32
      %add3A_400 = arith.addi %add3A_398, %add3A_399 : i32
      %dma_start3A_401 = arith.constant 0 : i32
      %dma_start3A_402 = arith.constant 0 : i32
      %dma_start3A_403 = tpu.memref_slice %arg6[%dma_start3A_401, %add3A_400, %dma_start3A_402] : memref<2x80x125xi32, #tpu.memory_space<vmem>> -> memref<1x1x125xi32, #tpu.memory_space<vmem>>
      %dma_start3A_404 = tpu.memref_squeeze %dma_start3A_403 : memref<1x1x125xi32, #tpu.memory_space<vmem>> -> memref<125xi32, #tpu.memory_space<vmem>>
      %dma_start3A_405 = arith.constant 0 : i32
      %dma_start3A_406 = arith.constant 0 : i32
      %dma_start3A_407 = tpu.memref_slice %arg2[%dma_start3A_405, %dma_start3A_406] : memref<10000x80xf32, #tpu.memory_space<hbm>> -> memref<10000x80xf32, #tpu.memory_space<hbm>>
      tpu.enqueue_indirect_dma source(%dma_start3A_407 : memref<10000x80xf32, #tpu.memory_space<hbm>>) target(%arg10 : memref<125x80xf32, #tpu.memory_space<vmem>>) offsets(%dma_start3A_404 : memref<125xi32, #tpu.memory_space<vmem>>) semaphore(%arg15 : memref<!tpu.dma_semaphore, #tpu.memory_space<semaphore_mem>>)
      %add3A_408 = arith.constant 3 : i32
      %add3A_409 = arith.addi %add3A_267, %add3A_408 : i32
      %dma_wait3A_410 = arith.constant 1 : i32
      %dma_wait3A_411 = arith.constant 0 : i32
      %dma_wait3A_412 = tpu.memref_slice %arg6[%dma_wait3A_410, %add3A_409, %dma_wait3A_411] : memref<2x80x125xi32, #tpu.memory_space<vmem>> -> memref<1x1x125xi32, #tpu.memory_space<vmem>>
      %dma_wait3A_413 = tpu.memref_squeeze %dma_wait3A_412 : memref<1x1x125xi32, #tpu.memory_space<vmem>> -> memref<125xi32, #tpu.memory_space<vmem>>
      %dma_wait3A_414 = arith.constant 0 : i32
      %dma_wait3A_415 = arith.constant 0 : i32
      %dma_wait3A_416 = tpu.memref_slice %arg5[%dma_wait3A_414, %dma_wait3A_415] : memref<10240x80xf32, #tpu.memory_space<vmem_shared>> -> memref<10240x80xf32, #tpu.memory_space<vmem_shared>>
      tpu.wait_indirect_dma semaphore(%arg21 : memref<!tpu.dma_semaphore, #tpu.memory_space<semaphore_mem>>) src(%arg11 : memref<125x80xf32, #tpu.memory_space<vmem>>) dst(%dma_wait3A_416 : memref<10240x80xf32, #tpu.memory_space<vmem_shared>>)
      %add3A_417 = arith.constant 3 : i32
      %add3A_418 = arith.addi %add3A_267, %add3A_417 : i32
      %add3A_419 = arith.constant 5 : i32
      %add3A_420 = arith.addi %add3A_418, %add3A_419 : i32
      %dma_start3A_421 = arith.constant 0 : i32
      %dma_start3A_422 = arith.constant 0 : i32
      %dma_start3A_423 = tpu.memref_slice %arg6[%dma_start3A_421, %add3A_420, %dma_start3A_422] : memref<2x80x125xi32, #tpu.memory_space<vmem>> -> memref<1x1x125xi32, #tpu.memory_space<vmem>>
      %dma_start3A_424 = tpu.memref_squeeze %dma_start3A_423 : memref<1x1x125xi32, #tpu.memory_space<vmem>> -> memref<125xi32, #tpu.memory_space<vmem>>
      %dma_start3A_425 = arith.constant 0 : i32
      %dma_start3A_426 = arith.constant 0 : i32
      %dma_start3A_427 = tpu.memref_slice %arg2[%dma_start3A_425, %dma_start3A_426] : memref<10000x80xf32, #tpu.memory_space<hbm>> -> memref<10000x80xf32, #tpu.memory_space<hbm>>
      tpu.enqueue_indirect_dma source(%dma_start3A_427 : memref<10000x80xf32, #tpu.memory_space<hbm>>) target(%arg11 : memref<125x80xf32, #tpu.memory_space<vmem>>) offsets(%dma_start3A_424 : memref<125xi32, #tpu.memory_space<vmem>>) semaphore(%arg16 : memref<!tpu.dma_semaphore, #tpu.memory_space<semaphore_mem>>)
      %add3A_428 = arith.constant 4 : i32
      %add3A_429 = arith.addi %add3A_267, %add3A_428 : i32
      %dma_wait3A_430 = arith.constant 1 : i32
      %dma_wait3A_431 = arith.constant 0 : i32
      %dma_wait3A_432 = tpu.memref_slice %arg6[%dma_wait3A_430, %add3A_429, %dma_wait3A_431] : memref<2x80x125xi32, #tpu.memory_space<vmem>> -> memref<1x1x125xi32, #tpu.memory_space<vmem>>
      %dma_wait3A_433 = tpu.memref_squeeze %dma_wait3A_432 : memref<1x1x125xi32, #tpu.memory_space<vmem>> -> memref<125xi32, #tpu.memory_space<vmem>>
      %dma_wait3A_434 = arith.constant 0 : i32
      %dma_wait3A_435 = arith.constant 0 : i32
      %dma_wait3A_436 = tpu.memref_slice %arg5[%dma_wait3A_434, %dma_wait3A_435] : memref<10240x80xf32, #tpu.memory_space<vmem_shared>> -> memref<10240x80xf32, #tpu.memory_space<vmem_shared>>
      tpu.wait_indirect_dma semaphore(%arg22 : memref<!tpu.dma_semaphore, #tpu.memory_space<semaphore_mem>>) src(%arg12 : memref<125x80xf32, #tpu.memory_space<vmem>>) dst(%dma_wait3A_436 : memref<10240x80xf32, #tpu.memory_space<vmem_shared>>)
      %add3A_437 = arith.constant 4 : i32
      %add3A_438 = arith.addi %add3A_267, %add3A_437 : i32
      %add3A_439 = arith.constant 5 : i32
      %add3A_440 = arith.addi %add3A_438, %add3A_439 : i32
      %dma_start3A_441 = arith.constant 0 : i32
      %dma_start3A_442 = arith.constant 0 : i32
      %dma_start3A_443 = tpu.memref_slice %arg6[%dma_start3A_441, %add3A_440, %dma_start3A_442] : memref<2x80x125xi32, #tpu.memory_space<vmem>> -> memref<1x1x125xi32, #tpu.memory_space<vmem>>
      %dma_start3A_444 = tpu.memref_squeeze %dma_start3A_443 : memref<1x1x125xi32, #tpu.memory_space<vmem>> -> memref<125xi32, #tpu.memory_space<vmem>>
      %dma_start3A_445 = arith.constant 0 : i32
      %dma_start3A_446 = arith.constant 0 : i32
      %dma_start3A_447 = tpu.memref_slice %arg2[%dma_start3A_445, %dma_start3A_446] : memref<10000x80xf32, #tpu.memory_space<hbm>> -> memref<10000x80xf32, #tpu.memory_space<hbm>>
      tpu.enqueue_indirect_dma source(%dma_start3A_447 : memref<10000x80xf32, #tpu.memory_space<hbm>>) target(%arg12 : memref<125x80xf32, #tpu.memory_space<vmem>>) offsets(%dma_start3A_444 : memref<125xi32, #tpu.memory_space<vmem>>) semaphore(%arg17 : memref<!tpu.dma_semaphore, #tpu.memory_space<semaphore_mem>>)
    }
    %scan3A_141 = arith.constant 15 : i32
    %dma_wait3A_142 = arith.constant 0 : i32
    %dma_wait3A_143 = arith.constant 75 : i32
    %dma_wait3A_144 = arith.constant 0 : i32
    %dma_wait3A_145 = tpu.memref_slice %arg6[%dma_wait3A_142, %dma_wait3A_143, %dma_wait3A_144] : memref<2x80x125xi32, #tpu.memory_space<vmem>> -> memref<1x1x125xi32, #tpu.memory_space<vmem>>
    %dma_wait3A_146 = tpu.memref_squeeze %dma_wait3A_145 : memref<1x1x125xi32, #tpu.memory_space<vmem>> -> memref<125xi32, #tpu.memory_space<vmem>>
    %dma_wait3A_147 = arith.constant 0 : i32
    %dma_wait3A_148 = arith.constant 0 : i32
    %dma_wait3A_149 = tpu.memref_slice %arg2[%dma_wait3A_147, %dma_wait3A_148] : memref<10000x80xf32, #tpu.memory_space<hbm>> -> memref<10000x80xf32, #tpu.memory_space<hbm>>
    tpu.wait_indirect_dma semaphore(%arg13 : memref<!tpu.dma_semaphore, #tpu.memory_space<semaphore_mem>>) src(%dma_wait3A_149 : memref<10000x80xf32, #tpu.memory_space<hbm>>) dst(%arg8 : memref<125x80xf32, #tpu.memory_space<vmem>>)
    %dma_start3A_150 = arith.constant 1 : i32
    %dma_start3A_151 = arith.constant 75 : i32
    %dma_start3A_152 = arith.constant 0 : i32
    %dma_start3A_153 = tpu.memref_slice %arg6[%dma_start3A_150, %dma_start3A_151, %dma_start3A_152] : memref<2x80x125xi32, #tpu.memory_space<vmem>> -> memref<1x1x125xi32, #tpu.memory_space<vmem>>
    %dma_start3A_154 = tpu.memref_squeeze %dma_start3A_153 : memref<1x1x125xi32, #tpu.memory_space<vmem>> -> memref<125xi32, #tpu.memory_space<vmem>>
    %dma_start3A_155 = arith.constant 0 : i32
    %dma_start3A_156 = arith.constant 0 : i32
    %dma_start3A_157 = tpu.memref_slice %arg5[%dma_start3A_155, %dma_start3A_156] : memref<10240x80xf32, #tpu.memory_space<vmem_shared>> -> memref<10240x80xf32, #tpu.memory_space<vmem_shared>>
    tpu.enqueue_indirect_dma source(%arg8 : memref<125x80xf32, #tpu.memory_space<vmem>>) target(%dma_start3A_157 : memref<10240x80xf32, #tpu.memory_space<vmem_shared>>) offsets(%dma_start3A_154 : memref<125xi32, #tpu.memory_space<vmem>>) semaphore(%arg18 : memref<!tpu.dma_semaphore, #tpu.memory_space<semaphore_mem>>) {add = true}
    %dma_wait3A_158 = arith.constant 0 : i32
    %dma_wait3A_159 = arith.constant 76 : i32
    %dma_wait3A_160 = arith.constant 0 : i32
    %dma_wait3A_161 = tpu.memref_slice %arg6[%dma_wait3A_158, %dma_wait3A_159, %dma_wait3A_160] : memref<2x80x125xi32, #tpu.memory_space<vmem>> -> memref<1x1x125xi32, #tpu.memory_space<vmem>>
    %dma_wait3A_162 = tpu.memref_squeeze %dma_wait3A_161 : memref<1x1x125xi32, #tpu.memory_space<vmem>> -> memref<125xi32, #tpu.memory_space<vmem>>
    %dma_wait3A_163 = arith.constant 0 : i32
    %dma_wait3A_164 = arith.constant 0 : i32
    %dma_wait3A_165 = tpu.memref_slice %arg2[%dma_wait3A_163, %dma_wait3A_164] : memref<10000x80xf32, #tpu.memory_space<hbm>> -> memref<10000x80xf32, #tpu.memory_space<hbm>>
    tpu.wait_indirect_dma semaphore(%arg14 : memref<!tpu.dma_semaphore, #tpu.memory_space<semaphore_mem>>) src(%dma_wait3A_165 : memref<10000x80xf32, #tpu.memory_space<hbm>>) dst(%arg9 : memref<125x80xf32, #tpu.memory_space<vmem>>)
    %dma_start3A_166 = arith.constant 1 : i32
    %dma_start3A_167 = arith.constant 76 : i32
    %dma_start3A_168 = arith.constant 0 : i32
    %dma_start3A_169 = tpu.memref_slice %arg6[%dma_start3A_166, %dma_start3A_167, %dma_start3A_168] : memref<2x80x125xi32, #tpu.memory_space<vmem>> -> memref<1x1x125xi32, #tpu.memory_space<vmem>>
    %dma_start3A_170 = tpu.memref_squeeze %dma_start3A_169 : memref<1x1x125xi32, #tpu.memory_space<vmem>> -> memref<125xi32, #tpu.memory_space<vmem>>
    %dma_start3A_171 = arith.constant 0 : i32
    %dma_start3A_172 = arith.constant 0 : i32
    %dma_start3A_173 = tpu.memref_slice %arg5[%dma_start3A_171, %dma_start3A_172] : memref<10240x80xf32, #tpu.memory_space<vmem_shared>> -> memref<10240x80xf32, #tpu.memory_space<vmem_shared>>
    tpu.enqueue_indirect_dma source(%arg9 : memref<125x80xf32, #tpu.memory_space<vmem>>) target(%dma_start3A_173 : memref<10240x80xf32, #tpu.memory_space<vmem_shared>>) offsets(%dma_start3A_170 : memref<125xi32, #tpu.memory_space<vmem>>) semaphore(%arg19 : memref<!tpu.dma_semaphore, #tpu.memory_space<semaphore_mem>>) {add = true}
    %dma_wait3A_174 = arith.constant 0 : i32
    %dma_wait3A_175 = arith.constant 77 : i32
    %dma_wait3A_176 = arith.constant 0 : i32
    %dma_wait3A_177 = tpu.memref_slice %arg6[%dma_wait3A_174, %dma_wait3A_175, %dma_wait3A_176] : memref<2x80x125xi32, #tpu.memory_space<vmem>> -> memref<1x1x125xi32, #tpu.memory_space<vmem>>
    %dma_wait3A_178 = tpu.memref_squeeze %dma_wait3A_177 : memref<1x1x125xi32, #tpu.memory_space<vmem>> -> memref<125xi32, #tpu.memory_space<vmem>>
    %dma_wait3A_179 = arith.constant 0 : i32
    %dma_wait3A_180 = arith.constant 0 : i32
    %dma_wait3A_181 = tpu.memref_slice %arg2[%dma_wait3A_179, %dma_wait3A_180] : memref<10000x80xf32, #tpu.memory_space<hbm>> -> memref<10000x80xf32, #tpu.memory_space<hbm>>
    tpu.wait_indirect_dma semaphore(%arg15 : memref<!tpu.dma_semaphore, #tpu.memory_space<semaphore_mem>>) src(%dma_wait3A_181 : memref<10000x80xf32, #tpu.memory_space<hbm>>) dst(%arg10 : memref<125x80xf32, #tpu.memory_space<vmem>>)
    %dma_start3A_182 = arith.constant 1 : i32
    %dma_start3A_183 = arith.constant 77 : i32
    %dma_start3A_184 = arith.constant 0 : i32
    %dma_start3A_185 = tpu.memref_slice %arg6[%dma_start3A_182, %dma_start3A_183, %dma_start3A_184] : memref<2x80x125xi32, #tpu.memory_space<vmem>> -> memref<1x1x125xi32, #tpu.memory_space<vmem>>
    %dma_start3A_186 = tpu.memref_squeeze %dma_start3A_185 : memref<1x1x125xi32, #tpu.memory_space<vmem>> -> memref<125xi32, #tpu.memory_space<vmem>>
    %dma_start3A_187 = arith.constant 0 : i32
    %dma_start3A_188 = arith.constant 0 : i32
    %dma_start3A_189 = tpu.memref_slice %arg5[%dma_start3A_187, %dma_start3A_188] : memref<10240x80xf32, #tpu.memory_space<vmem_shared>> -> memref<10240x80xf32, #tpu.memory_space<vmem_shared>>
    tpu.enqueue_indirect_dma source(%arg10 : memref<125x80xf32, #tpu.memory_space<vmem>>) target(%dma_start3A_189 : memref<10240x80xf32, #tpu.memory_space<vmem_shared>>) offsets(%dma_start3A_186 : memref<125xi32, #tpu.memory_space<vmem>>) semaphore(%arg20 : memref<!tpu.dma_semaphore, #tpu.memory_space<semaphore_mem>>) {add = true}
    %dma_wait3A_190 = arith.constant 0 : i32
    %dma_wait3A_191 = arith.constant 78 : i32
    %dma_wait3A_192 = arith.constant 0 : i32
    %dma_wait3A_193 = tpu.memref_slice %arg6[%dma_wait3A_190, %dma_wait3A_191, %dma_wait3A_192] : memref<2x80x125xi32, #tpu.memory_space<vmem>> -> memref<1x1x125xi32, #tpu.memory_space<vmem>>
    %dma_wait3A_194 = tpu.memref_squeeze %dma_wait3A_193 : memref<1x1x125xi32, #tpu.memory_space<vmem>> -> memref<125xi32, #tpu.memory_space<vmem>>
    %dma_wait3A_195 = arith.constant 0 : i32
    %dma_wait3A_196 = arith.constant 0 : i32
    %dma_wait3A_197 = tpu.memref_slice %arg2[%dma_wait3A_195, %dma_wait3A_196] : memref<10000x80xf32, #tpu.memory_space<hbm>> -> memref<10000x80xf32, #tpu.memory_space<hbm>>
    tpu.wait_indirect_dma semaphore(%arg16 : memref<!tpu.dma_semaphore, #tpu.memory_space<semaphore_mem>>) src(%dma_wait3A_197 : memref<10000x80xf32, #tpu.memory_space<hbm>>) dst(%arg11 : memref<125x80xf32, #tpu.memory_space<vmem>>)
    %dma_start3A_198 = arith.constant 1 : i32
    %dma_start3A_199 = arith.constant 78 : i32
    %dma_start3A_200 = arith.constant 0 : i32
    %dma_start3A_201 = tpu.memref_slice %arg6[%dma_start3A_198, %dma_start3A_199, %dma_start3A_200] : memref<2x80x125xi32, #tpu.memory_space<vmem>> -> memref<1x1x125xi32, #tpu.memory_space<vmem>>
    %dma_start3A_202 = tpu.memref_squeeze %dma_start3A_201 : memref<1x1x125xi32, #tpu.memory_space<vmem>> -> memref<125xi32, #tpu.memory_space<vmem>>
    %dma_start3A_203 = arith.constant 0 : i32
    %dma_start3A_204 = arith.constant 0 : i32
    %dma_start3A_205 = tpu.memref_slice %arg5[%dma_start3A_203, %dma_start3A_204] : memref<10240x80xf32, #tpu.memory_space<vmem_shared>> -> memref<10240x80xf32, #tpu.memory_space<vmem_shared>>
    tpu.enqueue_indirect_dma source(%arg11 : memref<125x80xf32, #tpu.memory_space<vmem>>) target(%dma_start3A_205 : memref<10240x80xf32, #tpu.memory_space<vmem_shared>>) offsets(%dma_start3A_202 : memref<125xi32, #tpu.memory_space<vmem>>) semaphore(%arg21 : memref<!tpu.dma_semaphore, #tpu.memory_space<semaphore_mem>>) {add = true}
    %dma_wait3A_206 = arith.constant 0 : i32
    %dma_wait3A_207 = arith.constant 79 : i32
    %dma_wait3A_208 = arith.constant 0 : i32
    %dma_wait3A_209 = tpu.memref_slice %arg6[%dma_wait3A_206, %dma_wait3A_207, %dma_wait3A_208] : memref<2x80x125xi32, #tpu.memory_space<vmem>> -> memref<1x1x125xi32, #tpu.memory_space<vmem>>
    %dma_wait3A_210 = tpu.memref_squeeze %dma_wait3A_209 : memref<1x1x125xi32, #tpu.memory_space<vmem>> -> memref<125xi32, #tpu.memory_space<vmem>>
    %dma_wait3A_211 = arith.constant 0 : i32
    %dma_wait3A_212 = arith.constant 0 : i32
    %dma_wait3A_213 = tpu.memref_slice %arg2[%dma_wait3A_211, %dma_wait3A_212] : memref<10000x80xf32, #tpu.memory_space<hbm>> -> memref<10000x80xf32, #tpu.memory_space<hbm>>
    tpu.wait_indirect_dma semaphore(%arg17 : memref<!tpu.dma_semaphore, #tpu.memory_space<semaphore_mem>>) src(%dma_wait3A_213 : memref<10000x80xf32, #tpu.memory_space<hbm>>) dst(%arg12 : memref<125x80xf32, #tpu.memory_space<vmem>>)
    %dma_start3A_214 = arith.constant 1 : i32
    %dma_start3A_215 = arith.constant 79 : i32
    %dma_start3A_216 = arith.constant 0 : i32
    %dma_start3A_217 = tpu.memref_slice %arg6[%dma_start3A_214, %dma_start3A_215, %dma_start3A_216] : memref<2x80x125xi32, #tpu.memory_space<vmem>> -> memref<1x1x125xi32, #tpu.memory_space<vmem>>
    %dma_start3A_218 = tpu.memref_squeeze %dma_start3A_217 : memref<1x1x125xi32, #tpu.memory_space<vmem>> -> memref<125xi32, #tpu.memory_space<vmem>>
    %dma_start3A_219 = arith.constant 0 : i32
    %dma_start3A_220 = arith.constant 0 : i32
    %dma_start3A_221 = tpu.memref_slice %arg5[%dma_start3A_219, %dma_start3A_220] : memref<10240x80xf32, #tpu.memory_space<vmem_shared>> -> memref<10240x80xf32, #tpu.memory_space<vmem_shared>>
    tpu.enqueue_indirect_dma source(%arg12 : memref<125x80xf32, #tpu.memory_space<vmem>>) target(%dma_start3A_221 : memref<10240x80xf32, #tpu.memory_space<vmem_shared>>) offsets(%dma_start3A_218 : memref<125xi32, #tpu.memory_space<vmem>>) semaphore(%arg22 : memref<!tpu.dma_semaphore, #tpu.memory_space<semaphore_mem>>) {add = true}
    %dma_wait3A_222 = arith.constant 1 : i32
    %dma_wait3A_223 = arith.constant 75 : i32
    %dma_wait3A_224 = arith.constant 0 : i32
    %dma_wait3A_225 = tpu.memref_slice %arg6[%dma_wait3A_222, %dma_wait3A_223, %dma_wait3A_224] : memref<2x80x125xi32, #tpu.memory_space<vmem>> -> memref<1x1x125xi32, #tpu.memory_space<vmem>>
    %dma_wait3A_226 = tpu.memref_squeeze %dma_wait3A_225 : memref<1x1x125xi32, #tpu.memory_space<vmem>> -> memref<125xi32, #tpu.memory_space<vmem>>
    %dma_wait3A_227 = arith.constant 0 : i32
    %dma_wait3A_228 = arith.constant 0 : i32
    %dma_wait3A_229 = tpu.memref_slice %arg5[%dma_wait3A_227, %dma_wait3A_228] : memref<10240x80xf32, #tpu.memory_space<vmem_shared>> -> memref<10240x80xf32, #tpu.memory_space<vmem_shared>>
    tpu.wait_indirect_dma semaphore(%arg18 : memref<!tpu.dma_semaphore, #tpu.memory_space<semaphore_mem>>) src(%arg8 : memref<125x80xf32, #tpu.memory_space<vmem>>) dst(%dma_wait3A_229 : memref<10240x80xf32, #tpu.memory_space<vmem_shared>>)
    %dma_wait3A_230 = arith.constant 1 : i32
    %dma_wait3A_231 = arith.constant 76 : i32
    %dma_wait3A_232 = arith.constant 0 : i32
    %dma_wait3A_233 = tpu.memref_slice %arg6[%dma_wait3A_230, %dma_wait3A_231, %dma_wait3A_232] : memref<2x80x125xi32, #tpu.memory_space<vmem>> -> memref<1x1x125xi32, #tpu.memory_space<vmem>>
    %dma_wait3A_234 = tpu.memref_squeeze %dma_wait3A_233 : memref<1x1x125xi32, #tpu.memory_space<vmem>> -> memref<125xi32, #tpu.memory_space<vmem>>
    %dma_wait3A_235 = arith.constant 0 : i32
    %dma_wait3A_236 = arith.constant 0 : i32
    %dma_wait3A_237 = tpu.memref_slice %arg5[%dma_wait3A_235, %dma_wait3A_236] : memref<10240x80xf32, #tpu.memory_space<vmem_shared>> -> memref<10240x80xf32, #tpu.memory_space<vmem_shared>>
    tpu.wait_indirect_dma semaphore(%arg19 : memref<!tpu.dma_semaphore, #tpu.memory_space<semaphore_mem>>) src(%arg9 : memref<125x80xf32, #tpu.memory_space<vmem>>) dst(%dma_wait3A_237 : memref<10240x80xf32, #tpu.memory_space<vmem_shared>>)
    %dma_wait3A_238 = arith.constant 1 : i32
    %dma_wait3A_239 = arith.constant 77 : i32
    %dma_wait3A_240 = arith.constant 0 : i32
    %dma_wait3A_241 = tpu.memref_slice %arg6[%dma_wait3A_238, %dma_wait3A_239, %dma_wait3A_240] : memref<2x80x125xi32, #tpu.memory_space<vmem>> -> memref<1x1x125xi32, #tpu.memory_space<vmem>>
    %dma_wait3A_242 = tpu.memref_squeeze %dma_wait3A_241 : memref<1x1x125xi32, #tpu.memory_space<vmem>> -> memref<125xi32, #tpu.memory_space<vmem>>
    %dma_wait3A_243 = arith.constant 0 : i32
    %dma_wait3A_244 = arith.constant 0 : i32
    %dma_wait3A_245 = tpu.memref_slice %arg5[%dma_wait3A_243, %dma_wait3A_244] : memref<10240x80xf32, #tpu.memory_space<vmem_shared>> -> memref<10240x80xf32, #tpu.memory_space<vmem_shared>>
    tpu.wait_indirect_dma semaphore(%arg20 : memref<!tpu.dma_semaphore, #tpu.memory_space<semaphore_mem>>) src(%arg10 : memref<125x80xf32, #tpu.memory_space<vmem>>) dst(%dma_wait3A_245 : memref<10240x80xf32, #tpu.memory_space<vmem_shared>>)
    %dma_wait3A_246 = arith.constant 1 : i32
    %dma_wait3A_247 = arith.constant 78 : i32
    %dma_wait3A_248 = arith.constant 0 : i32
    %dma_wait3A_249 = tpu.memref_slice %arg6[%dma_wait3A_246, %dma_wait3A_247, %dma_wait3A_248] : memref<2x80x125xi32, #tpu.memory_space<vmem>> -> memref<1x1x125xi32, #tpu.memory_space<vmem>>
    %dma_wait3A_250 = tpu.memref_squeeze %dma_wait3A_249 : memref<1x1x125xi32, #tpu.memory_space<vmem>> -> memref<125xi32, #tpu.memory_space<vmem>>
    %dma_wait3A_251 = arith.constant 0 : i32
    %dma_wait3A_252 = arith.constant 0 : i32
    %dma_wait3A_253 = tpu.memref_slice %arg5[%dma_wait3A_251, %dma_wait3A_252] : memref<10240x80xf32, #tpu.memory_space<vmem_shared>> -> memref<10240x80xf32, #tpu.memory_space<vmem_shared>>
    tpu.wait_indirect_dma semaphore(%arg21 : memref<!tpu.dma_semaphore, #tpu.memory_space<semaphore_mem>>) src(%arg11 : memref<125x80xf32, #tpu.memory_space<vmem>>) dst(%dma_wait3A_253 : memref<10240x80xf32, #tpu.memory_space<vmem_shared>>)
    %dma_wait3A_254 = arith.constant 1 : i32
    %dma_wait3A_255 = arith.constant 79 : i32
    %dma_wait3A_256 = arith.constant 0 : i32
    %dma_wait3A_257 = tpu.memref_slice %arg6[%dma_wait3A_254, %dma_wait3A_255, %dma_wait3A_256] : memref<2x80x125xi32, #tpu.memory_space<vmem>> -> memref<1x1x125xi32, #tpu.memory_space<vmem>>
    %dma_wait3A_258 = tpu.memref_squeeze %dma_wait3A_257 : memref<1x1x125xi32, #tpu.memory_space<vmem>> -> memref<125xi32, #tpu.memory_space<vmem>>
    %dma_wait3A_259 = arith.constant 0 : i32
    %dma_wait3A_260 = arith.constant 0 : i32
    %dma_wait3A_261 = tpu.memref_slice %arg5[%dma_wait3A_259, %dma_wait3A_260] : memref<10240x80xf32, #tpu.memory_space<vmem_shared>> -> memref<10240x80xf32, #tpu.memory_space<vmem_shared>>
    tpu.wait_indirect_dma semaphore(%arg22 : memref<!tpu.dma_semaphore, #tpu.memory_space<semaphore_mem>>) src(%arg12 : memref<125x80xf32, #tpu.memory_space<vmem>>) dst(%dma_wait3A_261 : memref<10240x80xf32, #tpu.memory_space<vmem_shared>>)
    %barrier3A_262 = arith.constant 0 : index
    tpu.barrier barrier_id(%barrier3A_262)
    "tpu.region"() ({
      %run_scoped3A = tpu.sem_alloc : memref<!tpu.dma_semaphore, #tpu.memory_space<semaphore_mem>>
      %dma_start3A_263 = arith.constant 0 : i32
      %dma_start3A_264 = tpu.memref_slice %arg4[%arg0, %mul3A_2, %dma_start3A_263] : memref<2x10240x80xf32, #tpu.memory_space<hbm>> -> memref<1x640x80xf32, #tpu.memory_space<hbm>>
      %dma_start3A_265 = tpu.memref_squeeze %dma_start3A_264 : memref<1x640x80xf32, #tpu.memory_space<hbm>> -> memref<640x80xf32, #tpu.memory_space<hbm>>
      %dma_start3A_266 = arith.constant 0 : i32
      %dma_start3A_267 = tpu.memref_slice %arg5[%mul3A_2, %dma_start3A_266] : memref<10240x80xf32, #tpu.memory_space<vmem_shared>> -> memref<640x80xf32, #tpu.memory_space<vmem_shared>>
      tpu.enqueue_dma source(%dma_start3A_267 : memref<640x80xf32, #tpu.memory_space<vmem_shared>>) target(%dma_start3A_265 : memref<640x80xf32, #tpu.memory_space<hbm>>) target_semaphore(%run_scoped3A : memref<!tpu.dma_semaphore, #tpu.memory_space<semaphore_mem>>)
      %dma_wait3A_268 = arith.constant 0 : i32
      %dma_wait3A_269 = tpu.memref_slice %arg4[%arg0, %mul3A_2, %dma_wait3A_268] : memref<2x10240x80xf32, #tpu.memory_space<hbm>> -> memref<1x640x80xf32, #tpu.memory_space<hbm>>
      %dma_wait3A_270 = tpu.memref_squeeze %dma_wait3A_269 : memref<1x640x80xf32, #tpu.memory_space<hbm>> -> memref<640x80xf32, #tpu.memory_space<hbm>>
      %dma_wait3A_271 = arith.constant 0 : i32
      %dma_wait3A_272 = tpu.memref_slice %arg5[%mul3A_2, %dma_wait3A_271] : memref<10240x80xf32, #tpu.memory_space<vmem_shared>> -> memref<640x80xf32, #tpu.memory_space<vmem_shared>>
      tpu.wait_dma2 semaphore(%run_scoped3A : memref<!tpu.dma_semaphore, #tpu.memory_space<semaphore_mem>>) src(%dma_wait3A_272 : memref<640x80xf32, #tpu.memory_space<vmem_shared>>) dst(%dma_wait3A_270 : memref<640x80xf32, #tpu.memory_space<hbm>>)
      tpu.yield
    }) : () -> ()
    return
  }
}

module attributes {stable_mosaic.version = 14 : i64} {
  func.func @_tc1_body(%arg0: memref<10000x128xf32, #tpu.memory_space<vmem>>, %arg1: memref<128x64xf32, #tpu.memory_space<vmem>>, %arg2: memref<10000x80xf32, #tpu.memory_space<vmem>>) attributes {dimension_semantics = [], scalar_prefetch = 0 : i64, scratch_operands = 0 : i64, tpu.core_type = #tpu.core_type<tc>} {
    %get3A = arith.constant 0 : index
    %get3A_0 = arith.constant 0 : index
    %get3A_1 = vector.load %arg0[%get3A, %get3A_0] : memref<10000x128xf32, #tpu.memory_space<vmem>>, vector<10000x128xf32>
    %get3A_2 = arith.constant 0 : index
    %get3A_3 = arith.constant 0 : index
    %get3A_4 = vector.load %arg1[%get3A_2, %get3A_3] : memref<128x64xf32, #tpu.memory_space<vmem>>, vector<128x64xf32>
    %dot_general3A = arith.constant dense<0.000000e+00> : vector<10000x64xf32>
    %dot_general3A_5 = tpu.matmul %get3A_1, %get3A_4, %dot_general3A {dimension_numbers = #tpu.dot_dimension_numbers<[1], [0], [0], [1], [0, 0, 1, 1], [], []>, transpose_lhs_hint = false} : vector<10000x128xf32>, vector<128x64xf32>, vector<10000x64xf32> -> vector<10000x64xf32>
    %iota3A = tpu.iota {dimensions = array<i32: 1>} : vector<10000x16xi32>
    %eq3A = arith.constant 0 : i32
    %eq3A_6 = vector.broadcast %eq3A : i32 to vector<10000x16xi32>
    %eq3A_7 = arith.cmpi eq, %iota3A, %eq3A_6 : vector<10000x16xi32>
    %jit3A = arith.constant 1.000000e+00 : f32
    %jit3A_8 = arith.constant 0.000000e+00 : f32
    %broadcast_in_dim3A = vector.broadcast %jit3A : f32 to vector<10000x16xf32>
    %broadcast_in_dim3A_9 = vector.broadcast %jit3A_8 : f32 to vector<10000x16xf32>
    %select_n3A = arith.select %eq3A_7, %broadcast_in_dim3A, %broadcast_in_dim3A_9 : vector<10000x16xi1>, vector<10000x16xf32>
    %concatenate3A = tpu.concatenate %dot_general3A_5, %select_n3A in 1 : vector<10000x64xf32>, vector<10000x16xf32> -> vector<10000x80xf32>
    %swap3A = arith.constant 0 : index
    %swap3A_10 = arith.constant 0 : index
    %swap3A_11 = vector.load %arg2[%swap3A, %swap3A_10] : memref<10000x80xf32, #tpu.memory_space<vmem>>, vector<10000x80xf32>
    tpu.vector_store %arg2[%swap3A, %swap3A_10], %concatenate3A {strides = array<i32>} : memref<10000x80xf32, #tpu.memory_space<vmem>>, vector<10000x80xf32>,
    return
  }
}

module attributes {stable_mosaic.version = 14 : i64} {
  func.func @_tc2_body(%arg0: memref<2x10240x80xf32, #tpu.memory_space<vmem>>, %arg1: memref<64x64xf32, #tpu.memory_space<vmem>>, %arg2: memref<1x64xf32, #tpu.memory_space<vmem>>, %arg3: memref<10000x64xf32, #tpu.memory_space<vmem>>) attributes {dimension_semantics = [], scalar_prefetch = 0 : i64, scratch_operands = 0 : i64, tpu.core_type = #tpu.core_type<tc>} {
    %get3A = arith.constant 0 : index
    %get3A_0 = arith.constant 0 : index
    %get3A_1 = arith.constant 0 : index
    %get3A_2 = vector.load %arg0[%get3A, %get3A_0, %get3A_1] : memref<2x10240x80xf32, #tpu.memory_space<vmem>>, vector<1x10240x80xf32>
    %get3A_3 = vector.shape_cast %get3A_2 : vector<1x10240x80xf32> to vector<10240x80xf32>
    %get3A_4 = arith.constant 1 : index
    %get3A_5 = arith.constant 0 : index
    %get3A_6 = arith.constant 0 : index
    %get3A_7 = vector.load %arg0[%get3A_4, %get3A_5, %get3A_6] : memref<2x10240x80xf32, #tpu.memory_space<vmem>>, vector<1x10240x80xf32>
    %get3A_8 = vector.shape_cast %get3A_7 : vector<1x10240x80xf32> to vector<10240x80xf32>
    %add3A = arith.addf %get3A_3, %get3A_8 : vector<10240x80xf32>
    %slice3A = vector.extract_strided_slice %add3A {offsets = [0, 0], sizes = [10000, 80], strides = [1, 1]} : vector<10240x80xf32> to vector<10000x80xf32>
    %slice3A_9 = vector.extract_strided_slice %slice3A {offsets = [0, 64], sizes = [10000, 1], strides = [1, 1]} : vector<10000x80xf32> to vector<10000x1xf32>
    %max3A = arith.constant 1.000000e+00 : f32
    %max3A_10 = vector.broadcast %max3A : f32 to vector<10000x1xf32>
    %max3A_11 = arith.maximumf %slice3A_9, %max3A_10 : vector<10000x1xf32>
    %slice3A_12 = vector.extract_strided_slice %slice3A {offsets = [0, 0], sizes = [10000, 64], strides = [1, 1]} : vector<10000x80xf32> to vector<10000x64xf32>
    %div3A = vector.broadcast %max3A_11 : vector<10000x1xf32> to vector<10000x64xf32>
    %div3A_13 = arith.divf %slice3A_12, %div3A : vector<10000x64xf32>
    %get3A_14 = arith.constant 0 : index
    %get3A_15 = arith.constant 0 : index
    %get3A_16 = vector.load %arg2[%get3A_14, %get3A_15] : memref<1x64xf32, #tpu.memory_space<vmem>>, vector<1x64xf32>
    %add3A_17 = vector.broadcast %get3A_16 : vector<1x64xf32> to vector<10000x64xf32>
    %add3A_18 = arith.addf %div3A_13, %add3A_17 : vector<10000x64xf32>
    %max3A_19 = arith.constant 0.000000e+00 : f32
    %max3A_20 = vector.broadcast %max3A_19 : f32 to vector<10000x64xf32>
    %max3A_21 = arith.maximumf %add3A_18, %max3A_20 : vector<10000x64xf32>
    %get3A_22 = arith.constant 0 : index
    %get3A_23 = arith.constant 0 : index
    %get3A_24 = vector.load %arg1[%get3A_22, %get3A_23] : memref<64x64xf32, #tpu.memory_space<vmem>>, vector<64x64xf32>
    %dot_general3A = arith.constant dense<0.000000e+00> : vector<10000x64xf32>
    %dot_general3A_25 = tpu.matmul %max3A_21, %get3A_24, %dot_general3A {dimension_numbers = #tpu.dot_dimension_numbers<[1], [0], [0], [1], [0, 0, 1, 1], [], []>, transpose_lhs_hint = false} : vector<10000x64xf32>, vector<64x64xf32>, vector<10000x64xf32> -> vector<10000x64xf32>
    %swap3A = arith.constant 0 : index
    %swap3A_26 = arith.constant 0 : index
    %swap3A_27 = vector.load %arg3[%swap3A, %swap3A_26] : memref<10000x64xf32, #tpu.memory_space<vmem>>, vector<10000x64xf32>
    tpu.vector_store %arg3[%swap3A, %swap3A_26], %dot_general3A_25 {strides = array<i32>} : memref<10000x64xf32, #tpu.memory_space<vmem>>, vector<10000x64xf32>,
    return
  }
}

module attributes {stable_mosaic.version = 14 : i64} {
  func.func @_tc3_body(%arg0: memref<2x10240x64xf32, #tpu.memory_space<vmem>>, %arg1: memref<2x10240x80xf32, #tpu.memory_space<vmem>>, %arg2: memref<1x64xf32, #tpu.memory_space<vmem>>, %arg3: memref<1x64xf32, #tpu.memory_space<vmem>>, %arg4: memref<1x1xf32, #tpu.memory_space<vmem>>, %arg5: memref<1x1xf32, #tpu.memory_space<vmem>>) attributes {dimension_semantics = [], scalar_prefetch = 0 : i64, scratch_operands = 0 : i64, tpu.core_type = #tpu.core_type<tc>} {
    %get3A = arith.constant 0 : index
    %get3A_0 = arith.constant 0 : index
    %get3A_1 = arith.constant 0 : index
    %get3A_2 = vector.load %arg0[%get3A, %get3A_0, %get3A_1] : memref<2x10240x64xf32, #tpu.memory_space<vmem>>, vector<1x10240x64xf32>
    %get3A_3 = vector.shape_cast %get3A_2 : vector<1x10240x64xf32> to vector<10240x64xf32>
    %get3A_4 = arith.constant 1 : index
    %get3A_5 = arith.constant 0 : index
    %get3A_6 = arith.constant 0 : index
    %get3A_7 = vector.load %arg0[%get3A_4, %get3A_5, %get3A_6] : memref<2x10240x64xf32, #tpu.memory_space<vmem>>, vector<1x10240x64xf32>
    %get3A_8 = vector.shape_cast %get3A_7 : vector<1x10240x64xf32> to vector<10240x64xf32>
    %add3A = arith.addf %get3A_3, %get3A_8 : vector<10240x64xf32>
    %slice3A = vector.extract_strided_slice %add3A {offsets = [0, 0], sizes = [10000, 64], strides = [1, 1]} : vector<10240x64xf32> to vector<10000x64xf32>
    %get3A_9 = arith.constant 0 : index
    %get3A_10 = arith.constant 0 : index
    %get3A_11 = arith.constant 0 : index
    %get3A_12 = vector.load %arg1[%get3A_9, %get3A_10, %get3A_11] : memref<2x10240x80xf32, #tpu.memory_space<vmem>>, vector<1x10240x80xf32>
    %get3A_13 = vector.shape_cast %get3A_12 : vector<1x10240x80xf32> to vector<10240x80xf32>
    %get3A_14 = arith.constant 1 : index
    %get3A_15 = arith.constant 0 : index
    %get3A_16 = arith.constant 0 : index
    %get3A_17 = vector.load %arg1[%get3A_14, %get3A_15, %get3A_16] : memref<2x10240x80xf32, #tpu.memory_space<vmem>>, vector<1x10240x80xf32>
    %get3A_18 = vector.shape_cast %get3A_17 : vector<1x10240x80xf32> to vector<10240x80xf32>
    %add3A_19 = arith.addf %get3A_13, %get3A_18 : vector<10240x80xf32>
    %slice3A_20 = vector.extract_strided_slice %add3A_19 {offsets = [0, 0], sizes = [10000, 80], strides = [1, 1]} : vector<10240x80xf32> to vector<10000x80xf32>
    %slice3A_21 = vector.extract_strided_slice %slice3A_20 {offsets = [0, 64], sizes = [10000, 1], strides = [1, 1]} : vector<10000x80xf32> to vector<10000x1xf32>
    %max3A = arith.constant 1.000000e+00 : f32
    %max3A_22 = vector.broadcast %max3A : f32 to vector<10000x1xf32>
    %max3A_23 = arith.maximumf %slice3A_21, %max3A_22 : vector<10000x1xf32>
    %div3A = vector.broadcast %max3A_23 : vector<10000x1xf32> to vector<10000x64xf32>
    %div3A_24 = arith.divf %slice3A, %div3A : vector<10000x64xf32>
    %get3A_25 = arith.constant 0 : index
    %get3A_26 = arith.constant 0 : index
    %get3A_27 = vector.load %arg2[%get3A_25, %get3A_26] : memref<1x64xf32, #tpu.memory_space<vmem>>, vector<1x64xf32>
    %add3A_28 = vector.broadcast %get3A_27 : vector<1x64xf32> to vector<10000x64xf32>
    %add3A_29 = arith.addf %div3A_24, %add3A_28 : vector<10000x64xf32>
    %max3A_30 = arith.constant 0.000000e+00 : f32
    %max3A_31 = vector.broadcast %max3A_30 : f32 to vector<10000x64xf32>
    %max3A_32 = arith.maximumf %add3A_29, %max3A_31 : vector<10000x64xf32>
    %reduce_sum3A = arith.constant dense<0.000000e+00> : vector<64xf32>
    %reduce_sum3A_33 = vector.multi_reduction <add>, %max3A_32, %reduce_sum3A [0] : vector<10000x64xf32> to vector<64xf32>
    %broadcast_in_dim3A = vector.shape_cast %reduce_sum3A_33 : vector<64xf32> to vector<1x64xf32>
    %div3A_34 = arith.constant 1.000000e+04 : f32
    %div3A_35 = vector.broadcast %div3A_34 : f32 to vector<1x64xf32>
    %div3A_36 = arith.divf %broadcast_in_dim3A, %div3A_35 : vector<1x64xf32>
    %get3A_37 = arith.constant 0 : index
    %get3A_38 = arith.constant 0 : index
    %get3A_39 = vector.load %arg3[%get3A_37, %get3A_38] : memref<1x64xf32, #tpu.memory_space<vmem>>, vector<1x64xf32>
    %mul3A = arith.mulf %div3A_36, %get3A_39 : vector<1x64xf32>
    %reduce_sum3A_40 = arith.constant dense<0.000000e+00> : vector<1xf32>
    %reduce_sum3A_41 = vector.multi_reduction <add>, %mul3A, %reduce_sum3A_40 [1] : vector<1x64xf32> to vector<1xf32>
    %broadcast_in_dim3A_42 = vector.shape_cast %reduce_sum3A_41 : vector<1xf32> to vector<1x1xf32>
    %get3A_43 = arith.constant 0 : index
    %get3A_44 = arith.constant 0 : index
    %get3A_45 = vector.load %arg4[%get3A_43, %get3A_44] : memref<1x1xf32, #tpu.memory_space<vmem>>, vector<1x1xf32>
    %add3A_46 = arith.addf %broadcast_in_dim3A_42, %get3A_45 : vector<1x1xf32>
    %swap3A = arith.constant 0 : index
    %swap3A_47 = arith.constant 0 : index
    %swap3A_48 = vector.load %arg5[%swap3A, %swap3A_47] : memref<1x1xf32, #tpu.memory_space<vmem>>, vector<1x1xf32>
    tpu.vector_store %arg5[%swap3A, %swap3A_47], %add3A_46 {strides = array<i32>} : memref<1x1xf32, #tpu.memory_space<vmem>>, vector<1x1xf32>,
    return
  }
}

</mosaic_0001>

<sc_bundles>
// kernel: kernel.10.cloned.1.call-start
scs
__scs_entry_jumppad:
0x0: {  	(pc) =	sbr.rel $0x88, $3  }
0x1: {  	(tag) =	ssettag $0x0;
	lr =	simm.s32 $0x1  }
0x2: {  	[smem:$0x3F99] =	sst lr;
	_ =	strace $0xD0000000  }
0x3: {  	_ = 	snop  }
0x4: {  	_ = 	snop  }
0x5: {  	_ = 	snop  }
0x6: {  	_ = 	snop  }
0x7: {  	_ = 	snop  }
__scs_overlays_trampoline_lowered:
0x8: {  	[smem:$0x3FA8] =	sst s0  }
0x9: {  	[smem:$0x3FA9] =	sst s1  }
0xa: {  	[smem:$0x3FAA] =	sst s2  }
0xb: {  	[smem:$0x3FAB] =	sst s3  }
0xc: {  	[smem:$0x3FAC] =	sst s4  }
0xd: {  	[smem:$0x3FAD] =	sst s5  }
0xe: {  	[smem:$0x3FAE] =	sst s6  }
0xf: {  	[smem:$0x3FAF] =	sst s7  }
0x10: {  	[smem:$0x3FB0] =	sst s8  }
0x11: {  	[smem:$0x3FB1] =	sst s9;
	s0 =	simm.s32 @!p0 $0x0  }
0x12: {  	s1 =	sld [smem:$0x3F97];
	s0 =	simm.s32 @p0 $0x1  }
0x13: {  	[smem:$0x3FB2] =	sst s0;
	s0 =	simm.s32 @!p1 $0x0  }
0x14: {  	s2 =	sld [smem:$0x3F96];
	s0 =	simm.s32 @p1 $0x1  }
0x15: {  	[smem:$0x3FB3] =	sst s0;
	s0 =	simm.s32 @!p2 $0x0  }
0x16: {  	s3 =	sld [smem:$0x3FDB];
	s0 =	simm.s32 @p2 $0x1  }
0x17: {  	s4 =	simm.s32 $0x1BF5;
	[smem:$0x3FB5] =	sst s0  }
0x18: {  	s0 =	sld [smem:$0x3F98];
	_ =	swait.ge [sflag:s4], $0x0  }
0x19: {  	s7 =	sld [smem:$0x3F99]  }
0x1a: {  	s8 =	sadd.s32 $0xFFFFE003, lr  }
0x1b: {  	s9 =	sadd.s32 $0xFFFFFEF7, lr;
	s5 =	simm.s32 $0xFFFFFFFF;
	p2 =	slt.u32 s8, $0xFFFFF086  }
0x1c: {  	p1 =	slt.u32 s9, $0xF7A;
	s5 =	simm.s32 @!p2 $0x0  }
0x1d: {  	s5 =	simm.s32 @p1 $0x1;
	p0 =	seq.s32 s7, s2  }
0x1e: {  	s7 =	smul.u32 @!p0 $0xF7A, s2;
	p2 =	seq.s32 @!p0 s5, $0x0  }
0x1f: {  	s9 =	smul.u32 $0xF7A, s1;
	s8 =	simm.s32 @!p0 $0x1BF5;
	p2 =	por !p2, p0  }
0x20: {  	[sflag:s8] =	ssyncset.s32 @!p0 $0xFFFFF086;
	s6 =	sadd.s32 @!p0 s3, s7;
	s7 =	simm.s32 @!p0 $0x108  }
0x21: {  	s3 =	sadd.s32 s3, s9;
	s6 =	sadd.s32 @!p0 $0x88, s6;
	s7 =	simm.s32 @p2 $0x1082  }
0x22: {  	[simem:s7], [sflag:s8] =	dma.local @!p0 [hbm:s6], $0xF7A  }
0x23: {  	s9 =	sor.u32 $0xD0000000, s2;
	s6 =	simm.s32 $0x108;
	_ =	swait.ge @!p0 [sflag:s8], $0x0  }
0x24: {  	s3 =	sadd.s32 $0x88, s3;
	s6 =	simm.s32 @!p1 $0x1082;
	[sflag:s4] =	ssyncset.s32 $0xFFFFF086  }
0x25: {  	[simem:s6], [sflag:s4] =	dma.local [hbm:s3], $0xF7A  }
0x26: {  	[smem:$0x3F99] =	sst s1;
	(tag) =	ssettag s2;
	_ =	strace s9  }
0x27: {  	s1 =	sld [smem:$0x3FA9]  }
0x28: {  	s2 =	sld [smem:$0x3FAA]  }
0x29: {  	s4 =	sld [smem:$0x3FAC]  }
0x2a: {  	p0 =	seq.s32 s5, $0x0;
	s5 =	sld [smem:$0x3FAD]  }
0x2b: {  	s6 =	sld [smem:$0x3FAE]  }
0x2c: {  	s7 =	sld [smem:$0x3FAF]  }
0x2d: {  	s3 =	simm.s32 $0x108;
	s8 =	sld [smem:$0x3FB0]  }
0x2e: {  	s3 =	simm.s32 @!p0 $0x1082;
	s9 =	sld [smem:$0x3FB1]  }
0x2f: {  	lr =	sadd.s32 s0, s3;
	s0 =	sld [smem:$0x3FA8]  }
0x30: {  	s3 =	sld [smem:$0x3FAB]  }
0x31: {  	[smem:$0x3FB4] =	sst s10  }
0x32: {  	s10 =	sld [smem:$0x3FB2];
	_ =	sdelay $0x3  }
0x33: {  	p0 =	seq.s32 s10, $0x1;
	s10 =	sld [smem:$0x3FB4];
	_ =	sdelay $0x3  }
0x34: {  	[smem:$0x3FB4] =	sst s10  }
0x35: {  	s10 =	sld [smem:$0x3FB3];
	_ =	sdelay $0x3  }
0x36: {  	p1 =	seq.s32 s10, $0x1;
	s10 =	sld [smem:$0x3FB4];
	_ =	sdelay $0x3  }
0x37: {  	[smem:$0x3FB4] =	sst s10  }
0x38: {  	s10 =	sld [smem:$0x3FB5]  }
0x39: {  	_ = 	snop;
	(pc) =	sbr.ind lr, $3  }
0x3a: {  	_ = 	snop  }
0x3b: {  	_ = 	snop  }
0x3c: {  	p2 =	seq.s32 s10, $0x1;
	s10 =	sld [smem:$0x3FB4]  }
0x3d: {  	_ =	shalt  }
0x3e: {  	_ =	shalt  }
0x3f: {  	_ =	shalt  }
0x40: {  	_ =	shalt  }
0x41: {  	_ =	shalt  }
0x42: {  	_ =	shalt  }
0x43: {  	_ =	shalt  }
0x44: {  	_ =	shalt  }
0x45: {  	_ =	shalt  }
0x46: {  	_ =	shalt  }
0x47: {  	_ =	shalt  }
0x48: {  	_ =	shalt  }
0x49: {  	_ =	shalt  }
0x4a: {  	_ =	shalt  }
0x4b: {  	_ =	shalt  }
0x4c: {  	_ =	shalt  }
0x4d: {  	_ =	shalt  }
0x4e: {  	_ =	shalt  }
0x4f: {  	_ =	shalt  }
0x50: {  	_ =	shalt  }
0x51: {  	_ =	shalt  }
0x52: {  	_ =	shalt  }
0x53: {  	_ =	shalt  }
0x54: {  	_ =	shalt  }
0x55: {  	_ =	shalt  }
0x56: {  	_ =	shalt  }
0x57: {  	_ =	shalt  }
0x58: {  	_ =	shalt  }
0x59: {  	_ =	shalt  }
0x5a: {  	_ =	shalt  }
0x5b: {  	_ =	shalt  }
0x5c: {  	_ =	shalt  }
0x5d: {  	_ =	shalt  }
0x5e: {  	_ =	shalt  }
0x5f: {  	_ =	shalt  }
0x60: {  	_ =	shalt  }
0x61: {  	_ =	shalt  }
0x62: {  	_ =	shalt  }
0x63: {  	_ =	shalt  }
0x64: {  	_ =	shalt  }
0x65: {  	_ =	shalt  }
0x66: {  	_ =	shalt  }
0x67: {  	_ =	shalt  }
0x68: {  	_ =	shalt  }
0x69: {  	_ =	shalt  }
0x6a: {  	_ =	shalt  }
0x6b: {  	_ =	shalt  }
0x6c: {  	_ =	shalt  }
0x6d: {  	_ =	shalt  }
0x6e: {  	_ =	shalt  }
0x6f: {  	_ =	shalt  }
0x70: {  	_ =	shalt  }
0x71: {  	_ =	shalt  }
0x72: {  	_ =	shalt  }
0x73: {  	_ =	shalt  }
0x74: {  	_ =	shalt  }
0x75: {  	_ =	shalt  }
0x76: {  	_ =	shalt  }
0x77: {  	_ =	shalt  }
0x78: {  	_ =	shalt  }
0x79: {  	_ =	shalt  }
0x7a: {  	_ =	shalt  }
0x7b: {  	_ =	shalt  }
0x7c: {  	_ =	shalt  }
0x7d: {  	_ =	shalt  }
0x7e: {  	_ =	shalt  }
0x7f: {  	_ =	shalt  }
0x80: {  	_ =	shalt  }
0x81: {  	_ =	shalt  }
0x82: {  	_ =	shalt  }
0x83: {  	_ =	shalt  }
0x84: {  	_ =	shalt  }
0x85: {  	_ =	shalt  }
0x86: {  	_ =	shalt  }
0x87: {  	_ =	shalt  }
.Lfunc_end0:
.L_simem_size_0:
called_computation.1_lowered:
.L_overlay_start_0:
0x88: {  	s2 =	sld [smem:$0x3FD9]  }
0x89: {  	s3 =	sld [smem:$0x3FFE];
	_ =	sdelay $0x1  }
0x8a: {  	s1 =	srdreg.scid  }
0x8b: {  	s0 =	sand.u32 $0x1, s1  }
0x8c: {  	s16 =	sshll.u32 s0, $0xA;
	s2 =	sadd.s32 s3, s2  }
0x8d: {  	s2 =	sadd.s32 s2, s16  }
0x8e: {  	[smem:$0x3FC0] =	sst s2  }
0x8f: {  	_ = 	snop  }
0x90: {  	(tm) =	ssettm $0x1  }
0x91: {  	s17 =	sld [smem:$0x3FFB];
	_ =	sdelay $0x3  }
0x92: {  	_ =	strace s17  }
0x93: {  	s2 =	sld [smem:$0x3FFC];
	_ =	sdelay $0x3  }
0x94: {  	_ =	strace s2  }
0x95: {  	s2 =	sld [smem:$0x3FFD];
	_ =	sdelay $0x3  }
0x96: {  	_ =	strace s2  }
0x97: {  	_ =	strace $0x8FFFFFFF  }
0x98: {  	s18 =	sld [smem:$0x3FDB];
	_ =	sdelay $0x1  }
0x99: {  	s19 =	simm.s32 $_scs_section_size  }
0x9a: {  	s4 =	simm.s32 $_size__tile_overlayer_lowered;
	s5 =	simm.s32 $_tile_overlayer_lowered  }
0x9b: {  	s22 =	simm.s32 $0x1BFF;
	s21 =	sshll.u32 s5, $0x1;
	s2 =	sadd.s32 s19, s18  }
0x9c: {  	s6 =	simm.s32 $0x0;
	s20 =	sshll.u32 s4, $0x1;
	s4 =	sadd.s32 s21, s2  }
0x9d: {  	[timem:s6], [sflag:s22] =	dma.local [hbm:s4], s20  }
0x9e: {  	_ =	swait.ge [sflag:s22], s20  }
0x9f: {  	s3 =	ssub.s32 $0x0, s20;
	[sflag:s22] =	ssyncset.done $0x0  }
0xa0: {  	[sflag:s22] =	ssyncadd.s32 s3;
	_ =	sdelay $0x1  }
0xa1: {  	s23 =	simm.s32 $0x1B8B  }
0xa2: {  	_ =	swait.ge [sflag:s23], $0x1  }
0xa3: {  	[sflag:s23] =	ssyncset.done $0x0  }
0xa4: {  	s25 =	simm.s32 $0x1B8E;
	s24 =	sld [smem:$0x3FFE];
	[sflag:s23] =	ssyncadd.s32 $0xFFFFFFFF  }
0xa5: {  	s26 =	simm.s32 $execute0_lowered;
	[smem:$0x3FD2] =	sst s25  }
0xa6: {  	s4 =	sshll.u32 s26, $0x1;
	_ =	strace $0x80000049;
	[dreg:$0x1] =	wrdreg $0xFFFFFFFF  }
0xa7: {  	s28 =	simm.s32 $_size_execute0_lowered;
	s2 =	sadd.s32 s2, s4;
	[dreg:$0x0] =	wrdreg $0x0  }
0xa8: {  	s4 =	sshll.u32 s28, $0x1;
	[dreg:$0x2] =	wrdreg s2  }
0xa9: {  	[dreg:$0x3] =	wrdreg s4  }
0xaa: {  	[dreg:$0x4] =	wrdreg $0xC0  }
0xab: {  	_ =	task [dreg:s6], $0x5FFFF  }
0xac: {  	[dreg:$0x1] =	wrdreg $0xFFFFFFFF  }
0xad: {  	[dreg:$0x0] =	wrdreg $0x60  }
0xae: {  	[dreg:$0x2] =	wrdreg s24  }
0xaf: {  	[dreg:$0x3] =	wrdreg $0x0  }
0xb0: {  	[dreg:$0x4] =	wrdreg $0x9  }
0xb1: {  	_ =	task.clear_ibuf [dreg:s6], $0x5FFFF;
	_ =	strace $0x90000049  }
0xb2: {  	s29 =	simm.s32 $0x9;
	_ =	strace $0x8000004B  }
0xb3: {  	_ =	swait.ge [sflag:s29], $0x1  }
0xb4: {  	[sflag:s29] =	ssyncadd.s32 $0xFFFFFFFF  }
0xb5: {  	_ =	strace $0x9000004B  }
0xb6: {  	_ =	sfence  }
0xb7: {  	s30 =	sld [smem:$0x0];
	_ =	sdelay $0x2  }
0xb8: {  	s31 =	sshll.u32 s1, $0xD;
	s1 =	sshrl.u32 s1, $0x2  }
0xb9: {  	s3 =	sand.u32 $0x4000, s31;
	s1 =	sadd.s32 s1, s30  }
0xba: {  	s0 =	sor.u32 s3, s0;
	s1 =	sshll.u32 s1, $0x11  }
0xbb: {  	s0 =	sor.u32 s1, s0  }
0xbc: {  	s0 =	sadd.s32 $0x8F2B, s0  }
0xbd: {  	[sflag:s0] =	ssyncadd.remote.s32 $0x1  }
0xbe: {  	_ =	sfence.sel $0xFFFF  }
0xbf: {  	[dreg:$0x0] =	wrdreg $0xFFFFFFFF;
	(pc) =	sbr.abs _section_cstart, $3  }
0xc0: {  	[dreg:$0x1] =	wrdreg $0xFFFFFFFF  }
0xc1: {  	_ =	task.clear_ibuf [dreg:s6], $0x2FFFF;
	_ =	strace $0x9FFFFFFF  }
0xc2: {  	(tm) =	ssettm $0x7FFFFFFF  }
0xc3: {  	_ =	shalt  }
tec
execute0_lowered:
.L_overlay_start_1:
0x0: {  	(tag) =	ssettag $0x1  }
0x1: {  	s0 =	srdreg.scid;
	s3 =	rddreg [dreg:$0x0]  }
0x2: {  	s7 =	stileid.u32;
	s2 =	rddreg [dreg:$0x1];
	s4 =	simm.s32 $0x0  }
0x3: {  	s29 =	simm.s32 $0x13E80;
	s31 =	simm.s32 $0x15DC0;
	s28 =	simm.s32 $0x19C40  }
0x4: {  	s9 =	simm.s32 $0x7;
	s10 =	simm.s32 $0x8;
	s11 =	simm.s32 $0x9  }
0x5: {  	s12 =	simm.s32 $0xA;
	s13 =	simm.s32 $0xC;
	s14 =	simm.s32 $0xD  }
0x6: {  	s15 =	simm.s32 $0xE;
	s0 =	sand.u32 $0x1, s0;
	s5 =	smul.u32 $0xA000, s7  }
0x7: {  	[smem:$0x7FF] =	sst s4;
	s4 =	sadd.s32 $0x1400, s3;
	s1 =	sshll.u32 s0, $0x4  }
0x8: {  	s6 =	smul.u32 $0xA0000, s0;
	_ =	strace $0x8000004A;
	s0 =	ssub.s32 $0x2, s0  }
0x9: {  	s1 =	sor.u32 s7, s1;
	s7 =	smul.u32 $0x28000, s7;
	s8 =	sshrl.u32 s0, $0x1  }
0xa: {  	s1 =	smul.u32 $0x2800, s1;
	s6 =	sadd.s32 s5, s6;
	s0 =	ssub.s32 s0, s8  }
0xb: {  	s5 =	sadd.s32 s5, s2;
	s8 =	simm.s32 $0x6;
	s16 =	sshrl.u32 s7, $0x2  }
0xc: {  	[dreg:$0x5] =	wrdreg s5;
	s0 =	smax.u32 s0, $0x1;
	s18 =	sadd.s32 s16, s2  }
0xd: {  	s6 =	sshrl.u32 s6, $0x3;
	[dreg:$0x10] =	wrdreg s0;
	s19 =	sadd.s32 $0x1000, s18  }
0xe: {  	s5 =	simm.s32 $0x4;
	s20 =	sadd.s32 $0x2000, s18;
	[dreg:$0x6] =	wrdreg s19  }
0xf: {  	s1 =	sshrl.u32 s1, $0x3;
	s21 =	sadd.s32 $0x3000, s18;
	[dreg:$0x7] =	wrdreg s20  }
0x10: {  	s0 =	simm.s32 $0x1BB80;
	s22 =	sadd.s32 $0x4000, s18;
	[dreg:$0x8] =	wrdreg s21  }
0x11: {  	s16 =	simm.s32 $0xF;
	s23 =	sadd.s32 $0x5000, s18;
	[dreg:$0x9] =	wrdreg s22  }
0x12: {  	s1 =	sadd.s32 s1, s3;
	s24 =	sadd.s32 $0x6000, s18;
	[dreg:$0xa] =	wrdreg s23  }
0x13: {  	s3 =	sadd.s32 s6, s3;
	s25 =	sadd.s32 $0x7000, s18;
	[dreg:$0xb] =	wrdreg s24  }
0x14: {  	s26 =	sadd.s32 $0x8000, s18;
	s6 =	simm.s32 $0x5;
	[dreg:$0xc] =	wrdreg s25  }
0x15: {  	s17 =	sadd.s32 $0x19C00, s1;
	s1 =	sadd.s32 $0x23C00, s1;
	[dreg:$0xd] =	wrdreg s26  }
0x16: {  	s30 =	sadd.s32 $0x2DC00, s3;
	s21 =	simm.s32 $0x1;
	s22 =	simm.s32 $0x2  }
0x17: {  	s23 =	simm.s32 $0x7D;
	s24 =	simm.s32 $0x10000;
	s26 =	simm.s32 $0x11F40  }
0x18: {  	s20 =	simm.s32 $0x17D00;
	s25 =	simm.s32 $0x1DAC0;
	[dreg:$0x3] =	wrdreg s17  }
0x19: {  	s3 =	simm.s32 $0x3;
	s19 =	simm.s32 $0xB;
	[dreg:$0x4] =	wrdreg s1  }
0x1a: {  	s1 =	sadd.s32 $0x9000, s18;
	[dreg:$0xf] =	wrdreg s30;
	s17 =	simm.s32 $0x10  }
0x1b: {  	v0 =	vimm.f32 $0.0e+00;
	s18 =	simm.s32 $0x0;
	[dreg:$0xe] =	wrdreg s1;
	s1 =	simm.s32 $0x11  }
.LBB2_1:
0x1c: {  	[dreg:$0x11] =	wrdreg s18  }
0x1d: {  	s7 =	simm.s32 $0x0;
	s18 =	rddreg [dreg:$0x3];
	s30 =	simm.s32 $0xA000  }
0x1e: {  	[tilespmem:s30], [sflag:$0x1] =	stream.linear.gather [hbm4b:s18+s7], $0x2800, $0x38;
	[tilespmem:$0x1FA00] =	vst v63  }
0x1f: {  	s18 =	rddreg [dreg:$0x4];
	s30 =	simm.s32 $0xC800  }
0x20: {  	[tilespmem:s30], [sflag:$0x2] =	stream.linear.gather [hbm4b:s18+s7], $0x2800, $0x38;
	[tilespmem:$0x1FA00] =	vst v63  }
0x21: {  	s30 =	simm.s32 $0x100;
	s7 =	simm.s32 $0x0  }
.LBB2_2:
0x22: {  	p0 =	sne.s32 s30, $0x3F00;
	[tilespmem:s7+$0xF030] =	vst v0;
	s18 =	smov.u32 s30;
	s30 =	sadd.s32 $0x100, s30  }
.Ltmp0:
0x23: {  	[tilespmem:s7+$0xF020] =	vst v0;
	(pc) =	sbr.rel @p0 .LBB2_2-.Ltmp0, $3  }
0x24: {  	[tilespmem:s7+$0xF000] =	vst v0  }
0x25: {  	[tilespmem:s7+$0xF010] =	vst v0;
	_ =	sdelay $0x1  }
0x26: {  	s7 =	sshra.s32 s18, $0x2  }
0x27: {  	[tilespmem:s7+$0xF030] =	vst v0  }
0x28: {  	[tilespmem:s7+$0xF020] =	vst v0  }
0x29: {  	[tilespmem:s7+$0xF000] =	vst v0  }
0x2a: {  	[tilespmem:s7+$0xF010] =	vst v0  }
0x2b: {  	_ =	swait.ge [sflag:s21], $0x2800  }
0x2c: {  	[sflag:s21] =	ssyncset.done $0x0  }
0x2d: {  	[sflag:s21] =	ssyncadd.s32 $0xFFFFD800  }
0x2e: {  	_ =	swait.ge [sflag:s22], $0x2800  }
0x2f: {  	[sflag:s22] =	ssyncset.done $0x0  }
0x30: {  	s18 =	simm.s32 $0xA000;
	[sflag:s22] =	ssyncadd.s32 $0xFFFFD800  }
0x31: {  	[tilespmem:s24], [sflag:$0x1] =	stream.indirect.gather [hbm4b:s4+s23], $0x40, s18, s23, $0xb8;
	[tilespmem:$0x1FA00] =	vst v63  }
0x32: {  	s18 =	simm.s32 $0xA080  }
0x33: {  	[tilespmem:s26], [sflag:$0x2] =	stream.indirect.gather [hbm4b:s4+s23], $0x40, s18, s23, $0xb8;
	[tilespmem:$0x1FA00] =	vst v63  }
0x34: {  	s18 =	simm.s32 $0xA100  }
0x35: {  	[tilespmem:s29], [sflag:$0x3] =	stream.indirect.gather [hbm4b:s4+s23], $0x40, s18, s23, $0xb8;
	[tilespmem:$0x1FA00] =	vst v63  }
0x36: {  	s18 =	simm.s32 $0xA180  }
0x37: {  	[tilespmem:s31], [sflag:$0x4] =	stream.indirect.gather [hbm4b:s4+s23], $0x40, s18, s23, $0xb8;
	[tilespmem:$0x1FA00] =	vst v63  }
0x38: {  	s18 =	simm.s32 $0xA200  }
0x39: {  	[tilespmem:s20], [sflag:$0x5] =	stream.indirect.gather [hbm4b:s4+s23], $0x40, s18, s23, $0xb8;
	[tilespmem:$0x1FA00] =	vst v63  }
0x3a: {  	s18 =	simm.s32 $0xA280  }
0x3b: {  	[tilespmem:s28], [sflag:$0x6] =	stream.indirect.gather [hbm4b:s4+s23], $0x40, s18, s23, $0xb8;
	[tilespmem:$0x1FA00] =	vst v63  }
0x3c: {  	s18 =	simm.s32 $0xA300  }
0x3d: {  	[tilespmem:s0], [sflag:$0x7] =	stream.indirect.gather [hbm4b:s4+s23], $0x40, s18, s23, $0xb8;
	[tilespmem:$0x1FA00] =	vst v63  }
0x3e: {  	s18 =	simm.s32 $0xA380  }
0x3f: {  	[tilespmem:s25], [sflag:$0x8] =	stream.indirect.gather [hbm4b:s4+s23], $0x40, s18, s23, $0xb8;
	[tilespmem:$0x1FA00] =	vst v63  }
0x40: {  	s7 =	rddreg [dreg:$0x5];
	s18 =	simm.s32 $0xF000  }
0x41: {  	[spmem:s7] =	stream.linear.scatter [tilespmem:s18], [sflag:$0x11], $0x1000, $0x38;
	[tilespmem:$0x1FA00] =	vst v63  }
0x42: {  	_ =	swait.ge [sflag:s1], $0x1000  }
0x43: {  	[sflag:s1] =	ssyncset.done $0x0  }
0x44: {  	s7 =	rddreg [dreg:$0x6];
	[sflag:s1] =	ssyncadd.s32 $0xFFFFF000  }
0x45: {  	[spmem:s7] =	stream.linear.scatter [tilespmem:s18], [sflag:$0x11], $0x1000, $0x38;
	[tilespmem:$0x1FA00] =	vst v63  }
0x46: {  	_ =	swait.ge [sflag:s1], $0x1000  }
0x47: {  	[sflag:s1] =	ssyncset.done $0x0  }
0x48: {  	s7 =	rddreg [dreg:$0x7];
	[sflag:s1] =	ssyncadd.s32 $0xFFFFF000  }
0x49: {  	[spmem:s7] =	stream.linear.scatter [tilespmem:s18], [sflag:$0x11], $0x1000, $0x38;
	[tilespmem:$0x1FA00] =	vst v63  }
0x4a: {  	_ =	swait.ge [sflag:s1], $0x1000  }
0x4b: {  	[sflag:s1] =	ssyncset.done $0x0  }
0x4c: {  	s7 =	rddreg [dreg:$0x8];
	[sflag:s1] =	ssyncadd.s32 $0xFFFFF000  }
0x4d: {  	[spmem:s7] =	stream.linear.scatter [tilespmem:s18], [sflag:$0x11], $0x1000, $0x38;
	[tilespmem:$0x1FA00] =	vst v63  }
0x4e: {  	_ =	swait.ge [sflag:s1], $0x1000  }
0x4f: {  	[sflag:s1] =	ssyncset.done $0x0  }
0x50: {  	s7 =	rddreg [dreg:$0x9];
	[sflag:s1] =	ssyncadd.s32 $0xFFFFF000  }
0x51: {  	[spmem:s7] =	stream.linear.scatter [tilespmem:s18], [sflag:$0x11], $0x1000, $0x38;
	[tilespmem:$0x1FA00] =	vst v63  }
0x52: {  	_ =	swait.ge [sflag:s1], $0x1000  }
0x53: {  	[sflag:s1] =	ssyncset.done $0x0  }
0x54: {  	s7 =	rddreg [dreg:$0xa];
	[sflag:s1] =	ssyncadd.s32 $0xFFFFF000  }
0x55: {  	[spmem:s7] =	stream.linear.scatter [tilespmem:s18], [sflag:$0x11], $0x1000, $0x38;
	[tilespmem:$0x1FA00] =	vst v63  }
0x56: {  	_ =	swait.ge [sflag:s1], $0x1000  }
0x57: {  	[sflag:s1] =	ssyncset.done $0x0  }
0x58: {  	s7 =	rddreg [dreg:$0xb];
	[sflag:s1] =	ssyncadd.s32 $0xFFFFF000  }
0x59: {  	[spmem:s7] =	stream.linear.scatter [tilespmem:s18], [sflag:$0x11], $0x1000, $0x38;
	[tilespmem:$0x1FA00] =	vst v63  }
0x5a: {  	_ =	swait.ge [sflag:s1], $0x1000  }
0x5b: {  	[sflag:s1] =	ssyncset.done $0x0  }
0x5c: {  	s7 =	rddreg [dreg:$0xc];
	[sflag:s1] =	ssyncadd.s32 $0xFFFFF000  }
0x5d: {  	[spmem:s7] =	stream.linear.scatter [tilespmem:s18], [sflag:$0x11], $0x1000, $0x38;
	[tilespmem:$0x1FA00] =	vst v63  }
0x5e: {  	_ =	swait.ge [sflag:s1], $0x1000  }
0x5f: {  	[sflag:s1] =	ssyncset.done $0x0  }
0x60: {  	s7 =	rddreg [dreg:$0xd];
	[sflag:s1] =	ssyncadd.s32 $0xFFFFF000  }
0x61: {  	[spmem:s7] =	stream.linear.scatter [tilespmem:s18], [sflag:$0x11], $0x1000, $0x38;
	[tilespmem:$0x1FA00] =	vst v63  }
0x62: {  	_ =	swait.ge [sflag:s1], $0x1000  }
0x63: {  	[sflag:s1] =	ssyncset.done $0x0  }
0x64: {  	s7 =	rddreg [dreg:$0xe];
	[sflag:s1] =	ssyncadd.s32 $0xFFFFF000  }
0x65: {  	[spmem:s7] =	stream.linear.scatter [tilespmem:s18], [sflag:$0x11], $0x1000, $0x38;
	[tilespmem:$0x1FA00] =	vst v63  }
0x66: {  	_ =	swait.ge [sflag:s1], $0x1000  }
0x67: {  	[sflag:s1] =	ssyncset.done $0x0  }
0x68: {  	[sflag:s1] =	ssyncadd.s32 $0xFFFFF000  }
0x69: {  	[bflag:$0x0] =	sbarrier.arrive $0xFFFF  }
0x6a: {  	_ =	swait.ge [sflag:s21], $0x1F40  }
0x6b: {  	[sflag:s21] =	ssyncset.done $0x0  }
0x6c: {  	s18 =	simm.s32 $0xC800;
	[sflag:s21] =	ssyncadd.s32 $0xFFFFE0C0  }
0x6d: {  	[spmem:s2] =	stream.indirect.scatter.add.f32 [tilespmem:s24], [sflag:$0x9], $0x40, s18, s23, $0xb8;
	[tilespmem:$0x1FA00] =	vst v63  }
0x6e: {  	_ =	swait.ge [sflag:s22], $0x1F40  }
0x6f: {  	[sflag:s22] =	ssyncset.done $0x0  }
0x70: {  	s18 =	simm.s32 $0xC880;
	[sflag:s22] =	ssyncadd.s32 $0xFFFFE0C0  }
0x71: {  	[spmem:s2] =	stream.indirect.scatter.add.f32 [tilespmem:s26], [sflag:$0xA], $0x40, s18, s23, $0xb8;
	[tilespmem:$0x1FA00] =	vst v63  }
0x72: {  	_ =	swait.ge [sflag:s3], $0x1F40  }
0x73: {  	[sflag:s3] =	ssyncset.done $0x0  }
0x74: {  	s18 =	simm.s32 $0xC900;
	[sflag:s3] =	ssyncadd.s32 $0xFFFFE0C0  }
0x75: {  	[spmem:s2] =	stream.indirect.scatter.add.f32 [tilespmem:s29], [sflag:$0xB], $0x40, s18, s23, $0xb8;
	[tilespmem:$0x1FA00] =	vst v63  }
0x76: {  	_ =	swait.ge [sflag:s5], $0x1F40  }
0x77: {  	[sflag:s5] =	ssyncset.done $0x0  }
0x78: {  	s18 =	simm.s32 $0xC980;
	[sflag:s5] =	ssyncadd.s32 $0xFFFFE0C0  }
0x79: {  	[spmem:s2] =	stream.indirect.scatter.add.f32 [tilespmem:s31], [sflag:$0xC], $0x40, s18, s23, $0xb8;
	[tilespmem:$0x1FA00] =	vst v63  }
0x7a: {  	_ =	swait.ge [sflag:s6], $0x1F40  }
0x7b: {  	[sflag:s6] =	ssyncset.done $0x0  }
0x7c: {  	s18 =	simm.s32 $0xCA00;
	[sflag:s6] =	ssyncadd.s32 $0xFFFFE0C0  }
0x7d: {  	[spmem:s2] =	stream.indirect.scatter.add.f32 [tilespmem:s20], [sflag:$0xD], $0x40, s18, s23, $0xb8;
	[tilespmem:$0x1FA00] =	vst v63  }
0x7e: {  	_ =	swait.ge [sflag:s8], $0x1F40  }
0x7f: {  	[sflag:s8] =	ssyncset.done $0x0  }
0x80: {  	s18 =	simm.s32 $0xCA80;
	[sflag:s8] =	ssyncadd.s32 $0xFFFFE0C0  }
0x81: {  	[spmem:s2] =	stream.indirect.scatter.add.f32 [tilespmem:s28], [sflag:$0xE], $0x40, s18, s23, $0xb8;
	[tilespmem:$0x1FA00] =	vst v63  }
0x82: {  	_ =	swait.ge [sflag:s9], $0x1F40  }
0x83: {  	[sflag:s9] =	ssyncset.done $0x0  }
0x84: {  	s18 =	simm.s32 $0xCB00;
	[sflag:s9] =	ssyncadd.s32 $0xFFFFE0C0  }
0x85: {  	[spmem:s2] =	stream.indirect.scatter.add.f32 [tilespmem:s0], [sflag:$0xF], $0x40, s18, s23, $0xb8;
	[tilespmem:$0x1FA00] =	vst v63  }
0x86: {  	_ =	swait.ge [sflag:s10], $0x1F40  }
0x87: {  	[sflag:s10] =	ssyncset.done $0x0  }
0x88: {  	s18 =	simm.s32 $0xCB80;
	[sflag:s10] =	ssyncadd.s32 $0xFFFFE0C0  }
0x89: {  	[spmem:s2] =	stream.indirect.scatter.add.f32 [tilespmem:s25], [sflag:$0x10], $0x40, s18, s23, $0xb8;
	[tilespmem:$0x1FA00] =	vst v63  }
0x8a: {  	_ =	swait.ge [sflag:s11], $0x1F40  }
0x8b: {  	[sflag:s11] =	ssyncset.done $0x0  }
0x8c: {  	s18 =	simm.s32 $0xA400;
	[sflag:s11] =	ssyncadd.s32 $0xFFFFE0C0  }
0x8d: {  	[tilespmem:s24], [sflag:$0x1] =	stream.indirect.gather [hbm4b:s4+s23], $0x40, s18, s23, $0xb8;
	[tilespmem:$0x1FA00] =	vst v63  }
0x8e: {  	_ =	swait.ge [sflag:s12], $0x1F40  }
0x8f: {  	[sflag:s12] =	ssyncset.done $0x0  }
0x90: {  	s18 =	simm.s32 $0xA480;
	[sflag:s12] =	ssyncadd.s32 $0xFFFFE0C0  }
0x91: {  	[tilespmem:s26], [sflag:$0x2] =	stream.indirect.gather [hbm4b:s4+s23], $0x40, s18, s23, $0xb8;
	[tilespmem:$0x1FA00] =	vst v63  }
0x92: {  	_ =	swait.ge [sflag:s19], $0x1F40  }
0x93: {  	[sflag:s19] =	ssyncset.done $0x0  }
0x94: {  	s18 =	simm.s32 $0xA500;
	[sflag:s19] =	ssyncadd.s32 $0xFFFFE0C0  }
0x95: {  	[tilespmem:s29], [sflag:$0x3] =	stream.indirect.gather [hbm4b:s4+s23], $0x40, s18, s23, $0xb8;
	[tilespmem:$0x1FA00] =	vst v63  }
0x96: {  	_ =	swait.ge [sflag:s13], $0x1F40  }
0x97: {  	[sflag:s13] =	ssyncset.done $0x0  }
0x98: {  	s18 =	simm.s32 $0xA580;
	[sflag:s13] =	ssyncadd.s32 $0xFFFFE0C0  }
0x99: {  	[tilespmem:s31], [sflag:$0x4] =	stream.indirect.gather [hbm4b:s4+s23], $0x40, s18, s23, $0xb8;
	[tilespmem:$0x1FA00] =	vst v63  }
0x9a: {  	_ =	swait.ge [sflag:s14], $0x1F40  }
0x9b: {  	[sflag:s14] =	ssyncset.done $0x0  }
0x9c: {  	s18 =	simm.s32 $0xA600;
	[sflag:s14] =	ssyncadd.s32 $0xFFFFE0C0  }
0x9d: {  	[tilespmem:s20], [sflag:$0x5] =	stream.indirect.gather [hbm4b:s4+s23], $0x40, s18, s23, $0xb8;
	[tilespmem:$0x1FA00] =	vst v63  }
0x9e: {  	_ =	swait.ge [sflag:s15], $0x1F40  }
0x9f: {  	[sflag:s15] =	ssyncset.done $0x0  }
0xa0: {  	s18 =	simm.s32 $0xA680;
	[sflag:s15] =	ssyncadd.s32 $0xFFFFE0C0  }
0xa1: {  	[tilespmem:s28], [sflag:$0x6] =	stream.indirect.gather [hbm4b:s4+s23], $0x40, s18, s23, $0xb8;
	[tilespmem:$0x1FA00] =	vst v63  }
0xa2: {  	_ =	swait.ge [sflag:s16], $0x1F40  }
0xa3: {  	[sflag:s16] =	ssyncset.done $0x0  }
0xa4: {  	s18 =	simm.s32 $0xA700;
	[sflag:s16] =	ssyncadd.s32 $0xFFFFE0C0  }
0xa5: {  	[tilespmem:s0], [sflag:$0x7] =	stream.indirect.gather [hbm4b:s4+s23], $0x40, s18, s23, $0xb8;
	[tilespmem:$0x1FA00] =	vst v63  }
0xa6: {  	_ =	swait.ge [sflag:s17], $0x1F40  }
0xa7: {  	[sflag:s17] =	ssyncset.done $0x0  }
0xa8: {  	s30 =	simm.s32 $0xA780;
	s7 =	simm.s32 $0x1000;
	[sflag:s17] =	ssyncadd.s32 $0xFFFFE0C0  }
.LBB2_4:
0xa9: {  	[tilespmem:s25], [sflag:$0x8] =	stream.indirect.gather [hbm4b:s4+s23], $0x40, s30, s23, $0xb8;
	[tilespmem:$0x1FA00] =	vst v63  }
0xaa: {  	s18 =	smov.u32 s7  }
0xab: {  	p0 =	sne.s32 s7, $0x8000;
	s7 =	sadd.s32 $0x1000, s7;
	_ =	swait.ge [sflag:s21], $0x1F40  }
0xac: {  	s30 =	sshra.s32 s18, $0x2;
	[sflag:s21] =	ssyncset.done $0x0  }
0xad: {  	s18 =	sadd.s32 $0xC800, s30;
	[sflag:s21] =	ssyncadd.s32 $0xFFFFE0C0  }
0xae: {  	[spmem:s2] =	stream.indirect.scatter.add.f32 [tilespmem:s24], [sflag:$0x9], $0x40, s18, s23, $0xb8;
	[tilespmem:$0x1FA00] =	vst v63  }
0xaf: {  	_ =	swait.ge [sflag:s22], $0x1F40  }
0xb0: {  	[sflag:s22] =	ssyncset.done $0x0  }
0xb1: {  	s18 =	sadd.s32 $0xC880, s30;
	[sflag:s22] =	ssyncadd.s32 $0xFFFFE0C0  }
0xb2: {  	[spmem:s2] =	stream.indirect.scatter.add.f32 [tilespmem:s26], [sflag:$0xA], $0x40, s18, s23, $0xb8;
	[tilespmem:$0x1FA00] =	vst v63  }
0xb3: {  	_ =	swait.ge [sflag:s3], $0x1F40  }
0xb4: {  	[sflag:s3] =	ssyncset.done $0x0  }
0xb5: {  	s18 =	sadd.s32 $0xC900, s30;
	[sflag:s3] =	ssyncadd.s32 $0xFFFFE0C0  }
0xb6: {  	[spmem:s2] =	stream.indirect.scatter.add.f32 [tilespmem:s29], [sflag:$0xB], $0x40, s18, s23, $0xb8;
	[tilespmem:$0x1FA00] =	vst v63  }
0xb7: {  	_ =	swait.ge [sflag:s5], $0x1F40  }
0xb8: {  	[sflag:s5] =	ssyncset.done $0x0  }
0xb9: {  	s18 =	sadd.s32 $0xC980, s30;
	[sflag:s5] =	ssyncadd.s32 $0xFFFFE0C0  }
0xba: {  	[spmem:s2] =	stream.indirect.scatter.add.f32 [tilespmem:s31], [sflag:$0xC], $0x40, s18, s23, $0xb8;
	[tilespmem:$0x1FA00] =	vst v63  }
0xbb: {  	_ =	swait.ge [sflag:s6], $0x1F40  }
0xbc: {  	[sflag:s6] =	ssyncset.done $0x0  }
0xbd: {  	s18 =	sadd.s32 $0xCA00, s30;
	[sflag:s6] =	ssyncadd.s32 $0xFFFFE0C0  }
0xbe: {  	[spmem:s2] =	stream.indirect.scatter.add.f32 [tilespmem:s20], [sflag:$0xD], $0x40, s18, s23, $0xb8;
	[tilespmem:$0x1FA00] =	vst v63  }
0xbf: {  	_ =	swait.ge [sflag:s8], $0x1F40  }
0xc0: {  	[sflag:s8] =	ssyncset.done $0x0  }
0xc1: {  	s18 =	sadd.s32 $0xCA80, s30;
	[sflag:s8] =	ssyncadd.s32 $0xFFFFE0C0  }
0xc2: {  	[spmem:s2] =	stream.indirect.scatter.add.f32 [tilespmem:s28], [sflag:$0xE], $0x40, s18, s23, $0xb8;
	[tilespmem:$0x1FA00] =	vst v63  }
0xc3: {  	_ =	swait.ge [sflag:s9], $0x1F40  }
0xc4: {  	[sflag:s9] =	ssyncset.done $0x0  }
0xc5: {  	s18 =	sadd.s32 $0xCB00, s30;
	[sflag:s9] =	ssyncadd.s32 $0xFFFFE0C0  }
0xc6: {  	[spmem:s2] =	stream.indirect.scatter.add.f32 [tilespmem:s0], [sflag:$0xF], $0x40, s18, s23, $0xb8;
	[tilespmem:$0x1FA00] =	vst v63  }
0xc7: {  	_ =	swait.ge [sflag:s10], $0x1F40  }
0xc8: {  	[sflag:s10] =	ssyncset.done $0x0  }
0xc9: {  	s18 =	sadd.s32 $0xCB80, s30;
	[sflag:s10] =	ssyncadd.s32 $0xFFFFE0C0  }
0xca: {  	[spmem:s2] =	stream.indirect.scatter.add.f32 [tilespmem:s25], [sflag:$0x10], $0x40, s18, s23, $0xb8;
	[tilespmem:$0x1FA00] =	vst v63  }
0xcb: {  	_ =	swait.ge [sflag:s11], $0x1F40  }
0xcc: {  	[sflag:s11] =	ssyncset.done $0x0  }
0xcd: {  	s18 =	sadd.s32 $0xA400, s30;
	[sflag:s11] =	ssyncadd.s32 $0xFFFFE0C0  }
0xce: {  	[tilespmem:s24], [sflag:$0x1] =	stream.indirect.gather [hbm4b:s4+s23], $0x40, s18, s23, $0xb8;
	[tilespmem:$0x1FA00] =	vst v63  }
0xcf: {  	_ =	swait.ge [sflag:s12], $0x1F40  }
0xd0: {  	[sflag:s12] =	ssyncset.done $0x0  }
0xd1: {  	s18 =	sadd.s32 $0xA480, s30;
	[sflag:s12] =	ssyncadd.s32 $0xFFFFE0C0  }
0xd2: {  	[tilespmem:s26], [sflag:$0x2] =	stream.indirect.gather [hbm4b:s4+s23], $0x40, s18, s23, $0xb8;
	[tilespmem:$0x1FA00] =	vst v63  }
0xd3: {  	_ =	swait.ge [sflag:s19], $0x1F40  }
0xd4: {  	[sflag:s19] =	ssyncset.done $0x0  }
0xd5: {  	s18 =	sadd.s32 $0xA500, s30;
	[sflag:s19] =	ssyncadd.s32 $0xFFFFE0C0  }
0xd6: {  	[tilespmem:s29], [sflag:$0x3] =	stream.indirect.gather [hbm4b:s4+s23], $0x40, s18, s23, $0xb8;
	[tilespmem:$0x1FA00] =	vst v63  }
0xd7: {  	_ =	swait.ge [sflag:s13], $0x1F40  }
0xd8: {  	[sflag:s13] =	ssyncset.done $0x0  }
0xd9: {  	s18 =	sadd.s32 $0xA580, s30;
	[sflag:s13] =	ssyncadd.s32 $0xFFFFE0C0  }
0xda: {  	[tilespmem:s31], [sflag:$0x4] =	stream.indirect.gather [hbm4b:s4+s23], $0x40, s18, s23, $0xb8;
	[tilespmem:$0x1FA00] =	vst v63  }
0xdb: {  	_ =	swait.ge [sflag:s14], $0x1F40  }
0xdc: {  	[sflag:s14] =	ssyncset.done $0x0  }
0xdd: {  	s18 =	sadd.s32 $0xA600, s30;
	[sflag:s14] =	ssyncadd.s32 $0xFFFFE0C0  }
0xde: {  	[tilespmem:s20], [sflag:$0x5] =	stream.indirect.gather [hbm4b:s4+s23], $0x40, s18, s23, $0xb8;
	[tilespmem:$0x1FA00] =	vst v63  }
0xdf: {  	_ =	swait.ge [sflag:s15], $0x1F40  }
0xe0: {  	[sflag:s15] =	ssyncset.done $0x0  }
0xe1: {  	s18 =	sadd.s32 $0xA680, s30;
	[sflag:s15] =	ssyncadd.s32 $0xFFFFE0C0  }
0xe2: {  	[tilespmem:s28], [sflag:$0x6] =	stream.indirect.gather [hbm4b:s4+s23], $0x40, s18, s23, $0xb8;
	[tilespmem:$0x1FA00] =	vst v63  }
0xe3: {  	_ =	swait.ge [sflag:s16], $0x1F40  }
0xe4: {  	[sflag:s16] =	ssyncset.done $0x0  }
.Ltmp1:
0xe5: {  	s18 =	sadd.s32 $0xA700, s30;
	[sflag:s16] =	ssyncadd.s32 $0xFFFFE0C0;
	(pc) =	sbr.rel @p0 .LBB2_4-.Ltmp1, $4  }
0xe6: {  	[tilespmem:s0], [sflag:$0x7] =	stream.indirect.gather [hbm4b:s4+s23], $0x40, s18, s23, $0xb8;
	[tilespmem:$0x1FA00] =	vst v63  }
0xe7: {  	_ =	swait.ge [sflag:s17], $0x1F40  }
0xe8: {  	[sflag:s17] =	ssyncset.done $0x0  }
0xe9: {  	s30 =	sadd.s32 $0xA780, s30;
	[sflag:s17] =	ssyncadd.s32 $0xFFFFE0C0  }
0xea: {  	[tilespmem:s25], [sflag:$0x8] =	stream.indirect.gather [hbm4b:s4+s23], $0x40, s30, s23, $0xb8;
	[tilespmem:$0x1FA00] =	vst v63  }
0xeb: {  	_ =	swait.ge [sflag:s21], $0x1F40  }
0xec: {  	[sflag:s21] =	ssyncset.done $0x0  }
0xed: {  	s7 =	simm.s32 $0xEC00;
	[sflag:s21] =	ssyncadd.s32 $0xFFFFE0C0  }
0xee: {  	[spmem:s2] =	stream.indirect.scatter.add.f32 [tilespmem:s24], [sflag:$0x9], $0x40, s7, s23, $0xb8;
	[tilespmem:$0x1FA00] =	vst v63  }
0xef: {  	_ =	swait.ge [sflag:s22], $0x1F40  }
0xf0: {  	[sflag:s22] =	ssyncset.done $0x0  }
0xf1: {  	s18 =	simm.s32 $0xEC80;
	[sflag:s22] =	ssyncadd.s32 $0xFFFFE0C0  }
0xf2: {  	[spmem:s2] =	stream.indirect.scatter.add.f32 [tilespmem:s26], [sflag:$0xA], $0x40, s18, s23, $0xb8;
	[tilespmem:$0x1FA00] =	vst v63  }
0xf3: {  	_ =	swait.ge [sflag:s3], $0x1F40  }
0xf4: {  	[sflag:s3] =	ssyncset.done $0x0  }
0xf5: {  	s30 =	simm.s32 $0xED00;
	[sflag:s3] =	ssyncadd.s32 $0xFFFFE0C0  }
0xf6: {  	[spmem:s2] =	stream.indirect.scatter.add.f32 [tilespmem:s29], [sflag:$0xB], $0x40, s30, s23, $0xb8;
	[tilespmem:$0x1FA00] =	vst v63  }
0xf7: {  	_ =	swait.ge [sflag:s5], $0x1F40  }
0xf8: {  	[sflag:s5] =	ssyncset.done $0x0  }
0xf9: {  	s18 =	simm.s32 $0xED80;
	[sflag:s5] =	ssyncadd.s32 $0xFFFFE0C0  }
0xfa: {  	[spmem:s2] =	stream.indirect.scatter.add.f32 [tilespmem:s31], [sflag:$0xC], $0x40, s18, s23, $0xb8;
	[tilespmem:$0x1FA00] =	vst v63  }
0xfb: {  	_ =	swait.ge [sflag:s6], $0x1F40  }
0xfc: {  	[sflag:s6] =	ssyncset.done $0x0  }
0xfd: {  	s30 =	simm.s32 $0xEE00;
	[sflag:s6] =	ssyncadd.s32 $0xFFFFE0C0  }
0xfe: {  	[spmem:s2] =	stream.indirect.scatter.add.f32 [tilespmem:s20], [sflag:$0xD], $0x40, s30, s23, $0xb8;
	[tilespmem:$0x1FA00] =	vst v63  }
0xff: {  	_ =	swait.ge [sflag:s8], $0x1F40  }
0x100: {  	[sflag:s8] =	ssyncset.done $0x0  }
0x101: {  	s18 =	simm.s32 $0xEE80;
	[sflag:s8] =	ssyncadd.s32 $0xFFFFE0C0  }
0x102: {  	[spmem:s2] =	stream.indirect.scatter.add.f32 [tilespmem:s28], [sflag:$0xE], $0x40, s18, s23, $0xb8;
	[tilespmem:$0x1FA00] =	vst v63  }
0x103: {  	_ =	swait.ge [sflag:s9], $0x1F40  }
0x104: {  	[sflag:s9] =	ssyncset.done $0x0  }
0x105: {  	s30 =	simm.s32 $0xEF00;
	[sflag:s9] =	ssyncadd.s32 $0xFFFFE0C0  }
0x106: {  	[spmem:s2] =	stream.indirect.scatter.add.f32 [tilespmem:s0], [sflag:$0xF], $0x40, s30, s23, $0xb8;
	[tilespmem:$0x1FA00] =	vst v63  }
0x107: {  	_ =	swait.ge [sflag:s10], $0x1F40  }
0x108: {  	[sflag:s10] =	ssyncset.done $0x0  }
0x109: {  	s18 =	simm.s32 $0xEF80;
	[sflag:s10] =	ssyncadd.s32 $0xFFFFE0C0  }
0x10a: {  	[spmem:s2] =	stream.indirect.scatter.add.f32 [tilespmem:s25], [sflag:$0x10], $0x40, s18, s23, $0xb8;
	[tilespmem:$0x1FA00] =	vst v63  }
0x10b: {  	_ =	swait.ge [sflag:s11], $0x1F40  }
0x10c: {  	[sflag:s11] =	ssyncset.done $0x0  }
0x10d: {  	[sflag:s11] =	ssyncadd.s32 $0xFFFFE0C0  }
0x10e: {  	_ =	swait.ge [sflag:s12], $0x1F40  }
0x10f: {  	[sflag:s12] =	ssyncset.done $0x0  }
0x110: {  	[sflag:s12] =	ssyncadd.s32 $0xFFFFE0C0  }
0x111: {  	_ =	swait.ge [sflag:s19], $0x1F40  }
0x112: {  	[sflag:s19] =	ssyncset.done $0x0  }
0x113: {  	[sflag:s19] =	ssyncadd.s32 $0xFFFFE0C0  }
0x114: {  	_ =	swait.ge [sflag:s13], $0x1F40  }
0x115: {  	[sflag:s13] =	ssyncset.done $0x0  }
0x116: {  	[sflag:s13] =	ssyncadd.s32 $0xFFFFE0C0  }
0x117: {  	_ =	swait.ge [sflag:s14], $0x1F40  }
0x118: {  	[sflag:s14] =	ssyncset.done $0x0  }
0x119: {  	[sflag:s14] =	ssyncadd.s32 $0xFFFFE0C0  }
0x11a: {  	_ =	swait.ge [sflag:s15], $0x1F40  }
0x11b: {  	[sflag:s15] =	ssyncset.done $0x0  }
0x11c: {  	[sflag:s15] =	ssyncadd.s32 $0xFFFFE0C0  }
0x11d: {  	_ =	swait.ge [sflag:s16], $0x1F40  }
0x11e: {  	[sflag:s16] =	ssyncset.done $0x0  }
0x11f: {  	[sflag:s16] =	ssyncadd.s32 $0xFFFFE0C0  }
0x120: {  	_ =	swait.ge [sflag:s17], $0x1F40  }
0x121: {  	[sflag:s17] =	ssyncset.done $0x0  }
0x122: {  	[sflag:s17] =	ssyncadd.s32 $0xFFFFE0C0  }
0x123: {  	s30 =	stileid.u32;
	[bflag:$0x0] =	sbarrier.arrive $0xFFFF  }
0x124: {  	s7 =	sshll.u32 s30, $0x6;
	s18 =	rddreg [dreg:$0x5]  }
0x125: {  	s7 =	sor.u32 $0x1C11, s7;
	s30 =	rddreg [dreg:$0xf];
	s18 =	sshrl.u32 s18, $0x3  }
0x126: {  	[hbm:s30], [sflag:s7] =	dma.local [spmem:s18], $0x1400  }
0x127: {  	_ =	swait.ge [sflag:s1], $0x1400  }
0x128: {  	s7 =	rddreg [dreg:$0x11]  }
0x129: {  	s30 =	rddreg [dreg:$0x10];
	s18 =	sadd.s32 $0x1, s7  }
0x12a: {  	p0 =	sne.s32 s18, s30  }
.Ltmp2:
0x12b: {  	_ = 	snop;
	(pc) =	sbr.rel @p0 .LBB2_1-.Ltmp2, $3  }
0x12c: {  	_ =	sdelay $0x1  }
0x12d: {  	[sflag:s1] =	ssyncset.done $0x0  }
0x12e: {  	[sflag:s1] =	ssyncadd.s32 $0xFFFFEC00  }
0x12f: {  	_ =	sfence.sel $0x180000  }
0x130: {  	[bflag:$0x0] =	sbarrier.arrive $0xFFFF  }
0x131: {  	_ =	strace $0x9000004A  }
0x132: {  	s0 =	stileid.u32;
	[bflag:$0x2] =	sbarrier.arrive $0xFFFF  }
0x133: {  	p0 =	sne.s32 s0, $0x0;
	s0 =	rddreg [dreg:$0x2]  }
0x134: {  	s0 =	sadd.s32 @!p0 $0x100000, s0  }
0x135: {  	[sflag:s0] =	ssyncadd.tile.s32 @!p0 $0x1;
	_ =	shalt  }
.Lfunc_end2:
_tile_overlayer_lowered:
.L_overlay_start_2:
0x136: {  	(tag) =	ssettag $0x2  }
0x137: {  	s0 =	rddreg [dreg:$0x0];
	s2 =	stileid.u32  }
0x138: {  	s1 =	rddreg [dreg:$0x1];
	p0 =	sne.s32 s2, $0x0  }
0x139: {  	s3 =	rddreg [dreg:$0x2];
	[bflag:$0x3] =	sbarrier.arrive $0xFFFF;
	s2 =	simm.s32 @!p0 $0x1C11  }
0x13a: {  	[timem:s3], [sflag:s2] =	dma.local @!p0 [hbm:s0], s1  }
0x13b: {  	s0 =	simm.s32 @!p0 $0x11  }
0x13c: {  	_ =	swait.ge @!p0 [sflag:s0], s1  }
0x13d: {  	s1 =	ssub.s32 @!p0 $0x0, s1;
	[sflag:s0] =	ssyncset.done @!p0 $0x0  }
0x13e: {  	[sflag:s0] =	ssyncadd.s32 @!p0 s1  }
0x13f: {  	[bflag:$0x3] =	sbarrier.arrive $0xFFFF  }
0x140: {  	_ =	shalt  }

// kernel: kernel.7.cloned.1.call-start
scs
__scs_entry_jumppad:
0x0: {  	(pc) =	sbr.rel $0x88, $3  }
0x1: {  	(tag) =	ssettag $0x0;
	lr =	simm.s32 $0x1  }
0x2: {  	[smem:$0x3F99] =	sst lr;
	_ =	strace $0xD0000000  }
0x3: {  	_ = 	snop  }
0x4: {  	_ = 	snop  }
0x5: {  	_ = 	snop  }
0x6: {  	_ = 	snop  }
0x7: {  	_ = 	snop  }
__scs_overlays_trampoline_lowered:
0x8: {  	[smem:$0x3FA8] =	sst s0  }
0x9: {  	[smem:$0x3FA9] =	sst s1  }
0xa: {  	[smem:$0x3FAA] =	sst s2  }
0xb: {  	[smem:$0x3FAB] =	sst s3  }
0xc: {  	[smem:$0x3FAC] =	sst s4  }
0xd: {  	[smem:$0x3FAD] =	sst s5  }
0xe: {  	[smem:$0x3FAE] =	sst s6  }
0xf: {  	[smem:$0x3FAF] =	sst s7  }
0x10: {  	[smem:$0x3FB0] =	sst s8  }
0x11: {  	[smem:$0x3FB1] =	sst s9;
	s0 =	simm.s32 @!p0 $0x0  }
0x12: {  	s1 =	sld [smem:$0x3F97];
	s0 =	simm.s32 @p0 $0x1  }
0x13: {  	[smem:$0x3FB2] =	sst s0;
	s0 =	simm.s32 @!p1 $0x0  }
0x14: {  	s2 =	sld [smem:$0x3F96];
	s0 =	simm.s32 @p1 $0x1  }
0x15: {  	[smem:$0x3FB3] =	sst s0;
	s0 =	simm.s32 @!p2 $0x0  }
0x16: {  	s3 =	sld [smem:$0x3FDB];
	s0 =	simm.s32 @p2 $0x1  }
0x17: {  	s4 =	simm.s32 $0x1BF5;
	[smem:$0x3FB5] =	sst s0  }
0x18: {  	s0 =	sld [smem:$0x3F98];
	_ =	swait.ge [sflag:s4], $0x0  }
0x19: {  	s7 =	sld [smem:$0x3F99]  }
0x1a: {  	s8 =	sadd.s32 $0xFFFFE003, lr  }
0x1b: {  	s9 =	sadd.s32 $0xFFFFFEF7, lr;
	s5 =	simm.s32 $0xFFFFFFFF;
	p2 =	slt.u32 s8, $0xFFFFF086  }
0x1c: {  	p1 =	slt.u32 s9, $0xF7A;
	s5 =	simm.s32 @!p2 $0x0  }
0x1d: {  	s5 =	simm.s32 @p1 $0x1;
	p0 =	seq.s32 s7, s2  }
0x1e: {  	s7 =	smul.u32 @!p0 $0xF7A, s2;
	p2 =	seq.s32 @!p0 s5, $0x0  }
0x1f: {  	s9 =	smul.u32 $0xF7A, s1;
	s8 =	simm.s32 @!p0 $0x1BF5;
	p2 =	por !p2, p0  }
0x20: {  	[sflag:s8] =	ssyncset.s32 @!p0 $0xFFFFF086;
	s6 =	sadd.s32 @!p0 s3, s7;
	s7 =	simm.s32 @!p0 $0x108  }
0x21: {  	s3 =	sadd.s32 s3, s9;
	s6 =	sadd.s32 @!p0 $0x88, s6;
	s7 =	simm.s32 @p2 $0x1082  }
0x22: {  	[simem:s7], [sflag:s8] =	dma.local @!p0 [hbm:s6], $0xF7A  }
0x23: {  	s9 =	sor.u32 $0xD0000000, s2;
	s6 =	simm.s32 $0x108;
	_ =	swait.ge @!p0 [sflag:s8], $0x0  }
0x24: {  	s3 =	sadd.s32 $0x88, s3;
	s6 =	simm.s32 @!p1 $0x1082;
	[sflag:s4] =	ssyncset.s32 $0xFFFFF086  }
0x25: {  	[simem:s6], [sflag:s4] =	dma.local [hbm:s3], $0xF7A  }
0x26: {  	[smem:$0x3F99] =	sst s1;
	(tag) =	ssettag s2;
	_ =	strace s9  }
0x27: {  	s1 =	sld [smem:$0x3FA9]  }
0x28: {  	s2 =	sld [smem:$0x3FAA]  }
0x29: {  	s4 =	sld [smem:$0x3FAC]  }
0x2a: {  	p0 =	seq.s32 s5, $0x0;
	s5 =	sld [smem:$0x3FAD]  }
0x2b: {  	s6 =	sld [smem:$0x3FAE]  }
0x2c: {  	s7 =	sld [smem:$0x3FAF]  }
0x2d: {  	s3 =	simm.s32 $0x108;
	s8 =	sld [smem:$0x3FB0]  }
0x2e: {  	s3 =	simm.s32 @!p0 $0x1082;
	s9 =	sld [smem:$0x3FB1]  }
0x2f: {  	lr =	sadd.s32 s0, s3;
	s0 =	sld [smem:$0x3FA8]  }
0x30: {  	s3 =	sld [smem:$0x3FAB]  }
0x31: {  	[smem:$0x3FB4] =	sst s10  }
0x32: {  	s10 =	sld [smem:$0x3FB2];
	_ =	sdelay $0x3  }
0x33: {  	p0 =	seq.s32 s10, $0x1;
	s10 =	sld [smem:$0x3FB4];
	_ =	sdelay $0x3  }
0x34: {  	[smem:$0x3FB4] =	sst s10  }
0x35: {  	s10 =	sld [smem:$0x3FB3];
	_ =	sdelay $0x3  }
0x36: {  	p1 =	seq.s32 s10, $0x1;
	s10 =	sld [smem:$0x3FB4];
	_ =	sdelay $0x3  }
0x37: {  	[smem:$0x3FB4] =	sst s10  }
0x38: {  	s10 =	sld [smem:$0x3FB5]  }
0x39: {  	_ = 	snop;
	(pc) =	sbr.ind lr, $3  }
0x3a: {  	_ = 	snop  }
0x3b: {  	_ = 	snop  }
0x3c: {  	p2 =	seq.s32 s10, $0x1;
	s10 =	sld [smem:$0x3FB4]  }
0x3d: {  	_ =	shalt  }
0x3e: {  	_ =	shalt  }
0x3f: {  	_ =	shalt  }
0x40: {  	_ =	shalt  }
0x41: {  	_ =	shalt  }
0x42: {  	_ =	shalt  }
0x43: {  	_ =	shalt  }
0x44: {  	_ =	shalt  }
0x45: {  	_ =	shalt  }
0x46: {  	_ =	shalt  }
0x47: {  	_ =	shalt  }
0x48: {  	_ =	shalt  }
0x49: {  	_ =	shalt  }
0x4a: {  	_ =	shalt  }
0x4b: {  	_ =	shalt  }
0x4c: {  	_ =	shalt  }
0x4d: {  	_ =	shalt  }
0x4e: {  	_ =	shalt  }
0x4f: {  	_ =	shalt  }
0x50: {  	_ =	shalt  }
0x51: {  	_ =	shalt  }
0x52: {  	_ =	shalt  }
0x53: {  	_ =	shalt  }
0x54: {  	_ =	shalt  }
0x55: {  	_ =	shalt  }
0x56: {  	_ =	shalt  }
0x57: {  	_ =	shalt  }
0x58: {  	_ =	shalt  }
0x59: {  	_ =	shalt  }
0x5a: {  	_ =	shalt  }
0x5b: {  	_ =	shalt  }
0x5c: {  	_ =	shalt  }
0x5d: {  	_ =	shalt  }
0x5e: {  	_ =	shalt  }
0x5f: {  	_ =	shalt  }
0x60: {  	_ =	shalt  }
0x61: {  	_ =	shalt  }
0x62: {  	_ =	shalt  }
0x63: {  	_ =	shalt  }
0x64: {  	_ =	shalt  }
0x65: {  	_ =	shalt  }
0x66: {  	_ =	shalt  }
0x67: {  	_ =	shalt  }
0x68: {  	_ =	shalt  }
0x69: {  	_ =	shalt  }
0x6a: {  	_ =	shalt  }
0x6b: {  	_ =	shalt  }
0x6c: {  	_ =	shalt  }
0x6d: {  	_ =	shalt  }
0x6e: {  	_ =	shalt  }
0x6f: {  	_ =	shalt  }
0x70: {  	_ =	shalt  }
0x71: {  	_ =	shalt  }
0x72: {  	_ =	shalt  }
0x73: {  	_ =	shalt  }
0x74: {  	_ =	shalt  }
0x75: {  	_ =	shalt  }
0x76: {  	_ =	shalt  }
0x77: {  	_ =	shalt  }
0x78: {  	_ =	shalt  }
0x79: {  	_ =	shalt  }
0x7a: {  	_ =	shalt  }
0x7b: {  	_ =	shalt  }
0x7c: {  	_ =	shalt  }
0x7d: {  	_ =	shalt  }
0x7e: {  	_ =	shalt  }
0x7f: {  	_ =	shalt  }
0x80: {  	_ =	shalt  }
0x81: {  	_ =	shalt  }
0x82: {  	_ =	shalt  }
0x83: {  	_ =	shalt  }
0x84: {  	_ =	shalt  }
0x85: {  	_ =	shalt  }
0x86: {  	_ =	shalt  }
0x87: {  	_ =	shalt  }
.Lfunc_end0:
.L_simem_size_0:
called_computation_lowered:
.L_overlay_start_0:
0x88: {  	s2 =	sld [smem:$0x3FD9]  }
0x89: {  	s3 =	sld [smem:$0x3FFE];
	_ =	sdelay $0x1  }
0x8a: {  	s1 =	srdreg.scid  }
0x8b: {  	s0 =	sand.u32 $0x1, s1  }
0x8c: {  	s16 =	sshll.u32 s0, $0xA;
	s2 =	sadd.s32 s3, s2  }
0x8d: {  	s2 =	sadd.s32 s2, s16  }
0x8e: {  	[smem:$0x3FC0] =	sst s2  }
0x8f: {  	_ = 	snop  }
0x90: {  	(tm) =	ssettm $0x1  }
0x91: {  	s17 =	sld [smem:$0x3FFB];
	_ =	sdelay $0x3  }
0x92: {  	_ =	strace s17  }
0x93: {  	s2 =	sld [smem:$0x3FFC];
	_ =	sdelay $0x3  }
0x94: {  	_ =	strace s2  }
0x95: {  	s2 =	sld [smem:$0x3FFD];
	_ =	sdelay $0x3  }
0x96: {  	_ =	strace s2  }
0x97: {  	_ =	strace $0x8FFFFFFF  }
0x98: {  	s18 =	sld [smem:$0x3FDB];
	_ =	sdelay $0x1  }
0x99: {  	s19 =	simm.s32 $_scs_section_size  }
0x9a: {  	s4 =	simm.s32 $_size__tile_overlayer_lowered;
	s5 =	simm.s32 $_tile_overlayer_lowered  }
0x9b: {  	s22 =	simm.s32 $0x1BFF;
	s21 =	sshll.u32 s5, $0x1;
	s2 =	sadd.s32 s19, s18  }
0x9c: {  	s6 =	simm.s32 $0x0;
	s20 =	sshll.u32 s4, $0x1;
	s4 =	sadd.s32 s21, s2  }
0x9d: {  	[timem:s6], [sflag:s22] =	dma.local [hbm:s4], s20  }
0x9e: {  	_ =	swait.ge [sflag:s22], s20  }
0x9f: {  	s3 =	ssub.s32 $0x0, s20;
	[sflag:s22] =	ssyncset.done $0x0  }
0xa0: {  	[sflag:s22] =	ssyncadd.s32 s3;
	_ =	sdelay $0x1  }
0xa1: {  	s23 =	simm.s32 $0x1B8B  }
0xa2: {  	_ =	swait.ge [sflag:s23], $0x1  }
0xa3: {  	[sflag:s23] =	ssyncset.done $0x0  }
0xa4: {  	s25 =	simm.s32 $0x1B8E;
	s24 =	sld [smem:$0x3FFE];
	[sflag:s23] =	ssyncadd.s32 $0xFFFFFFFF  }
0xa5: {  	s26 =	simm.s32 $execute0_lowered;
	[smem:$0x3FD2] =	sst s25  }
0xa6: {  	s4 =	sshll.u32 s26, $0x1;
	_ =	strace $0x80000046;
	[dreg:$0x1] =	wrdreg $0xFFFFFFFF  }
0xa7: {  	s28 =	simm.s32 $_size_execute0_lowered;
	s2 =	sadd.s32 s2, s4;
	[dreg:$0x0] =	wrdreg $0x0  }
0xa8: {  	s4 =	sshll.u32 s28, $0x1;
	[dreg:$0x2] =	wrdreg s2  }
0xa9: {  	[dreg:$0x3] =	wrdreg s4  }
0xaa: {  	[dreg:$0x4] =	wrdreg $0xC0  }
0xab: {  	_ =	task [dreg:s6], $0x5FFFF  }
0xac: {  	[dreg:$0x1] =	wrdreg $0xFFFFFFFF  }
0xad: {  	[dreg:$0x0] =	wrdreg $0x60  }
0xae: {  	[dreg:$0x2] =	wrdreg s24  }
0xaf: {  	[dreg:$0x3] =	wrdreg $0x0  }
0xb0: {  	[dreg:$0x4] =	wrdreg $0x9  }
0xb1: {  	_ =	task.clear_ibuf [dreg:s6], $0x5FFFF;
	_ =	strace $0x90000046  }
0xb2: {  	s29 =	simm.s32 $0x9;
	_ =	strace $0x80000048  }
0xb3: {  	_ =	swait.ge [sflag:s29], $0x1  }
0xb4: {  	[sflag:s29] =	ssyncadd.s32 $0xFFFFFFFF  }
0xb5: {  	_ =	strace $0x90000048  }
0xb6: {  	_ =	sfence  }
0xb7: {  	s30 =	sld [smem:$0x0];
	_ =	sdelay $0x2  }
0xb8: {  	s31 =	sshll.u32 s1, $0xD;
	s1 =	sshrl.u32 s1, $0x2  }
0xb9: {  	s3 =	sand.u32 $0x4000, s31;
	s1 =	sadd.s32 s1, s30  }
0xba: {  	s0 =	sor.u32 s3, s0;
	s1 =	sshll.u32 s1, $0x11  }
0xbb: {  	s0 =	sor.u32 s1, s0  }
0xbc: {  	s0 =	sadd.s32 $0x8F2B, s0  }
0xbd: {  	[sflag:s0] =	ssyncadd.remote.s32 $0x1  }
0xbe: {  	_ =	sfence.sel $0xFFFF  }
0xbf: {  	[dreg:$0x0] =	wrdreg $0xFFFFFFFF;
	(pc) =	sbr.abs _section_cstart, $3  }
0xc0: {  	[dreg:$0x1] =	wrdreg $0xFFFFFFFF  }
0xc1: {  	_ =	task.clear_ibuf [dreg:s6], $0x2FFFF;
	_ =	strace $0x9FFFFFFF  }
0xc2: {  	(tm) =	ssettm $0x7FFFFFFF  }
0xc3: {  	_ =	shalt  }
tec
execute0_lowered:
.L_overlay_start_1:
0x0: {  	(tag) =	ssettag $0x1  }
0x1: {  	s0 =	srdreg.scid;
	s3 =	rddreg [dreg:$0x0]  }
0x2: {  	s7 =	stileid.u32;
	s2 =	rddreg [dreg:$0x1]  }
0x3: {  	s4 =	simm.s32 $0x0;
	s29 =	simm.s32 $0x17A20;
	s31 =	simm.s32 $0x1A130  }
0x4: {  	s28 =	simm.s32 $0x3;
	s30 =	simm.s32 $0x4;
	s9 =	simm.s32 $0xA  }
0x5: {  	s10 =	simm.s32 $0x0;
	s0 =	sand.u32 $0x1, s0;
	s5 =	smul.u32 $0xC800, s7  }
0x6: {  	[smem:$0x7FF] =	sst s4;
	s4 =	sadd.s32 $0x1400, s3;
	s1 =	sshll.u32 s0, $0x4  }
0x7: {  	s6 =	smul.u32 $0xC8000, s0;
	_ =	strace $0x80000047;
	s0 =	ssub.s32 $0x2, s0  }
0x8: {  	s1 =	sor.u32 s7, s1;
	s7 =	smul.u32 $0x32000, s7;
	s8 =	sshrl.u32 s0, $0x1  }
0x9: {  	s1 =	smul.u32 $0x2800, s1;
	s6 =	sadd.s32 s5, s6;
	s0 =	ssub.s32 s0, s8  }
0xa: {  	s8 =	simm.s32 $0x9;
	s6 =	sshrl.u32 s6, $0x3;
	s18 =	sshrl.u32 s7, $0x2  }
0xb: {  	s7 =	sadd.s32 s5, s2;
	s5 =	simm.s32 $0x7;
	s1 =	sshrl.u32 s1, $0x3  }
0xc: {  	s20 =	sadd.s32 s18, s2;
	s18 =	smax.u32 s0, $0x1;
	s0 =	simm.s32 $0x1C840  }
0xd: {  	s1 =	sadd.s32 s1, s3;
	s3 =	sadd.s32 s6, s3;
	s21 =	sadd.s32 $0x1400, s20  }
0xe: {  	s22 =	sadd.s32 $0x2800, s20;
	s23 =	sadd.s32 $0x3C00, s20;
	[dreg:$0x5] =	wrdreg s21  }
0xf: {  	s24 =	sadd.s32 $0x5000, s20;
	s25 =	sadd.s32 $0x6400, s20;
	[dreg:$0x6] =	wrdreg s22  }
0x10: {  	s26 =	sadd.s32 $0x7800, s20;
	s14 =	sadd.s32 $0x8C00, s20;
	[dreg:$0x7] =	wrdreg s23  }
0x11: {  	s15 =	sadd.s32 $0xA000, s20;
	s16 =	sadd.s32 $0xB400, s20;
	[dreg:$0x8] =	wrdreg s24  }
0x12: {  	s20 =	simm.s32 $0x11800;
	s6 =	simm.s32 $0x8;
	[dreg:$0x9] =	wrdreg s25  }
0x13: {  	s19 =	sadd.s32 $0x19C00, s1;
	s1 =	sadd.s32 $0x23C00, s1;
	[dreg:$0xa] =	wrdreg s26  }
0x14: {  	s17 =	sadd.s32 $0x2DC00, s3;
	s21 =	simm.s32 $0x1;
	s22 =	simm.s32 $0x2  }
0x15: {  	s23 =	simm.s32 $0x7D;
	s24 =	simm.s32 $0x12C00;
	s26 =	simm.s32 $0x15310  }
0x16: {  	s25 =	simm.s32 $0xB;
	s3 =	simm.s32 $0x6;
	[dreg:$0x3] =	wrdreg s19  }
0x17: {  	v0 =	vimm.f32 $0.0e+00;
	[dreg:$0x4] =	wrdreg s1;
	s19 =	simm.s32 $0xC800;
	s1 =	simm.s32 $0x5  }
.LBB2_1:
0x18: {  	s11 =	simm.s32 $0x0;
	s12 =	rddreg [dreg:$0x3]  }
0x19: {  	[tilespmem:s19], [sflag:$0x1] =	stream.linear.gather [hbm4b:s12+s11], $0x2800, $0x38;
	[tilespmem:$0x1EF50] =	vst v63  }
0x1a: {  	s13 =	simm.s32 $0xF000;
	s12 =	rddreg [dreg:$0x4]  }
0x1b: {  	[tilespmem:s13], [sflag:$0x2] =	stream.linear.gather [hbm4b:s12+s11], $0x2800, $0x38;
	[tilespmem:$0x1EF50] =	vst v63  }
0x1c: {  	s12 =	simm.s32 $0x140;
	s11 =	simm.s32 $0x0  }
.LBB2_2:
0x1d: {  	p0 =	sne.s32 s12, $0x4EC0;
	[tilespmem:s11+$0x11840] =	vst v0;
	s13 =	smov.u32 s12;
	s12 =	sadd.s32 $0x140, s12  }
.Ltmp0:
0x1e: {  	[tilespmem:s11+$0x11830] =	vst v0;
	(pc) =	sbr.rel @p0 .LBB2_2-.Ltmp0, $4  }
0x1f: {  	[tilespmem:s11+$0x11820] =	vst v0  }
0x20: {  	[tilespmem:s11+$0x11800] =	vst v0  }
0x21: {  	[tilespmem:s11+$0x11810] =	vst v0  }
0x22: {  	s11 =	sshra.s32 s13, $0x2  }
0x23: {  	[tilespmem:s11+$0x11840] =	vst v0  }
0x24: {  	[tilespmem:s11+$0x11830] =	vst v0  }
0x25: {  	[tilespmem:s11+$0x11820] =	vst v0  }
0x26: {  	[tilespmem:s11+$0x11800] =	vst v0  }
0x27: {  	[tilespmem:s11+$0x11810] =	vst v0  }
0x28: {  	_ =	swait.ge [sflag:s21], $0x2800  }
0x29: {  	[sflag:s21] =	ssyncset.done $0x0  }
0x2a: {  	[sflag:s21] =	ssyncadd.s32 $0xFFFFD800  }
0x2b: {  	_ =	swait.ge [sflag:s22], $0x2800  }
0x2c: {  	[sflag:s22] =	ssyncset.done $0x0  }
0x2d: {  	[sflag:s22] =	ssyncadd.s32 $0xFFFFD800  }
0x2e: {  	[tilespmem:s24], [sflag:$0x1] =	stream.indirect.gather [hbm4b:s4+s23], $0x50, s19, s23, $0xb8;
	[tilespmem:$0x1EF50] =	vst v63  }
0x2f: {  	s13 =	simm.s32 $0xC880  }
0x30: {  	[tilespmem:s26], [sflag:$0x2] =	stream.indirect.gather [hbm4b:s4+s23], $0x50, s13, s23, $0xb8;
	[tilespmem:$0x1EF50] =	vst v63  }
0x31: {  	s12 =	simm.s32 $0xC900  }
0x32: {  	[tilespmem:s29], [sflag:$0x3] =	stream.indirect.gather [hbm4b:s4+s23], $0x50, s12, s23, $0xb8;
	[tilespmem:$0x1EF50] =	vst v63  }
0x33: {  	s13 =	simm.s32 $0xC980  }
0x34: {  	[tilespmem:s31], [sflag:$0x4] =	stream.indirect.gather [hbm4b:s4+s23], $0x50, s13, s23, $0xb8;
	[tilespmem:$0x1EF50] =	vst v63  }
0x35: {  	s12 =	simm.s32 $0xCA00  }
0x36: {  	[tilespmem:s0], [sflag:$0x5] =	stream.indirect.gather [hbm4b:s4+s23], $0x50, s12, s23, $0xb8;
	[tilespmem:$0x1EF50] =	vst v63  }
0x37: {  	_ = 	snop  }
0x38: {  	[spmem:s7] =	stream.linear.scatter [tilespmem:s20], [sflag:$0xB], $0x1400, $0x38;
	[tilespmem:$0x1EF50] =	vst v63  }
0x39: {  	_ =	swait.ge [sflag:s25], $0x1400  }
0x3a: {  	[sflag:s25] =	ssyncset.done $0x0  }
0x3b: {  	s13 =	rddreg [dreg:$0x5];
	[sflag:s25] =	ssyncadd.s32 $0xFFFFEC00  }
0x3c: {  	[spmem:s13] =	stream.linear.scatter [tilespmem:s20], [sflag:$0xB], $0x1400, $0x38;
	[tilespmem:$0x1EF50] =	vst v63  }
0x3d: {  	_ =	swait.ge [sflag:s25], $0x1400  }
0x3e: {  	[sflag:s25] =	ssyncset.done $0x0  }
0x3f: {  	s12 =	rddreg [dreg:$0x6];
	[sflag:s25] =	ssyncadd.s32 $0xFFFFEC00  }
0x40: {  	[spmem:s12] =	stream.linear.scatter [tilespmem:s20], [sflag:$0xB], $0x1400, $0x38;
	[tilespmem:$0x1EF50] =	vst v63  }
0x41: {  	_ =	swait.ge [sflag:s25], $0x1400  }
0x42: {  	[sflag:s25] =	ssyncset.done $0x0  }
0x43: {  	s13 =	rddreg [dreg:$0x7];
	[sflag:s25] =	ssyncadd.s32 $0xFFFFEC00  }
0x44: {  	[spmem:s13] =	stream.linear.scatter [tilespmem:s20], [sflag:$0xB], $0x1400, $0x38;
	[tilespmem:$0x1EF50] =	vst v63  }
0x45: {  	_ =	swait.ge [sflag:s25], $0x1400  }
0x46: {  	[sflag:s25] =	ssyncset.done $0x0  }
0x47: {  	s12 =	rddreg [dreg:$0x8];
	[sflag:s25] =	ssyncadd.s32 $0xFFFFEC00  }
0x48: {  	[spmem:s12] =	stream.linear.scatter [tilespmem:s20], [sflag:$0xB], $0x1400, $0x38;
	[tilespmem:$0x1EF50] =	vst v63  }
0x49: {  	_ =	swait.ge [sflag:s25], $0x1400  }
0x4a: {  	[sflag:s25] =	ssyncset.done $0x0  }
0x4b: {  	s13 =	rddreg [dreg:$0x9];
	[sflag:s25] =	ssyncadd.s32 $0xFFFFEC00  }
0x4c: {  	[spmem:s13] =	stream.linear.scatter [tilespmem:s20], [sflag:$0xB], $0x1400, $0x38;
	[tilespmem:$0x1EF50] =	vst v63  }
0x4d: {  	_ =	swait.ge [sflag:s25], $0x1400  }
0x4e: {  	[sflag:s25] =	ssyncset.done $0x0  }
0x4f: {  	s12 =	rddreg [dreg:$0xa];
	[sflag:s25] =	ssyncadd.s32 $0xFFFFEC00  }
0x50: {  	[spmem:s12] =	stream.linear.scatter [tilespmem:s20], [sflag:$0xB], $0x1400, $0x38;
	[tilespmem:$0x1EF50] =	vst v63  }
0x51: {  	_ =	swait.ge [sflag:s25], $0x1400  }
0x52: {  	[sflag:s25] =	ssyncset.done $0x0  }
0x53: {  	[sflag:s25] =	ssyncadd.s32 $0xFFFFEC00  }
0x54: {  	[spmem:s14] =	stream.linear.scatter [tilespmem:s20], [sflag:$0xB], $0x1400, $0x38;
	[tilespmem:$0x1EF50] =	vst v63  }
0x55: {  	_ =	swait.ge [sflag:s25], $0x1400  }
0x56: {  	[sflag:s25] =	ssyncset.done $0x0  }
0x57: {  	[sflag:s25] =	ssyncadd.s32 $0xFFFFEC00  }
0x58: {  	[spmem:s15] =	stream.linear.scatter [tilespmem:s20], [sflag:$0xB], $0x1400, $0x38;
	[tilespmem:$0x1EF50] =	vst v63  }
0x59: {  	_ =	swait.ge [sflag:s25], $0x1400  }
0x5a: {  	[sflag:s25] =	ssyncset.done $0x0  }
0x5b: {  	[sflag:s25] =	ssyncadd.s32 $0xFFFFEC00  }
0x5c: {  	[spmem:s16] =	stream.linear.scatter [tilespmem:s20], [sflag:$0xB], $0x1400, $0x38;
	[tilespmem:$0x1EF50] =	vst v63  }
0x5d: {  	_ =	swait.ge [sflag:s25], $0x1400  }
0x5e: {  	[sflag:s25] =	ssyncset.done $0x0  }
0x5f: {  	[sflag:s25] =	ssyncadd.s32 $0xFFFFEC00  }
0x60: {  	[bflag:$0x0] =	sbarrier.arrive $0xFFFF  }
0x61: {  	_ =	swait.ge [sflag:s21], $0x2710  }
0x62: {  	[sflag:s21] =	ssyncset.done $0x0  }
0x63: {  	s13 =	simm.s32 $0xF000;
	[sflag:s21] =	ssyncadd.s32 $0xFFFFD8F0  }
0x64: {  	[spmem:s2] =	stream.indirect.scatter.add.f32 [tilespmem:s24], [sflag:$0x6], $0x50, s13, s23, $0xb8;
	[tilespmem:$0x1EF50] =	vst v63  }
0x65: {  	_ =	swait.ge [sflag:s22], $0x2710  }
0x66: {  	[sflag:s22] =	ssyncset.done $0x0  }
0x67: {  	s12 =	simm.s32 $0xF080;
	[sflag:s22] =	ssyncadd.s32 $0xFFFFD8F0  }
0x68: {  	[spmem:s2] =	stream.indirect.scatter.add.f32 [tilespmem:s26], [sflag:$0x7], $0x50, s12, s23, $0xb8;
	[tilespmem:$0x1EF50] =	vst v63  }
0x69: {  	_ =	swait.ge [sflag:s28], $0x2710  }
0x6a: {  	[sflag:s28] =	ssyncset.done $0x0  }
0x6b: {  	s13 =	simm.s32 $0xF100;
	[sflag:s28] =	ssyncadd.s32 $0xFFFFD8F0  }
0x6c: {  	[spmem:s2] =	stream.indirect.scatter.add.f32 [tilespmem:s29], [sflag:$0x8], $0x50, s13, s23, $0xb8;
	[tilespmem:$0x1EF50] =	vst v63  }
0x6d: {  	_ =	swait.ge [sflag:s30], $0x2710  }
0x6e: {  	[sflag:s30] =	ssyncset.done $0x0  }
0x6f: {  	s12 =	simm.s32 $0xF180;
	[sflag:s30] =	ssyncadd.s32 $0xFFFFD8F0  }
0x70: {  	[spmem:s2] =	stream.indirect.scatter.add.f32 [tilespmem:s31], [sflag:$0x9], $0x50, s12, s23, $0xb8;
	[tilespmem:$0x1EF50] =	vst v63  }
0x71: {  	_ =	swait.ge [sflag:s1], $0x2710  }
0x72: {  	[sflag:s1] =	ssyncset.done $0x0  }
0x73: {  	s13 =	simm.s32 $0xF200;
	[sflag:s1] =	ssyncadd.s32 $0xFFFFD8F0  }
0x74: {  	[spmem:s2] =	stream.indirect.scatter.add.f32 [tilespmem:s0], [sflag:$0xA], $0x50, s13, s23, $0xb8;
	[tilespmem:$0x1EF50] =	vst v63  }
0x75: {  	_ =	swait.ge [sflag:s3], $0x2710  }
0x76: {  	[sflag:s3] =	ssyncset.done $0x0  }
0x77: {  	s12 =	simm.s32 $0xCA80;
	[sflag:s3] =	ssyncadd.s32 $0xFFFFD8F0  }
0x78: {  	[tilespmem:s24], [sflag:$0x1] =	stream.indirect.gather [hbm4b:s4+s23], $0x50, s12, s23, $0xb8;
	[tilespmem:$0x1EF50] =	vst v63  }
0x79: {  	_ =	swait.ge [sflag:s5], $0x2710  }
0x7a: {  	[sflag:s5] =	ssyncset.done $0x0  }
0x7b: {  	s13 =	simm.s32 $0xCB00;
	[sflag:s5] =	ssyncadd.s32 $0xFFFFD8F0  }
0x7c: {  	[tilespmem:s26], [sflag:$0x2] =	stream.indirect.gather [hbm4b:s4+s23], $0x50, s13, s23, $0xb8;
	[tilespmem:$0x1EF50] =	vst v63  }
0x7d: {  	_ =	swait.ge [sflag:s6], $0x2710  }
0x7e: {  	[sflag:s6] =	ssyncset.done $0x0  }
0x7f: {  	s12 =	simm.s32 $0xCB80;
	[sflag:s6] =	ssyncadd.s32 $0xFFFFD8F0  }
0x80: {  	[tilespmem:s29], [sflag:$0x3] =	stream.indirect.gather [hbm4b:s4+s23], $0x50, s12, s23, $0xb8;
	[tilespmem:$0x1EF50] =	vst v63  }
0x81: {  	_ =	swait.ge [sflag:s8], $0x2710  }
0x82: {  	[sflag:s8] =	ssyncset.done $0x0  }
0x83: {  	s13 =	simm.s32 $0xCC00;
	[sflag:s8] =	ssyncadd.s32 $0xFFFFD8F0  }
0x84: {  	[tilespmem:s31], [sflag:$0x4] =	stream.indirect.gather [hbm4b:s4+s23], $0x50, s13, s23, $0xb8;
	[tilespmem:$0x1EF50] =	vst v63  }
0x85: {  	_ =	swait.ge [sflag:s9], $0x2710  }
0x86: {  	[sflag:s9] =	ssyncset.done $0x0  }
0x87: {  	s11 =	simm.s32 $0xA00;
	s12 =	simm.s32 $0xCC80;
	[sflag:s9] =	ssyncadd.s32 $0xFFFFD8F0  }
.LBB2_4:
0x88: {  	[tilespmem:s0], [sflag:$0x5] =	stream.indirect.gather [hbm4b:s4+s23], $0x50, s12, s23, $0xb8;
	[tilespmem:$0x1EF50] =	vst v63  }
0x89: {  	s12 =	smov.u32 s11  }
0x8a: {  	p0 =	sne.s32 s11, $0x8C00;
	s11 =	sadd.s32 $0xA00, s11;
	_ =	swait.ge [sflag:s21], $0x2710  }
0x8b: {  	s12 =	sshra.s32 s12, $0x2;
	[sflag:s21] =	ssyncset.done $0x0  }
0x8c: {  	s13 =	sadd.s32 $0xF000, s12;
	[sflag:s21] =	ssyncadd.s32 $0xFFFFD8F0  }
0x8d: {  	[spmem:s2] =	stream.indirect.scatter.add.f32 [tilespmem:s24], [sflag:$0x6], $0x50, s13, s23, $0xb8;
	[tilespmem:$0x1EF50] =	vst v63  }
0x8e: {  	_ =	swait.ge [sflag:s22], $0x2710  }
0x8f: {  	[sflag:s22] =	ssyncset.done $0x0  }
0x90: {  	s13 =	sadd.s32 $0xF080, s12;
	[sflag:s22] =	ssyncadd.s32 $0xFFFFD8F0  }
0x91: {  	[spmem:s2] =	stream.indirect.scatter.add.f32 [tilespmem:s26], [sflag:$0x7], $0x50, s13, s23, $0xb8;
	[tilespmem:$0x1EF50] =	vst v63  }
0x92: {  	_ =	swait.ge [sflag:s28], $0x2710  }
0x93: {  	[sflag:s28] =	ssyncset.done $0x0  }
0x94: {  	s13 =	sadd.s32 $0xF100, s12;
	[sflag:s28] =	ssyncadd.s32 $0xFFFFD8F0  }
0x95: {  	[spmem:s2] =	stream.indirect.scatter.add.f32 [tilespmem:s29], [sflag:$0x8], $0x50, s13, s23, $0xb8;
	[tilespmem:$0x1EF50] =	vst v63  }
0x96: {  	_ =	swait.ge [sflag:s30], $0x2710  }
0x97: {  	[sflag:s30] =	ssyncset.done $0x0  }
0x98: {  	s13 =	sadd.s32 $0xF180, s12;
	[sflag:s30] =	ssyncadd.s32 $0xFFFFD8F0  }
0x99: {  	[spmem:s2] =	stream.indirect.scatter.add.f32 [tilespmem:s31], [sflag:$0x9], $0x50, s13, s23, $0xb8;
	[tilespmem:$0x1EF50] =	vst v63  }
0x9a: {  	_ =	swait.ge [sflag:s1], $0x2710  }
0x9b: {  	[sflag:s1] =	ssyncset.done $0x0  }
0x9c: {  	s13 =	sadd.s32 $0xF200, s12;
	[sflag:s1] =	ssyncadd.s32 $0xFFFFD8F0  }
0x9d: {  	[spmem:s2] =	stream.indirect.scatter.add.f32 [tilespmem:s0], [sflag:$0xA], $0x50, s13, s23, $0xb8;
	[tilespmem:$0x1EF50] =	vst v63  }
0x9e: {  	_ =	swait.ge [sflag:s3], $0x2710  }
0x9f: {  	[sflag:s3] =	ssyncset.done $0x0  }
0xa0: {  	s13 =	sadd.s32 $0xCA80, s12;
	[sflag:s3] =	ssyncadd.s32 $0xFFFFD8F0  }
0xa1: {  	[tilespmem:s24], [sflag:$0x1] =	stream.indirect.gather [hbm4b:s4+s23], $0x50, s13, s23, $0xb8;
	[tilespmem:$0x1EF50] =	vst v63  }
0xa2: {  	_ =	swait.ge [sflag:s5], $0x2710  }
0xa3: {  	[sflag:s5] =	ssyncset.done $0x0  }
0xa4: {  	s13 =	sadd.s32 $0xCB00, s12;
	[sflag:s5] =	ssyncadd.s32 $0xFFFFD8F0  }
0xa5: {  	[tilespmem:s26], [sflag:$0x2] =	stream.indirect.gather [hbm4b:s4+s23], $0x50, s13, s23, $0xb8;
	[tilespmem:$0x1EF50] =	vst v63  }
0xa6: {  	_ =	swait.ge [sflag:s6], $0x2710  }
0xa7: {  	[sflag:s6] =	ssyncset.done $0x0  }
0xa8: {  	s13 =	sadd.s32 $0xCB80, s12;
	[sflag:s6] =	ssyncadd.s32 $0xFFFFD8F0  }
0xa9: {  	[tilespmem:s29], [sflag:$0x3] =	stream.indirect.gather [hbm4b:s4+s23], $0x50, s13, s23, $0xb8;
	[tilespmem:$0x1EF50] =	vst v63  }
0xaa: {  	_ =	swait.ge [sflag:s8], $0x2710  }
0xab: {  	[sflag:s8] =	ssyncset.done $0x0  }
.Ltmp1:
0xac: {  	s13 =	sadd.s32 $0xCC00, s12;
	[sflag:s8] =	ssyncadd.s32 $0xFFFFD8F0;
	(pc) =	sbr.rel @p0 .LBB2_4-.Ltmp1, $4  }
0xad: {  	[tilespmem:s31], [sflag:$0x4] =	stream.indirect.gather [hbm4b:s4+s23], $0x50, s13, s23, $0xb8;
	[tilespmem:$0x1EF50] =	vst v63  }
0xae: {  	_ =	swait.ge [sflag:s9], $0x2710  }
0xaf: {  	[sflag:s9] =	ssyncset.done $0x0  }
0xb0: {  	s12 =	sadd.s32 $0xCC80, s12;
	[sflag:s9] =	ssyncadd.s32 $0xFFFFD8F0  }
0xb1: {  	[tilespmem:s0], [sflag:$0x5] =	stream.indirect.gather [hbm4b:s4+s23], $0x50, s12, s23, $0xb8;
	[tilespmem:$0x1EF50] =	vst v63  }
0xb2: {  	_ =	swait.ge [sflag:s21], $0x2710  }
0xb3: {  	[sflag:s21] =	ssyncset.done $0x0  }
0xb4: {  	s11 =	simm.s32 $0x11580;
	[sflag:s21] =	ssyncadd.s32 $0xFFFFD8F0  }
0xb5: {  	[spmem:s2] =	stream.indirect.scatter.add.f32 [tilespmem:s24], [sflag:$0x6], $0x50, s11, s23, $0xb8;
	[tilespmem:$0x1EF50] =	vst v63  }
0xb6: {  	_ =	swait.ge [sflag:s22], $0x2710  }
0xb7: {  	[sflag:s22] =	ssyncset.done $0x0  }
0xb8: {  	s12 =	simm.s32 $0x11600;
	[sflag:s22] =	ssyncadd.s32 $0xFFFFD8F0  }
0xb9: {  	[spmem:s2] =	stream.indirect.scatter.add.f32 [tilespmem:s26], [sflag:$0x7], $0x50, s12, s23, $0xb8;
	[tilespmem:$0x1EF50] =	vst v63  }
0xba: {  	_ =	swait.ge [sflag:s28], $0x2710  }
0xbb: {  	[sflag:s28] =	ssyncset.done $0x0  }
0xbc: {  	s13 =	simm.s32 $0x11680;
	[sflag:s28] =	ssyncadd.s32 $0xFFFFD8F0  }
0xbd: {  	[spmem:s2] =	stream.indirect.scatter.add.f32 [tilespmem:s29], [sflag:$0x8], $0x50, s13, s23, $0xb8;
	[tilespmem:$0x1EF50] =	vst v63  }
0xbe: {  	_ =	swait.ge [sflag:s30], $0x2710  }
0xbf: {  	[sflag:s30] =	ssyncset.done $0x0  }
0xc0: {  	s12 =	simm.s32 $0x11700;
	[sflag:s30] =	ssyncadd.s32 $0xFFFFD8F0  }
0xc1: {  	[spmem:s2] =	stream.indirect.scatter.add.f32 [tilespmem:s31], [sflag:$0x9], $0x50, s12, s23, $0xb8;
	[tilespmem:$0x1EF50] =	vst v63  }
0xc2: {  	_ =	swait.ge [sflag:s1], $0x2710  }
0xc3: {  	[sflag:s1] =	ssyncset.done $0x0  }
0xc4: {  	s13 =	simm.s32 $0x11780;
	[sflag:s1] =	ssyncadd.s32 $0xFFFFD8F0  }
0xc5: {  	[spmem:s2] =	stream.indirect.scatter.add.f32 [tilespmem:s0], [sflag:$0xA], $0x50, s13, s23, $0xb8;
	[tilespmem:$0x1EF50] =	vst v63  }
0xc6: {  	_ =	swait.ge [sflag:s3], $0x2710  }
0xc7: {  	[sflag:s3] =	ssyncset.done $0x0  }
0xc8: {  	[sflag:s3] =	ssyncadd.s32 $0xFFFFD8F0  }
0xc9: {  	_ =	swait.ge [sflag:s5], $0x2710  }
0xca: {  	[sflag:s5] =	ssyncset.done $0x0  }
0xcb: {  	[sflag:s5] =	ssyncadd.s32 $0xFFFFD8F0  }
0xcc: {  	_ =	swait.ge [sflag:s6], $0x2710  }
0xcd: {  	[sflag:s6] =	ssyncset.done $0x0  }
0xce: {  	[sflag:s6] =	ssyncadd.s32 $0xFFFFD8F0  }
0xcf: {  	_ =	swait.ge [sflag:s8], $0x2710  }
0xd0: {  	[sflag:s8] =	ssyncset.done $0x0  }
0xd1: {  	[sflag:s8] =	ssyncadd.s32 $0xFFFFD8F0  }
0xd2: {  	s12 =	stileid.u32;
	_ =	swait.ge [sflag:s9], $0x2710  }
0xd3: {  	s10 =	sadd.s32 $0x1, s10;
	s11 =	sshll.u32 s12, $0x6;
	[sflag:s9] =	ssyncset.done $0x0  }
0xd4: {  	p0 =	sne.s32 s10, s18;
	s11 =	sor.u32 $0x1C0B, s11;
	[sflag:s9] =	ssyncadd.s32 $0xFFFFD8F0  }
.Ltmp2:
0xd5: {  	s13 =	sshrl.u32 s7, $0x3;
	[bflag:$0x0] =	sbarrier.arrive $0xFFFF;
	(pc) =	sbr.rel @p0 .LBB2_1-.Ltmp2, $4  }
0xd6: {  	[hbm:s17], [sflag:s11] =	dma.local [spmem:s13], $0x1900  }
0xd7: {  	_ =	swait.ge [sflag:s25], $0x1900  }
0xd8: {  	[sflag:s25] =	ssyncset.done $0x0  }
0xd9: {  	[sflag:s25] =	ssyncadd.s32 $0xFFFFE700  }
0xda: {  	_ =	sfence.sel $0x180000  }
0xdb: {  	[bflag:$0x0] =	sbarrier.arrive $0xFFFF  }
0xdc: {  	_ =	strace $0x90000047  }
0xdd: {  	s0 =	stileid.u32;
	[bflag:$0x2] =	sbarrier.arrive $0xFFFF  }
0xde: {  	p0 =	sne.s32 s0, $0x0;
	s0 =	rddreg [dreg:$0x2]  }
0xdf: {  	s0 =	sadd.s32 @!p0 $0x100000, s0  }
0xe0: {  	[sflag:s0] =	ssyncadd.tile.s32 @!p0 $0x1;
	_ =	shalt  }
.Lfunc_end2:
_tile_overlayer_lowered:
.L_overlay_start_2:
0xe1: {  	(tag) =	ssettag $0x2  }
0xe2: {  	s0 =	rddreg [dreg:$0x0];
	s2 =	stileid.u32  }
0xe3: {  	s1 =	rddreg [dreg:$0x1];
	p0 =	sne.s32 s2, $0x0  }
0xe4: {  	s3 =	rddreg [dreg:$0x2];
	[bflag:$0x3] =	sbarrier.arrive $0xFFFF;
	s2 =	simm.s32 @!p0 $0x1C0B  }
0xe5: {  	[timem:s3], [sflag:s2] =	dma.local @!p0 [hbm:s0], s1  }
0xe6: {  	s0 =	simm.s32 @!p0 $0xB  }
0xe7: {  	_ =	swait.ge @!p0 [sflag:s0], s1  }
0xe8: {  	s1 =	ssub.s32 @!p0 $0x0, s1;
	[sflag:s0] =	ssyncset.done @!p0 $0x0  }
0xe9: {  	[sflag:s0] =	ssyncadd.s32 @!p0 s1  }
0xea: {  	[bflag:$0x3] =	sbarrier.arrive $0xFFFF  }
0xeb: {  	_ =	shalt  }

</sc_bundles>
